<compile_context>
chip_gen: v7x
topology: tpu7x:2x2x1
jax: 0.10.2.dev20260603
libtpu: 0.0.44.dev20260713+nightly
codegen_flags: <defaults>
</compile_context>

<pallas_src>
import functools
import jax
import jax.numpy as jnp
from jax import lax
from jax.experimental import pallas as pl
from jax.experimental.pallas import tpu as pltpu
from jax.experimental.pallas import tpu_sc as plsc

N = 10000
E = 320000
D = 128
NC = 2
NS = 16
NW = NC * NS
CHUNK = 128
CPT = 80
NBUF = 2
E_PAD = NW * CPT * CHUNK
N_PAD = 10112
RPT = N_PAD // NS
X_PAD = 10240
OUT = 7
BN_EPS = 1e-5


@functools.cache
def _make_sc_segsum():
    mesh = plsc.VectorSubcoreMesh(core_axis_name="c", subcore_axis_name="s",
                                  num_cores=NC, num_subcores=NS)

    @functools.partial(
        pl.kernel,
        out_type=jax.ShapeDtypeStruct((NC, N_PAD, D), jnp.float32),
        mesh=mesh,
        scratch_types=[
            pltpu.VMEM((CPT, CHUNK), jnp.int32),
            pltpu.VMEM((NBUF, CHUNK), jnp.int32),
            pltpu.VMEM((NBUF, CHUNK), jnp.int32),
            pltpu.VMEM((NBUF, CHUNK, D), jnp.float32),
            pltpu.VMEM_SHARED((N_PAD, D), jnp.float32),
            pltpu.SemaphoreType.DMA((NBUF,)),
            pltpu.SemaphoreType.DMA((NBUF,)),
        ],
    )
    def sc_segsum(x_hbm, pck_hbm, zero_hbm, out_hbm,
                  pck_v, src_v, dst_v, rows_v, acc, gsem, ssem):
        c = lax.axis_index("c")
        s = lax.axis_index("s")
        wid = s * NC + c
        pltpu.sync_copy(zero_hbm.at[pl.ds(s * RPT, RPT)],
                        acc.at[pl.ds(s * RPT, RPT)])
        pltpu.sync_copy(pck_hbm.at[wid], pck_v)
        plsc.subcore_barrier()

        def unpack(j, b):
            for k in range(CHUNK // 16):
                v = pck_v[j, pl.ds(16 * k, 16)]
                src_v[b, pl.ds(16 * k, 16)] = lax.bitwise_and(v, 0xFFFF)
                dst_v[b, pl.ds(16 * k, 16)] = lax.shift_right_logical(v, 16)

        def gather(b):
            pltpu.async_copy(x_hbm.at[src_v.at[b]], rows_v.at[b], gsem.at[b])

        def gather_wait(b):
            pltpu.make_async_copy(x_hbm.at[src_v.at[b]], rows_v.at[b],
                                  gsem.at[b]).wait()

        def scatter(b):
            pltpu.async_copy(rows_v.at[b], acc.at[dst_v.at[b]], ssem.at[b],
                             add=True)

        def scatter_wait(b):
            pltpu.make_async_copy(rows_v.at[b], acc.at[dst_v.at[b]],
                                  ssem.at[b]).wait()

        for b in range(NBUF):
            unpack(b, b)
            gather(b)

        @pl.loop(0, CPT, step=NBUF)
        def _chunk(j0):
            for b in range(NBUF):
                gather_wait(b)
                scatter(b)
            for b in range(NBUF):
                jn = j0 + b + NBUF

                @pl.when(jn < CPT)
                def _():
                    scatter_wait(b)
                    unpack(jn, b)
                    gather(b)

        for b in range(NBUF):
            scatter_wait(b)

        plsc.subcore_barrier()
        pltpu.sync_copy(acc.at[pl.ds(s * RPT, RPT)],
                        out_hbm.at[c, pl.ds(s * RPT, RPT)])

    return sc_segsum


def _sc_segsum(x, pck, zeros_pad):
    return _make_sc_segsum()(x, pck, zeros_pad)



BLP = 1024


def _row_mask(i, val):
    rows = lax.broadcasted_iota(jnp.int32, val.shape, 0) + i * BLP
    return jnp.where(rows < N, val, 0.0)


def _pre_body(d_ref, w1p_ref, b1_ref, w2_ref, b2_ref, w3p_ref, b3_ref,
              w4_ref, b4_ref, o_ref):
    d = d_ref[...]
    a = jnp.maximum(jnp.dot(d, w1p_ref[...], preferred_element_type=jnp.float32)
                    + b1_ref[...], 0.0)
    x2 = jnp.maximum(jnp.dot(a, w2_ref[...], preferred_element_type=jnp.float32)
                     + b2_ref[...], 0.0)
    i1 = jnp.maximum(
        jnp.dot(d.astype(jnp.bfloat16), w3p_ref[...].astype(jnp.bfloat16),
                preferred_element_type=jnp.float32)
        + b3_ref[...], 0.0)
    i2 = jnp.maximum(jnp.dot(i1, w4_ref[...], preferred_element_type=jnp.float32)
                     + b4_ref[...], 0.0)
    o_ref[...] = _row_mask(pl.program_id(0), jnp.concatenate((i2, x2), axis=1))


def _pre_mlp(data, w1p, b1, w2, b2, w3p, b3, w4, b4):
    grid = (X_PAD // BLP,)
    return pl.pallas_call(
        _pre_body,
        grid=grid,
        in_specs=[
            pl.BlockSpec((BLP, 1024), lambda i: (i, 0)),
            pl.BlockSpec((1024, 16), lambda i: (0, 0)),
            pl.BlockSpec((1, 16), lambda i: (0, 0)),
            pl.BlockSpec((16, 64), lambda i: (0, 0)),
            pl.BlockSpec((1, 64), lambda i: (0, 0)),
            pl.BlockSpec((1024, 256), lambda i: (0, 0)),
            pl.BlockSpec((1, 256), lambda i: (0, 0)),
            pl.BlockSpec((256, 64), lambda i: (0, 0)),
            pl.BlockSpec((1, 64), lambda i: (0, 0)),
        ],
        out_specs=pl.BlockSpec((BLP, D), lambda i: (i, 0)),
        out_shape=jax.ShapeDtypeStruct((X_PAD, D), jnp.float32),
    )(data, w1p, b1, w2, b2, w3p, b3, w4, b4)


EROWS = E // CHUNK
EROWS_PAD = E_PAD // CHUNK
EBL = EROWS_PAD // 8


def _pck_body(e_ref, o_ref):
    i = pl.program_id(0)
    src = e_ref[0]
    dst = e_ref[1]
    pos = ((lax.broadcasted_iota(jnp.int32, src.shape, 0) + i * EBL) * CHUNK
           + lax.broadcasted_iota(jnp.int32, src.shape, 1))
    pad_src = N + pos % (X_PAD - N)
    pad_dst = pos % N
    src = jnp.where(pos < E, src, pad_src)
    dst = jnp.where(pos < E, dst, pad_dst)
    o_ref[...] = jnp.bitwise_or(src, jnp.left_shift(dst, 16))


def _pck_pack(edge_index):
    return pl.pallas_call(
        _pck_body,
        grid=(8,),
        in_specs=[pl.BlockSpec((2, EBL, CHUNK), lambda i: (0, i, 0))],
        out_specs=pl.BlockSpec((EBL, CHUNK), lambda i: (i, 0)),
        out_shape=jax.ShapeDtypeStruct((EROWS_PAD, CHUNK), jnp.int32),
    )(edge_index.reshape(2, EROWS, CHUNK))


def _bn(t, st_ref, gamma_ref, beta_ref):
    mean = st_ref[0:1, :] * (1.0 / N)
    var = st_ref[1:2, :] * (1.0 / N) - mean * mean
    inv = lax.rsqrt(var + BN_EPS)
    return (t - mean) * inv * gamma_ref[...] + beta_ref[...]


def _gin_phase0(j, x_ref, p0_ref, p1_ref, w1_ref, b1_ref, t_buf, st_ref):
    h = x_ref[...] + p0_ref[0] + p1_ref[0]
    t = jnp.dot(h, w1_ref[...], preferred_element_type=jnp.float32) + b1_ref[...]
    t = _row_mask(j, t)
    t_buf[pl.ds(j * BLP, BLP), :] = t

    @pl.when(j == 0)
    def _():
        st_ref[...] = jnp.zeros_like(st_ref)

    s1 = jnp.sum(t, axis=0, keepdims=True)
    s2 = jnp.sum(t * t, axis=0, keepdims=True)
    st_ref[...] += jnp.concatenate((s1, s2, jnp.zeros((6, D), jnp.float32)),
                                   axis=0)


def _gin_fused_body(x_ref, p0_ref, p1_ref, w1_ref, b1_ref, g_ref, be_ref,
                    w2_ref, b2_ref, r_ref, o_ref, t_buf, st_ref):
    ph = pl.program_id(0)
    j = pl.program_id(1)

    @pl.when(ph == 0)
    def _():
        _gin_phase0(j, x_ref, p0_ref, p1_ref, w1_ref, b1_ref, t_buf, st_ref)

    @pl.when(ph == 1)
    def _():
        t = t_buf[pl.ds(j * BLP, BLP), :]
        tn = jnp.maximum(_bn(t, st_ref, g_ref, be_ref), 0.0)
        o = (jnp.dot(tn, w2_ref[...], preferred_element_type=jnp.float32)
             + b2_ref[...] + r_ref[...])
        o_ref[...] = _row_mask(j, o)


def _gin_fused(x, parts, w1, b1, gamma, beta, w2, b2, res):
    grid = (2, X_PAD // BLP)
    return pl.pallas_call(
        _gin_fused_body,
        grid=grid,
        in_specs=[
            pl.BlockSpec((BLP, D), lambda i, j: (j * (1 - i), 0)),
            pl.BlockSpec((1, BLP, D), lambda i, j: (0, j * (1 - i), 0)),
            pl.BlockSpec((1, BLP, D), lambda i, j: (1, j * (1 - i), 0)),
            pl.BlockSpec((D, D), lambda i, j: (0, 0)),
            pl.BlockSpec((1, D), lambda i, j: (0, 0)),
            pl.BlockSpec((1, D), lambda i, j: (0, 0)),
            pl.BlockSpec((1, D), lambda i, j: (0, 0)),
            pl.BlockSpec((D, D), lambda i, j: (0, 0)),
            pl.BlockSpec((1, D), lambda i, j: (0, 0)),
            pl.BlockSpec((BLP, D), lambda i, j: (j * i, 0)),
        ],
        out_specs=pl.BlockSpec((BLP, D), lambda i, j: (j * i, 0)),
        out_shape=jax.ShapeDtypeStruct((X_PAD, D), jnp.float32),
        scratch_shapes=[
            pltpu.VMEM((X_PAD, D), jnp.float32),
            pltpu.VMEM((8, D), jnp.float32),
        ],
    )(x, parts, parts, w1, b1, gamma, beta, w2, b2, res)


def _final_fused_body(x_ref, p0_ref, p1_ref, w1_ref, b1_ref, g_ref, be_ref,
                      w2_ref, b2_ref, r0_ref, r1_ref, wp1_ref, bp1_ref,
                      wp2_ref, bp2_ref, o_ref, t_buf, st_ref):
    ph = pl.program_id(0)
    j = pl.program_id(1)

    @pl.when(ph == 0)
    def _():
        _gin_phase0(j, x_ref, p0_ref, p1_ref, w1_ref, b1_ref, t_buf, st_ref)

    @pl.when(ph == 1)
    def _():
        t = t_buf[pl.ds(j * BLP, BLP), :]
        tn = jnp.maximum(_bn(t, st_ref, g_ref, be_ref), 0.0)
        g1 = (jnp.dot(tn, w2_ref[...], preferred_element_type=jnp.float32)
              + b2_ref[...] + r0_ref[...] + r1_ref[...])
        a = jnp.maximum(jnp.dot(g1, wp1_ref[...],
                                preferred_element_type=jnp.float32)
                        + bp1_ref[...], 0.0)
        o = (jnp.dot(a, wp2_ref[...], preferred_element_type=jnp.float32)
             + bp2_ref[...])
        m = jnp.max(o, axis=1, keepdims=True)
        z = o - m
        lse = jnp.log(jnp.sum(jnp.exp(z), axis=1, keepdims=True))
        o_ref[...] = (z - lse)[:, :OUT]


def _final_fused(x, parts, w1, b1, gamma, beta, w2, b2, res0, res1,
                 wp1, bp1, wp2p, bp2p):
    grid = (2, X_PAD // BLP)
    return pl.pallas_call(
        _final_fused_body,
        grid=grid,
        in_specs=[
            pl.BlockSpec((BLP, D), lambda i, j: (j * (1 - i), 0)),
            pl.BlockSpec((1, BLP, D), lambda i, j: (0, j * (1 - i), 0)),
            pl.BlockSpec((1, BLP, D), lambda i, j: (1, j * (1 - i), 0)),
            pl.BlockSpec((D, D), lambda i, j: (0, 0)),
            pl.BlockSpec((1, D), lambda i, j: (0, 0)),
            pl.BlockSpec((1, D), lambda i, j: (0, 0)),
            pl.BlockSpec((1, D), lambda i, j: (0, 0)),
            pl.BlockSpec((D, D), lambda i, j: (0, 0)),
            pl.BlockSpec((1, D), lambda i, j: (0, 0)),
            pl.BlockSpec((BLP, D), lambda i, j: (j * i, 0)),
            pl.BlockSpec((BLP, D), lambda i, j: (j * i, 0)),
            pl.BlockSpec((D, 32), lambda i, j: (0, 0)),
            pl.BlockSpec((1, 32), lambda i, j: (0, 0)),
            pl.BlockSpec((32, D), lambda i, j: (0, 0)),
            pl.BlockSpec((1, D), lambda i, j: (0, 0)),
        ],
        out_specs=pl.BlockSpec((BLP, OUT), lambda i, j: (j * i, 0)),
        out_shape=jax.ShapeDtypeStruct((N, OUT), jnp.float32),
        scratch_shapes=[
            pltpu.VMEM((X_PAD, D), jnp.float32),
            pltpu.VMEM((8, D), jnp.float32),
        ],
    )(x, parts, parts, w1, b1, gamma, beta, w2, b2, res0, res1,
      wp1, bp1, wp2p, bp2p)



def kernel(data, edge_index,
           w_pre1, b_pre1, w_pre2, b_pre2, w_pre3, b_pre3, w_pre4, b_pre4,
           w_post1, b_post1, w_post2, b_post2,
           gin0_w1, gin0_b1, gin0_gamma, gin0_beta, gin0_w2, gin0_b2,
           gin1_w1, gin1_b1, gin1_gamma, gin1_beta, gin1_w2, gin1_b2):
    f32 = jnp.float32
    w1p = jnp.zeros((1024, 16), f32).at[1022:, :].set(w_pre1)
    w3p = jnp.zeros((1024, 256), f32).at[:1022, :].set(w_pre3)
    wp2p = jnp.zeros((32, D), f32).at[:, :7].set(w_post2)
    bp2p = jnp.full((D,), -1e30, f32).at[:7].set(b_post2).reshape(1, D)

    row = lambda b: b.reshape(1, -1)

    new_x = _pre_mlp(data, w1p, row(b_pre1), w_pre2, row(b_pre2),
                     w3p, row(b_pre3), w_pre4, row(b_pre4))

    pck = _pck_pack(edge_index).reshape(NW, CPT, CHUNK)
    zeros_pad = jnp.zeros((N_PAD, D), f32)

    parts0 = _sc_segsum(new_x, pck, zeros_pad)
    g0 = _gin_fused(new_x, parts0, gin0_w1, row(gin0_b1), row(gin0_gamma),
                    row(gin0_beta), gin0_w2, row(gin0_b2), new_x)

    parts1 = _sc_segsum(g0, pck, zeros_pad)
    return _final_fused(g0, parts1, gin1_w1, row(gin1_b1), row(gin1_gamma),
                        row(gin1_beta), gin1_w2, row(gin1_b2), g0, new_x,
                        w_post1, row(b_post1), wp2p, bp2p)

# --- scband reference (transcript-rebuilt; emitter-appended) ---
"""Pipeline reference for scband-struc-fea-gnn-8254927143320 (READ-ONLY COPY).

The authoritative reference and input builder live on the scoring server;
editing this copy changes nothing except your own understanding.
"""

import jax, jax.numpy as jnp
import numpy as np

N_NODES = 10000
N_EDGES = 320000
INPUT_DIM = 1024
CONCAT_FEA = 2
OUT_DIM = 7


def _init_linear(key, fan_in, fan_out):
    k1, k2 = jax.random.split(key)
    lim = 1.0 / np.sqrt(fan_in)
    W = jax.random.uniform(k1, (fan_in, fan_out), minval=-lim, maxval=lim, dtype=jnp.float32)
    b = jax.random.uniform(k2, (fan_out,), minval=-lim, maxval=lim, dtype=jnp.float32)
    return W, b


def setup_inputs(seed: int = 0) -> dict:
    key = jax.random.key(seed)
    ks = jax.random.split(key, 16)
    data = jax.random.normal(ks[0], (N_NODES, INPUT_DIM), dtype=jnp.float32)
    edge_index = jax.random.randint(ks[1], (2, N_EDGES), 0, N_NODES, dtype=jnp.int64 if jax.config.jax_enable_x64 else jnp.int32).astype(jnp.int32)
    w_pre1, b_pre1 = _init_linear(ks[2], CONCAT_FEA, 16)
    w_pre2, b_pre2 = _init_linear(ks[3], 16, 64)
    w_pre3, b_pre3 = _init_linear(ks[4], INPUT_DIM - CONCAT_FEA, 256)
    w_pre4, b_pre4 = _init_linear(ks[5], 256, 64)
    w_post1, b_post1 = _init_linear(ks[6], 128, 32)
    w_post2, b_post2 = _init_linear(ks[7], 32, OUT_DIM)
    gin0_w1, gin0_b1 = _init_linear(ks[8], 128, 128)
    gin0_w2, gin0_b2 = _init_linear(ks[9], 128, 128)
    gin1_w1, gin1_b1 = _init_linear(ks[10], 128, 128)
    gin1_w2, gin1_b2 = _init_linear(ks[11], 128, 128)
    gin0_gamma = jnp.ones((128,), jnp.float32)
    gin0_beta = jnp.zeros((128,), jnp.float32)
    gin1_gamma = jnp.ones((128,), jnp.float32)
    gin1_beta = jnp.zeros((128,), jnp.float32)
    return {
        'data': data, 'edge_index': edge_index,
        'w_pre1': w_pre1, 'b_pre1': b_pre1, 'w_pre2': w_pre2, 'b_pre2': b_pre2,
        'w_pre3': w_pre3, 'b_pre3': b_pre3, 'w_pre4': w_pre4, 'b_pre4': b_pre4,
        'w_post1': w_post1, 'b_post1': b_post1, 'w_post2': w_post2, 'b_post2': b_post2,
        'gin0_w1': gin0_w1, 'gin0_b1': gin0_b1, 'gin0_gamma': gin0_gamma, 'gin0_beta': gin0_beta,
        'gin0_w2': gin0_w2, 'gin0_b2': gin0_b2,
        'gin1_w1': gin1_w1, 'gin1_b1': gin1_b1, 'gin1_gamma': gin1_gamma, 'gin1_beta': gin1_beta,
        'gin1_w2': gin1_w2, 'gin1_b2': gin1_b2,
    }


def _batchnorm(x, gamma, beta, eps=1e-5):
    mean = jnp.mean(x, axis=0, keepdims=True)
    var = jnp.var(x, axis=0, keepdims=True)
    return (x - mean) / jnp.sqrt(var + eps) * gamma + beta


def _gin_conv(x, edge_index, w1, b1, gamma, beta, w2, b2):
    src = edge_index[0]
    dst = edge_index[1]
    msgs = jnp.take(x, src, axis=0)
    agg = jax.ops.segment_sum(msgs, dst, num_segments=x.shape[0])
    h = (1.0 + 0.0) * x + agg
    h = h @ w1 + b1
    h = _batchnorm(h, gamma, beta)
    h = jax.nn.relu(h)
    h = h @ w2 + b2
    return h


def reference(data, edge_index,
              w_pre1, b_pre1, w_pre2, b_pre2, w_pre3, b_pre3, w_pre4, b_pre4,
              w_post1, b_post1, w_post2, b_post2,
              gin0_w1, gin0_b1, gin0_gamma, gin0_beta, gin0_w2, gin0_b2,
              gin1_w1, gin1_b1, gin1_gamma, gin1_beta, gin1_w2, gin1_b2):
    ident_idx = INPUT_DIM - CONCAT_FEA
    ident_vec = data[:, :ident_idx]
    struc_vec = data[:, -CONCAT_FEA:]
    x = jax.nn.relu(struc_vec @ w_pre1 + b_pre1)
    x = jax.nn.relu(x @ w_pre2 + b_pre2)
    init_x = jax.nn.relu(ident_vec @ w_pre3 + b_pre3)
    init_x = jax.nn.relu(init_x @ w_pre4 + b_pre4)
    new_x = jnp.concatenate((init_x, x), axis=1)
    g0 = _gin_conv(new_x, edge_index, gin0_w1, gin0_b1, gin0_gamma, gin0_beta, gin0_w2, gin0_b2)
    g0 = g0 + new_x
    g1 = _gin_conv(g0, edge_index, gin1_w1, gin1_b1, gin1_gamma, gin1_beta, gin1_w2, gin1_b2)
    g1 = g1 + g0 + new_x
    out = jax.nn.relu(g1 @ w_post1 + b_post1)
    out = out @ w_post2 + b_post2
    return jax.nn.log_softmax(out, axis=1)

if __name__ == "__main__":
    import jax
    _d = setup_inputs()
    print(jax.jit(kernel)(*tuple(_d.values())))

</pallas_src>

<mosaic_0001>
#map = affine_map<(d0, d1) -> (0, 0)>
#map1 = affine_map<(d0, d1) -> (0, 0, 0)>
module attributes {stable_mosaic.version = 14 : i64} {
  func.func @sc_segsum(%arg0: i32, %arg1: i32, %arg2: memref<10240x128xf32, #tpu.memory_space<hbm>>, %arg3: memref<32x80x128xi32, #tpu.memory_space<hbm>>, %arg4: memref<10112x128xf32, #tpu.memory_space<hbm>>, %arg5: memref<2x10112x128xf32, #tpu.memory_space<hbm>>, %arg6: memref<80x128xi32, #tpu.memory_space<vmem>>, %arg7: memref<2x128xi32, #tpu.memory_space<vmem>>, %arg8: memref<2x128xi32, #tpu.memory_space<vmem>>, %arg9: memref<2x128x128xf32, #tpu.memory_space<vmem>>, %arg10: memref<10112x128xf32, #tpu.memory_space<vmem_shared>>, %arg11: memref<2x!tpu.dma_semaphore, #tpu.memory_space<semaphore_mem>>, %arg12: memref<2x!tpu.dma_semaphore, #tpu.memory_space<semaphore_mem>>) attributes {dimension_semantics = [#tpu.dimension_semantics<core_parallel>, #tpu.dimension_semantics<subcore_parallel>], iteration_bounds = array<i64: 2, 16>, scalar_prefetch = 0 : i64, scratch_operands = 7 : i64, tpu.core_type = #tpu.core_type<sc_vector_subcore>, window_params = [{transform_indices = #map}, {transform_indices = #map1}, {transform_indices = #map}, {transform_indices = #map1}]} {
    %mul3A = arith.constant 2 : i32
    %mul3A_0 = arith.muli %arg1, %mul3A : i32
    %add3A = arith.addi %mul3A_0, %arg0 : i32
    %mul3A_1 = arith.constant 632 : i32
    %mul3A_2 = arith.muli %arg1, %mul3A_1 : i32
    %mul3A_3 = arith.constant 632 : i32
    %mul3A_4 = arith.muli %arg1, %mul3A_3 : i32
    "tpu.region"() ({
      %run_scoped3A = tpu.sem_alloc : memref<!tpu.dma_semaphore, #tpu.memory_space<semaphore_mem>>
      %dma_start3A_436 = arith.constant 0 : i32
      %dma_start3A_437 = tpu.memref_slice %arg10[%mul3A_4, %dma_start3A_436] : memref<10112x128xf32, #tpu.memory_space<vmem_shared>> -> memref<632x128xf32, #tpu.memory_space<vmem_shared>>
      %dma_start3A_438 = arith.constant 0 : i32
      %dma_start3A_439 = tpu.memref_slice %arg4[%mul3A_2, %dma_start3A_438] : memref<10112x128xf32, #tpu.memory_space<hbm>> -> memref<632x128xf32, #tpu.memory_space<hbm>>
      tpu.enqueue_dma source(%dma_start3A_439 : memref<632x128xf32, #tpu.memory_space<hbm>>) target(%dma_start3A_437 : memref<632x128xf32, #tpu.memory_space<vmem_shared>>) target_semaphore(%run_scoped3A : memref<!tpu.dma_semaphore, #tpu.memory_space<semaphore_mem>>)
      %dma_wait3A_440 = arith.constant 0 : i32
      %dma_wait3A_441 = tpu.memref_slice %arg10[%mul3A_4, %dma_wait3A_440] : memref<10112x128xf32, #tpu.memory_space<vmem_shared>> -> memref<632x128xf32, #tpu.memory_space<vmem_shared>>
      %dma_wait3A_442 = arith.constant 0 : i32
      %dma_wait3A_443 = tpu.memref_slice %arg4[%mul3A_2, %dma_wait3A_442] : memref<10112x128xf32, #tpu.memory_space<hbm>> -> memref<632x128xf32, #tpu.memory_space<hbm>>
      tpu.wait_dma2 semaphore(%run_scoped3A : memref<!tpu.dma_semaphore, #tpu.memory_space<semaphore_mem>>) src(%dma_wait3A_443 : memref<632x128xf32, #tpu.memory_space<hbm>>) dst(%dma_wait3A_441 : memref<632x128xf32, #tpu.memory_space<vmem_shared>>)
      tpu.yield
    }) : () -> ()
    "tpu.region"() ({
      %run_scoped3A = tpu.sem_alloc : memref<!tpu.dma_semaphore, #tpu.memory_space<semaphore_mem>>
      %dma_start3A_436 = arith.constant 0 : i32
      %dma_start3A_437 = arith.constant 0 : i32
      %dma_start3A_438 = tpu.memref_slice %arg3[%add3A, %dma_start3A_436, %dma_start3A_437] : memref<32x80x128xi32, #tpu.memory_space<hbm>> -> memref<1x80x128xi32, #tpu.memory_space<hbm>>
      %dma_start3A_439 = tpu.memref_squeeze %dma_start3A_438 : memref<1x80x128xi32, #tpu.memory_space<hbm>> -> memref<80x128xi32, #tpu.memory_space<hbm>>
      %dma_start3A_440 = arith.constant 0 : i32
      %dma_start3A_441 = arith.constant 0 : i32
      %dma_start3A_442 = tpu.memref_slice %arg3[%add3A, %dma_start3A_440, %dma_start3A_441] : memref<32x80x128xi32, #tpu.memory_space<hbm>> -> memref<1x80x128xi32, #tpu.memory_space<hbm>>
      %dma_start3A_443 = tpu.memref_squeeze %dma_start3A_442 : memref<1x80x128xi32, #tpu.memory_space<hbm>> -> memref<80x128xi32, #tpu.memory_space<hbm>>
      tpu.enqueue_dma source(%dma_start3A_443 : memref<80x128xi32, #tpu.memory_space<hbm>>) target(%arg6 : memref<80x128xi32, #tpu.memory_space<vmem>>) target_semaphore(%run_scoped3A : memref<!tpu.dma_semaphore, #tpu.memory_space<semaphore_mem>>)
      %dma_wait3A_444 = arith.constant 0 : i32
      %dma_wait3A_445 = arith.constant 0 : i32
      %dma_wait3A_446 = tpu.memref_slice %arg3[%add3A, %dma_wait3A_444, %dma_wait3A_445] : memref<32x80x128xi32, #tpu.memory_space<hbm>> -> memref<1x80x128xi32, #tpu.memory_space<hbm>>
      %dma_wait3A_447 = tpu.memref_squeeze %dma_wait3A_446 : memref<1x80x128xi32, #tpu.memory_space<hbm>> -> memref<80x128xi32, #tpu.memory_space<hbm>>
      %dma_wait3A_448 = arith.constant 0 : i32
      %dma_wait3A_449 = arith.constant 0 : i32
      %dma_wait3A_450 = tpu.memref_slice %arg3[%add3A, %dma_wait3A_448, %dma_wait3A_449] : memref<32x80x128xi32, #tpu.memory_space<hbm>> -> memref<1x80x128xi32, #tpu.memory_space<hbm>>
      %dma_wait3A_451 = tpu.memref_squeeze %dma_wait3A_450 : memref<1x80x128xi32, #tpu.memory_space<hbm>> -> memref<80x128xi32, #tpu.memory_space<hbm>>
      tpu.wait_dma2 semaphore(%run_scoped3A : memref<!tpu.dma_semaphore, #tpu.memory_space<semaphore_mem>>) src(%dma_wait3A_451 : memref<80x128xi32, #tpu.memory_space<hbm>>) dst(%arg6 : memref<80x128xi32, #tpu.memory_space<vmem>>)
      tpu.yield
    }) : () -> ()
    %barrier3A = arith.constant 0 : index
    tpu.barrier barrier_id(%barrier3A)
    %get3A = arith.constant 0 : i32
    %get3A_5 = arith.index_cast %get3A : i32 to index
    %get3A_6 = arith.constant 0 : index
    %get3A_7 = tpu.vector_load %arg6[%get3A_5, %get3A_6] {strides = array<i32>} : memref<80x128xi32, #tpu.memory_space<vmem>>, vector<1x16xi32>,
    %get3A_8 = vector.shape_cast %get3A_7 : vector<1x16xi32> to vector<16xi32>
    %and3A = arith.constant 65535 : i32
    %and3A_9 = vector.broadcast %and3A : i32 to vector<16xi32>
    %and3A_10 = arith.andi %get3A_8, %and3A_9 : vector<16xi32>
    %swap3A = arith.constant 0 : i32
    %swap3A_11 = arith.index_cast %swap3A : i32 to index
    %swap3A_12 = arith.constant 0 : index
    %swap3A_13 = tpu.vector_load %arg7[%swap3A_11, %swap3A_12] {strides = array<i32>} : memref<2x128xi32, #tpu.memory_space<vmem>>, vector<1x16xi32>,
    %swap3A_14 = vector.shape_cast %swap3A_13 : vector<1x16xi32> to vector<16xi32>
    %swap3A_15 = vector.shape_cast %and3A_10 : vector<16xi32> to vector<1x16xi32>
    tpu.vector_store %arg7[%swap3A_11, %swap3A_12], %swap3A_15 {strides = array<i32>} : memref<2x128xi32, #tpu.memory_space<vmem>>, vector<1x16xi32>,
    %shift_right_logical3A = arith.constant 16 : i32
    %shift_right_logical3A_16 = vector.broadcast %shift_right_logical3A : i32 to vector<16xi32>
    %shift_right_logical3A_17 = arith.shrui %get3A_8, %shift_right_logical3A_16 : vector<16xi32>
    %swap3A_18 = arith.constant 0 : i32
    %swap3A_19 = arith.index_cast %swap3A_18 : i32 to index
    %swap3A_20 = arith.constant 0 : index
    %swap3A_21 = tpu.vector_load %arg8[%swap3A_19, %swap3A_20] {strides = array<i32>} : memref<2x128xi32, #tpu.memory_space<vmem>>, vector<1x16xi32>,
    %swap3A_22 = vector.shape_cast %swap3A_21 : vector<1x16xi32> to vector<16xi32>
    %swap3A_23 = vector.shape_cast %shift_right_logical3A_17 : vector<16xi32> to vector<1x16xi32>
    tpu.vector_store %arg8[%swap3A_19, %swap3A_20], %swap3A_23 {strides = array<i32>} : memref<2x128xi32, #tpu.memory_space<vmem>>, vector<1x16xi32>,
    %get3A_24 = arith.constant 0 : i32
    %get3A_25 = arith.index_cast %get3A_24 : i32 to index
    %get3A_26 = arith.constant 16 : index
    %get3A_27 = tpu.vector_load %arg6[%get3A_25, %get3A_26] {strides = array<i32>} : memref<80x128xi32, #tpu.memory_space<vmem>>, vector<1x16xi32>,
    %get3A_28 = vector.shape_cast %get3A_27 : vector<1x16xi32> to vector<16xi32>
    %and3A_29 = arith.constant 65535 : i32
    %and3A_30 = vector.broadcast %and3A_29 : i32 to vector<16xi32>
    %and3A_31 = arith.andi %get3A_28, %and3A_30 : vector<16xi32>
    %swap3A_32 = arith.constant 0 : i32
    %swap3A_33 = arith.index_cast %swap3A_32 : i32 to index
    %swap3A_34 = arith.constant 16 : index
    %swap3A_35 = tpu.vector_load %arg7[%swap3A_33, %swap3A_34] {strides = array<i32>} : memref<2x128xi32, #tpu.memory_space<vmem>>, vector<1x16xi32>,
    %swap3A_36 = vector.shape_cast %swap3A_35 : vector<1x16xi32> to vector<16xi32>
    %swap3A_37 = vector.shape_cast %and3A_31 : vector<16xi32> to vector<1x16xi32>
    tpu.vector_store %arg7[%swap3A_33, %swap3A_34], %swap3A_37 {strides = array<i32>} : memref<2x128xi32, #tpu.memory_space<vmem>>, vector<1x16xi32>,
    %shift_right_logical3A_38 = arith.constant 16 : i32
    %shift_right_logical3A_39 = vector.broadcast %shift_right_logical3A_38 : i32 to vector<16xi32>
    %shift_right_logical3A_40 = arith.shrui %get3A_28, %shift_right_logical3A_39 : vector<16xi32>
    %swap3A_41 = arith.constant 0 : i32
    %swap3A_42 = arith.index_cast %swap3A_41 : i32 to index
    %swap3A_43 = arith.constant 16 : index
    %swap3A_44 = tpu.vector_load %arg8[%swap3A_42, %swap3A_43] {strides = array<i32>} : memref<2x128xi32, #tpu.memory_space<vmem>>, vector<1x16xi32>,
    %swap3A_45 = vector.shape_cast %swap3A_44 : vector<1x16xi32> to vector<16xi32>
    %swap3A_46 = vector.shape_cast %shift_right_logical3A_40 : vector<16xi32> to vector<1x16xi32>
    tpu.vector_store %arg8[%swap3A_42, %swap3A_43], %swap3A_46 {strides = array<i32>} : memref<2x128xi32, #tpu.memory_space<vmem>>, vector<1x16xi32>,
    %get3A_47 = arith.constant 0 : i32
    %get3A_48 = arith.index_cast %get3A_47 : i32 to index
    %get3A_49 = arith.constant 32 : index
    %get3A_50 = tpu.vector_load %arg6[%get3A_48, %get3A_49] {strides = array<i32>} : memref<80x128xi32, #tpu.memory_space<vmem>>, vector<1x16xi32>,
    %get3A_51 = vector.shape_cast %get3A_50 : vector<1x16xi32> to vector<16xi32>
    %and3A_52 = arith.constant 65535 : i32
    %and3A_53 = vector.broadcast %and3A_52 : i32 to vector<16xi32>
    %and3A_54 = arith.andi %get3A_51, %and3A_53 : vector<16xi32>
    %swap3A_55 = arith.constant 0 : i32
    %swap3A_56 = arith.index_cast %swap3A_55 : i32 to index
    %swap3A_57 = arith.constant 32 : index
    %swap3A_58 = tpu.vector_load %arg7[%swap3A_56, %swap3A_57] {strides = array<i32>} : memref<2x128xi32, #tpu.memory_space<vmem>>, vector<1x16xi32>,
    %swap3A_59 = vector.shape_cast %swap3A_58 : vector<1x16xi32> to vector<16xi32>
    %swap3A_60 = vector.shape_cast %and3A_54 : vector<16xi32> to vector<1x16xi32>
    tpu.vector_store %arg7[%swap3A_56, %swap3A_57], %swap3A_60 {strides = array<i32>} : memref<2x128xi32, #tpu.memory_space<vmem>>, vector<1x16xi32>,
    %shift_right_logical3A_61 = arith.constant 16 : i32
    %shift_right_logical3A_62 = vector.broadcast %shift_right_logical3A_61 : i32 to vector<16xi32>
    %shift_right_logical3A_63 = arith.shrui %get3A_51, %shift_right_logical3A_62 : vector<16xi32>
    %swap3A_64 = arith.constant 0 : i32
    %swap3A_65 = arith.index_cast %swap3A_64 : i32 to index
    %swap3A_66 = arith.constant 32 : index
    %swap3A_67 = tpu.vector_load %arg8[%swap3A_65, %swap3A_66] {strides = array<i32>} : memref<2x128xi32, #tpu.memory_space<vmem>>, vector<1x16xi32>,
    %swap3A_68 = vector.shape_cast %swap3A_67 : vector<1x16xi32> to vector<16xi32>
    %swap3A_69 = vector.shape_cast %shift_right_logical3A_63 : vector<16xi32> to vector<1x16xi32>
    tpu.vector_store %arg8[%swap3A_65, %swap3A_66], %swap3A_69 {strides = array<i32>} : memref<2x128xi32, #tpu.memory_space<vmem>>, vector<1x16xi32>,
    %get3A_70 = arith.constant 0 : i32
    %get3A_71 = arith.index_cast %get3A_70 : i32 to index
    %get3A_72 = arith.constant 48 : index
    %get3A_73 = tpu.vector_load %arg6[%get3A_71, %get3A_72] {strides = array<i32>} : memref<80x128xi32, #tpu.memory_space<vmem>>, vector<1x16xi32>,
    %get3A_74 = vector.shape_cast %get3A_73 : vector<1x16xi32> to vector<16xi32>
    %and3A_75 = arith.constant 65535 : i32
    %and3A_76 = vector.broadcast %and3A_75 : i32 to vector<16xi32>
    %and3A_77 = arith.andi %get3A_74, %and3A_76 : vector<16xi32>
    %swap3A_78 = arith.constant 0 : i32
    %swap3A_79 = arith.index_cast %swap3A_78 : i32 to index
    %swap3A_80 = arith.constant 48 : index
    %swap3A_81 = tpu.vector_load %arg7[%swap3A_79, %swap3A_80] {strides = array<i32>} : memref<2x128xi32, #tpu.memory_space<vmem>>, vector<1x16xi32>,
    %swap3A_82 = vector.shape_cast %swap3A_81 : vector<1x16xi32> to vector<16xi32>
    %swap3A_83 = vector.shape_cast %and3A_77 : vector<16xi32> to vector<1x16xi32>
    tpu.vector_store %arg7[%swap3A_79, %swap3A_80], %swap3A_83 {strides = array<i32>} : memref<2x128xi32, #tpu.memory_space<vmem>>, vector<1x16xi32>,
    %shift_right_logical3A_84 = arith.constant 16 : i32
    %shift_right_logical3A_85 = vector.broadcast %shift_right_logical3A_84 : i32 to vector<16xi32>
    %shift_right_logical3A_86 = arith.shrui %get3A_74, %shift_right_logical3A_85 : vector<16xi32>
    %swap3A_87 = arith.constant 0 : i32
    %swap3A_88 = arith.index_cast %swap3A_87 : i32 to index
    %swap3A_89 = arith.constant 48 : index
    %swap3A_90 = tpu.vector_load %arg8[%swap3A_88, %swap3A_89] {strides = array<i32>} : memref<2x128xi32, #tpu.memory_space<vmem>>, vector<1x16xi32>,
    %swap3A_91 = vector.shape_cast %swap3A_90 : vector<1x16xi32> to vector<16xi32>
    %swap3A_92 = vector.shape_cast %shift_right_logical3A_86 : vector<16xi32> to vector<1x16xi32>
    tpu.vector_store %arg8[%swap3A_88, %swap3A_89], %swap3A_92 {strides = array<i32>} : memref<2x128xi32, #tpu.memory_space<vmem>>, vector<1x16xi32>,
    %get3A_93 = arith.constant 0 : i32
    %get3A_94 = arith.index_cast %get3A_93 : i32 to index
    %get3A_95 = arith.constant 64 : index
    %get3A_96 = tpu.vector_load %arg6[%get3A_94, %get3A_95] {strides = array<i32>} : memref<80x128xi32, #tpu.memory_space<vmem>>, vector<1x16xi32>,
    %get3A_97 = vector.shape_cast %get3A_96 : vector<1x16xi32> to vector<16xi32>
    %and3A_98 = arith.constant 65535 : i32
    %and3A_99 = vector.broadcast %and3A_98 : i32 to vector<16xi32>
    %and3A_100 = arith.andi %get3A_97, %and3A_99 : vector<16xi32>
    %swap3A_101 = arith.constant 0 : i32
    %swap3A_102 = arith.index_cast %swap3A_101 : i32 to index
    %swap3A_103 = arith.constant 64 : index
    %swap3A_104 = tpu.vector_load %arg7[%swap3A_102, %swap3A_103] {strides = array<i32>} : memref<2x128xi32, #tpu.memory_space<vmem>>, vector<1x16xi32>,
    %swap3A_105 = vector.shape_cast %swap3A_104 : vector<1x16xi32> to vector<16xi32>
    %swap3A_106 = vector.shape_cast %and3A_100 : vector<16xi32> to vector<1x16xi32>
    tpu.vector_store %arg7[%swap3A_102, %swap3A_103], %swap3A_106 {strides = array<i32>} : memref<2x128xi32, #tpu.memory_space<vmem>>, vector<1x16xi32>,
    %shift_right_logical3A_107 = arith.constant 16 : i32
    %shift_right_logical3A_108 = vector.broadcast %shift_right_logical3A_107 : i32 to vector<16xi32>
    %shift_right_logical3A_109 = arith.shrui %get3A_97, %shift_right_logical3A_108 : vector<16xi32>
    %swap3A_110 = arith.constant 0 : i32
    %swap3A_111 = arith.index_cast %swap3A_110 : i32 to index
    %swap3A_112 = arith.constant 64 : index
    %swap3A_113 = tpu.vector_load %arg8[%swap3A_111, %swap3A_112] {strides = array<i32>} : memref<2x128xi32, #tpu.memory_space<vmem>>, vector<1x16xi32>,
    %swap3A_114 = vector.shape_cast %swap3A_113 : vector<1x16xi32> to vector<16xi32>
    %swap3A_115 = vector.shape_cast %shift_right_logical3A_109 : vector<16xi32> to vector<1x16xi32>
    tpu.vector_store %arg8[%swap3A_111, %swap3A_112], %swap3A_115 {strides = array<i32>} : memref<2x128xi32, #tpu.memory_space<vmem>>, vector<1x16xi32>,
    %get3A_116 = arith.constant 0 : i32
    %get3A_117 = arith.index_cast %get3A_116 : i32 to index
    %get3A_118 = arith.constant 80 : index
    %get3A_119 = tpu.vector_load %arg6[%get3A_117, %get3A_118] {strides = array<i32>} : memref<80x128xi32, #tpu.memory_space<vmem>>, vector<1x16xi32>,
    %get3A_120 = vector.shape_cast %get3A_119 : vector<1x16xi32> to vector<16xi32>
    %and3A_121 = arith.constant 65535 : i32
    %and3A_122 = vector.broadcast %and3A_121 : i32 to vector<16xi32>
    %and3A_123 = arith.andi %get3A_120, %and3A_122 : vector<16xi32>
    %swap3A_124 = arith.constant 0 : i32
    %swap3A_125 = arith.index_cast %swap3A_124 : i32 to index
    %swap3A_126 = arith.constant 80 : index
    %swap3A_127 = tpu.vector_load %arg7[%swap3A_125, %swap3A_126] {strides = array<i32>} : memref<2x128xi32, #tpu.memory_space<vmem>>, vector<1x16xi32>,
    %swap3A_128 = vector.shape_cast %swap3A_127 : vector<1x16xi32> to vector<16xi32>
    %swap3A_129 = vector.shape_cast %and3A_123 : vector<16xi32> to vector<1x16xi32>
    tpu.vector_store %arg7[%swap3A_125, %swap3A_126], %swap3A_129 {strides = array<i32>} : memref<2x128xi32, #tpu.memory_space<vmem>>, vector<1x16xi32>,
    %shift_right_logical3A_130 = arith.constant 16 : i32
    %shift_right_logical3A_131 = vector.broadcast %shift_right_logical3A_130 : i32 to vector<16xi32>
    %shift_right_logical3A_132 = arith.shrui %get3A_120, %shift_right_logical3A_131 : vector<16xi32>
    %swap3A_133 = arith.constant 0 : i32
    %swap3A_134 = arith.index_cast %swap3A_133 : i32 to index
    %swap3A_135 = arith.constant 80 : index
    %swap3A_136 = tpu.vector_load %arg8[%swap3A_134, %swap3A_135] {strides = array<i32>} : memref<2x128xi32, #tpu.memory_space<vmem>>, vector<1x16xi32>,
    %swap3A_137 = vector.shape_cast %swap3A_136 : vector<1x16xi32> to vector<16xi32>
    %swap3A_138 = vector.shape_cast %shift_right_logical3A_132 : vector<16xi32> to vector<1x16xi32>
    tpu.vector_store %arg8[%swap3A_134, %swap3A_135], %swap3A_138 {strides = array<i32>} : memref<2x128xi32, #tpu.memory_space<vmem>>, vector<1x16xi32>,
    %get3A_139 = arith.constant 0 : i32
    %get3A_140 = arith.index_cast %get3A_139 : i32 to index
    %get3A_141 = arith.constant 96 : index
    %get3A_142 = tpu.vector_load %arg6[%get3A_140, %get3A_141] {strides = array<i32>} : memref<80x128xi32, #tpu.memory_space<vmem>>, vector<1x16xi32>,
    %get3A_143 = vector.shape_cast %get3A_142 : vector<1x16xi32> to vector<16xi32>
    %and3A_144 = arith.constant 65535 : i32
    %and3A_145 = vector.broadcast %and3A_144 : i32 to vector<16xi32>
    %and3A_146 = arith.andi %get3A_143, %and3A_145 : vector<16xi32>
    %swap3A_147 = arith.constant 0 : i32
    %swap3A_148 = arith.index_cast %swap3A_147 : i32 to index
    %swap3A_149 = arith.constant 96 : index
    %swap3A_150 = tpu.vector_load %arg7[%swap3A_148, %swap3A_149] {strides = array<i32>} : memref<2x128xi32, #tpu.memory_space<vmem>>, vector<1x16xi32>,
    %swap3A_151 = vector.shape_cast %swap3A_150 : vector<1x16xi32> to vector<16xi32>
    %swap3A_152 = vector.shape_cast %and3A_146 : vector<16xi32> to vector<1x16xi32>
    tpu.vector_store %arg7[%swap3A_148, %swap3A_149], %swap3A_152 {strides = array<i32>} : memref<2x128xi32, #tpu.memory_space<vmem>>, vector<1x16xi32>,
    %shift_right_logical3A_153 = arith.constant 16 : i32
    %shift_right_logical3A_154 = vector.broadcast %shift_right_logical3A_153 : i32 to vector<16xi32>
    %shift_right_logical3A_155 = arith.shrui %get3A_143, %shift_right_logical3A_154 : vector<16xi32>
    %swap3A_156 = arith.constant 0 : i32
    %swap3A_157 = arith.index_cast %swap3A_156 : i32 to index
    %swap3A_158 = arith.constant 96 : index
    %swap3A_159 = tpu.vector_load %arg8[%swap3A_157, %swap3A_158] {strides = array<i32>} : memref<2x128xi32, #tpu.memory_space<vmem>>, vector<1x16xi32>,
    %swap3A_160 = vector.shape_cast %swap3A_159 : vector<1x16xi32> to vector<16xi32>
    %swap3A_161 = vector.shape_cast %shift_right_logical3A_155 : vector<16xi32> to vector<1x16xi32>
    tpu.vector_store %arg8[%swap3A_157, %swap3A_158], %swap3A_161 {strides = array<i32>} : memref<2x128xi32, #tpu.memory_space<vmem>>, vector<1x16xi32>,
    %get3A_162 = arith.constant 0 : i32
    %get3A_163 = arith.index_cast %get3A_162 : i32 to index
    %get3A_164 = arith.constant 112 : index
    %get3A_165 = tpu.vector_load %arg6[%get3A_163, %get3A_164] {strides = array<i32>} : memref<80x128xi32, #tpu.memory_space<vmem>>, vector<1x16xi32>,
    %get3A_166 = vector.shape_cast %get3A_165 : vector<1x16xi32> to vector<16xi32>
    %and3A_167 = arith.constant 65535 : i32
    %and3A_168 = vector.broadcast %and3A_167 : i32 to vector<16xi32>
    %and3A_169 = arith.andi %get3A_166, %and3A_168 : vector<16xi32>
    %swap3A_170 = arith.constant 0 : i32
    %swap3A_171 = arith.index_cast %swap3A_170 : i32 to index
    %swap3A_172 = arith.constant 112 : index
    %swap3A_173 = tpu.vector_load %arg7[%swap3A_171, %swap3A_172] {strides = array<i32>} : memref<2x128xi32, #tpu.memory_space<vmem>>, vector<1x16xi32>,
    %swap3A_174 = vector.shape_cast %swap3A_173 : vector<1x16xi32> to vector<16xi32>
    %swap3A_175 = vector.shape_cast %and3A_169 : vector<16xi32> to vector<1x16xi32>
    tpu.vector_store %arg7[%swap3A_171, %swap3A_172], %swap3A_175 {strides = array<i32>} : memref<2x128xi32, #tpu.memory_space<vmem>>, vector<1x16xi32>,
    %shift_right_logical3A_176 = arith.constant 16 : i32
    %shift_right_logical3A_177 = vector.broadcast %shift_right_logical3A_176 : i32 to vector<16xi32>
    %shift_right_logical3A_178 = arith.shrui %get3A_166, %shift_right_logical3A_177 : vector<16xi32>
    %swap3A_179 = arith.constant 0 : i32
    %swap3A_180 = arith.index_cast %swap3A_179 : i32 to index
    %swap3A_181 = arith.constant 112 : index
    %swap3A_182 = tpu.vector_load %arg8[%swap3A_180, %swap3A_181] {strides = array<i32>} : memref<2x128xi32, #tpu.memory_space<vmem>>, vector<1x16xi32>,
    %swap3A_183 = vector.shape_cast %swap3A_182 : vector<1x16xi32> to vector<16xi32>
    %swap3A_184 = vector.shape_cast %shift_right_logical3A_178 : vector<16xi32> to vector<1x16xi32>
    tpu.vector_store %arg8[%swap3A_180, %swap3A_181], %swap3A_184 {strides = array<i32>} : memref<2x128xi32, #tpu.memory_space<vmem>>, vector<1x16xi32>,
    %dma_start3A = arith.constant 0 : i32
    %dma_start3A_185 = arith.constant 0 : i32
    %dma_start3A_186 = arith.constant 0 : i32
    %dma_start3A_187 = arith.constant 0 : i32
    %dma_start3A_188 = arith.constant 0 : i32
    %dma_start3A_189 = tpu.memref_slice %arg9[%dma_start3A_185, %dma_start3A_187, %dma_start3A_188] : memref<2x128x128xf32, #tpu.memory_space<vmem>> -> memref<1x128x128xf32, #tpu.memory_space<vmem>>
    %dma_start3A_190 = tpu.memref_squeeze %dma_start3A_189 : memref<1x128x128xf32, #tpu.memory_space<vmem>> -> memref<128x128xf32, #tpu.memory_space<vmem>>
    %dma_start3A_191 = arith.constant 0 : i32
    %dma_start3A_192 = tpu.memref_slice %arg7[%dma_start3A, %dma_start3A_191] : memref<2x128xi32, #tpu.memory_space<vmem>> -> memref<1x128xi32, #tpu.memory_space<vmem>>
    %dma_start3A_193 = tpu.memref_squeeze %dma_start3A_192 : memref<1x128xi32, #tpu.memory_space<vmem>> -> memref<128xi32, #tpu.memory_space<vmem>>
    %dma_start3A_194 = arith.constant 0 : i32
    %dma_start3A_195 = arith.constant 0 : i32
    %dma_start3A_196 = tpu.memref_slice %arg2[%dma_start3A_194, %dma_start3A_195] : memref<10240x128xf32, #tpu.memory_space<hbm>> -> memref<10240x128xf32, #tpu.memory_space<hbm>>
    %dma_start3A_197 = tpu.memref_slice %arg11[%dma_start3A_186] : memref<2x!tpu.dma_semaphore, #tpu.memory_space<semaphore_mem>> -> memref<1x!tpu.dma_semaphore, #tpu.memory_space<semaphore_mem>>
    %dma_start3A_198 = tpu.memref_squeeze %dma_start3A_197 : memref<1x!tpu.dma_semaphore, #tpu.memory_space<semaphore_mem>> -> memref<!tpu.dma_semaphore, #tpu.memory_space<semaphore_mem>>
    tpu.enqueue_indirect_dma source(%dma_start3A_196 : memref<10240x128xf32, #tpu.memory_space<hbm>>) target(%dma_start3A_190 : memref<128x128xf32, #tpu.memory_space<vmem>>) offsets(%dma_start3A_193 : memref<128xi32, #tpu.memory_space<vmem>>) semaphore(%dma_start3A_198 : memref<!tpu.dma_semaphore, #tpu.memory_space<semaphore_mem>>)
    %get3A_199 = arith.constant 1 : i32
    %get3A_200 = arith.index_cast %get3A_199 : i32 to index
    %get3A_201 = arith.constant 0 : index
    %get3A_202 = tpu.vector_load %arg6[%get3A_200, %get3A_201] {strides = array<i32>} : memref<80x128xi32, #tpu.memory_space<vmem>>, vector<1x16xi32>,
    %get3A_203 = vector.shape_cast %get3A_202 : vector<1x16xi32> to vector<16xi32>
    %and3A_204 = arith.constant 65535 : i32
    %and3A_205 = vector.broadcast %and3A_204 : i32 to vector<16xi32>
    %and3A_206 = arith.andi %get3A_203, %and3A_205 : vector<16xi32>
    %swap3A_207 = arith.constant 1 : i32
    %swap3A_208 = arith.index_cast %swap3A_207 : i32 to index
    %swap3A_209 = arith.constant 0 : index
    %swap3A_210 = tpu.vector_load %arg7[%swap3A_208, %swap3A_209] {strides = array<i32>} : memref<2x128xi32, #tpu.memory_space<vmem>>, vector<1x16xi32>,
    %swap3A_211 = vector.shape_cast %swap3A_210 : vector<1x16xi32> to vector<16xi32>
    %swap3A_212 = vector.shape_cast %and3A_206 : vector<16xi32> to vector<1x16xi32>
    tpu.vector_store %arg7[%swap3A_208, %swap3A_209], %swap3A_212 {strides = array<i32>} : memref<2x128xi32, #tpu.memory_space<vmem>>, vector<1x16xi32>,
    %shift_right_logical3A_213 = arith.constant 16 : i32
    %shift_right_logical3A_214 = vector.broadcast %shift_right_logical3A_213 : i32 to vector<16xi32>
    %shift_right_logical3A_215 = arith.shrui %get3A_203, %shift_right_logical3A_214 : vector<16xi32>
    %swap3A_216 = arith.constant 1 : i32
    %swap3A_217 = arith.index_cast %swap3A_216 : i32 to index
    %swap3A_218 = arith.constant 0 : index
    %swap3A_219 = tpu.vector_load %arg8[%swap3A_217, %swap3A_218] {strides = array<i32>} : memref<2x128xi32, #tpu.memory_space<vmem>>, vector<1x16xi32>,
    %swap3A_220 = vector.shape_cast %swap3A_219 : vector<1x16xi32> to vector<16xi32>
    %swap3A_221 = vector.shape_cast %shift_right_logical3A_215 : vector<16xi32> to vector<1x16xi32>
    tpu.vector_store %arg8[%swap3A_217, %swap3A_218], %swap3A_221 {strides = array<i32>} : memref<2x128xi32, #tpu.memory_space<vmem>>, vector<1x16xi32>,
    %get3A_222 = arith.constant 1 : i32
    %get3A_223 = arith.index_cast %get3A_222 : i32 to index
    %get3A_224 = arith.constant 16 : index
    %get3A_225 = tpu.vector_load %arg6[%get3A_223, %get3A_224] {strides = array<i32>} : memref<80x128xi32, #tpu.memory_space<vmem>>, vector<1x16xi32>,
    %get3A_226 = vector.shape_cast %get3A_225 : vector<1x16xi32> to vector<16xi32>
    %and3A_227 = arith.constant 65535 : i32
    %and3A_228 = vector.broadcast %and3A_227 : i32 to vector<16xi32>
    %and3A_229 = arith.andi %get3A_226, %and3A_228 : vector<16xi32>
    %swap3A_230 = arith.constant 1 : i32
    %swap3A_231 = arith.index_cast %swap3A_230 : i32 to index
    %swap3A_232 = arith.constant 16 : index
    %swap3A_233 = tpu.vector_load %arg7[%swap3A_231, %swap3A_232] {strides = array<i32>} : memref<2x128xi32, #tpu.memory_space<vmem>>, vector<1x16xi32>,
    %swap3A_234 = vector.shape_cast %swap3A_233 : vector<1x16xi32> to vector<16xi32>
    %swap3A_235 = vector.shape_cast %and3A_229 : vector<16xi32> to vector<1x16xi32>
    tpu.vector_store %arg7[%swap3A_231, %swap3A_232], %swap3A_235 {strides = array<i32>} : memref<2x128xi32, #tpu.memory_space<vmem>>, vector<1x16xi32>,
    %shift_right_logical3A_236 = arith.constant 16 : i32
    %shift_right_logical3A_237 = vector.broadcast %shift_right_logical3A_236 : i32 to vector<16xi32>
    %shift_right_logical3A_238 = arith.shrui %get3A_226, %shift_right_logical3A_237 : vector<16xi32>
    %swap3A_239 = arith.constant 1 : i32
    %swap3A_240 = arith.index_cast %swap3A_239 : i32 to index
    %swap3A_241 = arith.constant 16 : index
    %swap3A_242 = tpu.vector_load %arg8[%swap3A_240, %swap3A_241] {strides = array<i32>} : memref<2x128xi32, #tpu.memory_space<vmem>>, vector<1x16xi32>,
    %swap3A_243 = vector.shape_cast %swap3A_242 : vector<1x16xi32> to vector<16xi32>
    %swap3A_244 = vector.shape_cast %shift_right_logical3A_238 : vector<16xi32> to vector<1x16xi32>
    tpu.vector_store %arg8[%swap3A_240, %swap3A_241], %swap3A_244 {strides = array<i32>} : memref<2x128xi32, #tpu.memory_space<vmem>>, vector<1x16xi32>,
    %get3A_245 = arith.constant 1 : i32
    %get3A_246 = arith.index_cast %get3A_245 : i32 to index
    %get3A_247 = arith.constant 32 : index
    %get3A_248 = tpu.vector_load %arg6[%get3A_246, %get3A_247] {strides = array<i32>} : memref<80x128xi32, #tpu.memory_space<vmem>>, vector<1x16xi32>,
    %get3A_249 = vector.shape_cast %get3A_248 : vector<1x16xi32> to vector<16xi32>
    %and3A_250 = arith.constant 65535 : i32
    %and3A_251 = vector.broadcast %and3A_250 : i32 to vector<16xi32>
    %and3A_252 = arith.andi %get3A_249, %and3A_251 : vector<16xi32>
    %swap3A_253 = arith.constant 1 : i32
    %swap3A_254 = arith.index_cast %swap3A_253 : i32 to index
    %swap3A_255 = arith.constant 32 : index
    %swap3A_256 = tpu.vector_load %arg7[%swap3A_254, %swap3A_255] {strides = array<i32>} : memref<2x128xi32, #tpu.memory_space<vmem>>, vector<1x16xi32>,
    %swap3A_257 = vector.shape_cast %swap3A_256 : vector<1x16xi32> to vector<16xi32>
    %swap3A_258 = vector.shape_cast %and3A_252 : vector<16xi32> to vector<1x16xi32>
    tpu.vector_store %arg7[%swap3A_254, %swap3A_255], %swap3A_258 {strides = array<i32>} : memref<2x128xi32, #tpu.memory_space<vmem>>, vector<1x16xi32>,
    %shift_right_logical3A_259 = arith.constant 16 : i32
    %shift_right_logical3A_260 = vector.broadcast %shift_right_logical3A_259 : i32 to vector<16xi32>
    %shift_right_logical3A_261 = arith.shrui %get3A_249, %shift_right_logical3A_260 : vector<16xi32>
    %swap3A_262 = arith.constant 1 : i32
    %swap3A_263 = arith.index_cast %swap3A_262 : i32 to index
    %swap3A_264 = arith.constant 32 : index
    %swap3A_265 = tpu.vector_load %arg8[%swap3A_263, %swap3A_264] {strides = array<i32>} : memref<2x128xi32, #tpu.memory_space<vmem>>, vector<1x16xi32>,
    %swap3A_266 = vector.shape_cast %swap3A_265 : vector<1x16xi32> to vector<16xi32>
    %swap3A_267 = vector.shape_cast %shift_right_logical3A_261 : vector<16xi32> to vector<1x16xi32>
    tpu.vector_store %arg8[%swap3A_263, %swap3A_264], %swap3A_267 {strides = array<i32>} : memref<2x128xi32, #tpu.memory_space<vmem>>, vector<1x16xi32>,
    %get3A_268 = arith.constant 1 : i32
    %get3A_269 = arith.index_cast %get3A_268 : i32 to index
    %get3A_270 = arith.constant 48 : index
    %get3A_271 = tpu.vector_load %arg6[%get3A_269, %get3A_270] {strides = array<i32>} : memref<80x128xi32, #tpu.memory_space<vmem>>, vector<1x16xi32>,
    %get3A_272 = vector.shape_cast %get3A_271 : vector<1x16xi32> to vector<16xi32>
    %and3A_273 = arith.constant 65535 : i32
    %and3A_274 = vector.broadcast %and3A_273 : i32 to vector<16xi32>
    %and3A_275 = arith.andi %get3A_272, %and3A_274 : vector<16xi32>
    %swap3A_276 = arith.constant 1 : i32
    %swap3A_277 = arith.index_cast %swap3A_276 : i32 to index
    %swap3A_278 = arith.constant 48 : index
    %swap3A_279 = tpu.vector_load %arg7[%swap3A_277, %swap3A_278] {strides = array<i32>} : memref<2x128xi32, #tpu.memory_space<vmem>>, vector<1x16xi32>,
    %swap3A_280 = vector.shape_cast %swap3A_279 : vector<1x16xi32> to vector<16xi32>
    %swap3A_281 = vector.shape_cast %and3A_275 : vector<16xi32> to vector<1x16xi32>
    tpu.vector_store %arg7[%swap3A_277, %swap3A_278], %swap3A_281 {strides = array<i32>} : memref<2x128xi32, #tpu.memory_space<vmem>>, vector<1x16xi32>,
    %shift_right_logical3A_282 = arith.constant 16 : i32
    %shift_right_logical3A_283 = vector.broadcast %shift_right_logical3A_282 : i32 to vector<16xi32>
    %shift_right_logical3A_284 = arith.shrui %get3A_272, %shift_right_logical3A_283 : vector<16xi32>
    %swap3A_285 = arith.constant 1 : i32
    %swap3A_286 = arith.index_cast %swap3A_285 : i32 to index
    %swap3A_287 = arith.constant 48 : index
    %swap3A_288 = tpu.vector_load %arg8[%swap3A_286, %swap3A_287] {strides = array<i32>} : memref<2x128xi32, #tpu.memory_space<vmem>>, vector<1x16xi32>,
    %swap3A_289 = vector.shape_cast %swap3A_288 : vector<1x16xi32> to vector<16xi32>
    %swap3A_290 = vector.shape_cast %shift_right_logical3A_284 : vector<16xi32> to vector<1x16xi32>
    tpu.vector_store %arg8[%swap3A_286, %swap3A_287], %swap3A_290 {strides = array<i32>} : memref<2x128xi32, #tpu.memory_space<vmem>>, vector<1x16xi32>,
    %get3A_291 = arith.constant 1 : i32
    %get3A_292 = arith.index_cast %get3A_291 : i32 to index
    %get3A_293 = arith.constant 64 : index
    %get3A_294 = tpu.vector_load %arg6[%get3A_292, %get3A_293] {strides = array<i32>} : memref<80x128xi32, #tpu.memory_space<vmem>>, vector<1x16xi32>,
    %get3A_295 = vector.shape_cast %get3A_294 : vector<1x16xi32> to vector<16xi32>
    %and3A_296 = arith.constant 65535 : i32
    %and3A_297 = vector.broadcast %and3A_296 : i32 to vector<16xi32>
    %and3A_298 = arith.andi %get3A_295, %and3A_297 : vector<16xi32>
    %swap3A_299 = arith.constant 1 : i32
    %swap3A_300 = arith.index_cast %swap3A_299 : i32 to index
    %swap3A_301 = arith.constant 64 : index
    %swap3A_302 = tpu.vector_load %arg7[%swap3A_300, %swap3A_301] {strides = array<i32>} : memref<2x128xi32, #tpu.memory_space<vmem>>, vector<1x16xi32>,
    %swap3A_303 = vector.shape_cast %swap3A_302 : vector<1x16xi32> to vector<16xi32>
    %swap3A_304 = vector.shape_cast %and3A_298 : vector<16xi32> to vector<1x16xi32>
    tpu.vector_store %arg7[%swap3A_300, %swap3A_301], %swap3A_304 {strides = array<i32>} : memref<2x128xi32, #tpu.memory_space<vmem>>, vector<1x16xi32>,
    %shift_right_logical3A_305 = arith.constant 16 : i32
    %shift_right_logical3A_306 = vector.broadcast %shift_right_logical3A_305 : i32 to vector<16xi32>
    %shift_right_logical3A_307 = arith.shrui %get3A_295, %shift_right_logical3A_306 : vector<16xi32>
    %swap3A_308 = arith.constant 1 : i32
    %swap3A_309 = arith.index_cast %swap3A_308 : i32 to index
    %swap3A_310 = arith.constant 64 : index
    %swap3A_311 = tpu.vector_load %arg8[%swap3A_309, %swap3A_310] {strides = array<i32>} : memref<2x128xi32, #tpu.memory_space<vmem>>, vector<1x16xi32>,
    %swap3A_312 = vector.shape_cast %swap3A_311 : vector<1x16xi32> to vector<16xi32>
    %swap3A_313 = vector.shape_cast %shift_right_logical3A_307 : vector<16xi32> to vector<1x16xi32>
    tpu.vector_store %arg8[%swap3A_309, %swap3A_310], %swap3A_313 {strides = array<i32>} : memref<2x128xi32, #tpu.memory_space<vmem>>, vector<1x16xi32>,
    %get3A_314 = arith.constant 1 : i32
    %get3A_315 = arith.index_cast %get3A_314 : i32 to index
    %get3A_316 = arith.constant 80 : index
    %get3A_317 = tpu.vector_load %arg6[%get3A_315, %get3A_316] {strides = array<i32>} : memref<80x128xi32, #tpu.memory_space<vmem>>, vector<1x16xi32>,
    %get3A_318 = vector.shape_cast %get3A_317 : vector<1x16xi32> to vector<16xi32>
    %and3A_319 = arith.constant 65535 : i32
    %and3A_320 = vector.broadcast %and3A_319 : i32 to vector<16xi32>
    %and3A_321 = arith.andi %get3A_318, %and3A_320 : vector<16xi32>
    %swap3A_322 = arith.constant 1 : i32
    %swap3A_323 = arith.index_cast %swap3A_322 : i32 to index
    %swap3A_324 = arith.constant 80 : index
    %swap3A_325 = tpu.vector_load %arg7[%swap3A_323, %swap3A_324] {strides = array<i32>} : memref<2x128xi32, #tpu.memory_space<vmem>>, vector<1x16xi32>,
    %swap3A_326 = vector.shape_cast %swap3A_325 : vector<1x16xi32> to vector<16xi32>
    %swap3A_327 = vector.shape_cast %and3A_321 : vector<16xi32> to vector<1x16xi32>
    tpu.vector_store %arg7[%swap3A_323, %swap3A_324], %swap3A_327 {strides = array<i32>} : memref<2x128xi32, #tpu.memory_space<vmem>>, vector<1x16xi32>,
    %shift_right_logical3A_328 = arith.constant 16 : i32
    %shift_right_logical3A_329 = vector.broadcast %shift_right_logical3A_328 : i32 to vector<16xi32>
    %shift_right_logical3A_330 = arith.shrui %get3A_318, %shift_right_logical3A_329 : vector<16xi32>
    %swap3A_331 = arith.constant 1 : i32
    %swap3A_332 = arith.index_cast %swap3A_331 : i32 to index
    %swap3A_333 = arith.constant 80 : index
    %swap3A_334 = tpu.vector_load %arg8[%swap3A_332, %swap3A_333] {strides = array<i32>} : memref<2x128xi32, #tpu.memory_space<vmem>>, vector<1x16xi32>,
    %swap3A_335 = vector.shape_cast %swap3A_334 : vector<1x16xi32> to vector<16xi32>
    %swap3A_336 = vector.shape_cast %shift_right_logical3A_330 : vector<16xi32> to vector<1x16xi32>
    tpu.vector_store %arg8[%swap3A_332, %swap3A_333], %swap3A_336 {strides = array<i32>} : memref<2x128xi32, #tpu.memory_space<vmem>>, vector<1x16xi32>,
    %get3A_337 = arith.constant 1 : i32
    %get3A_338 = arith.index_cast %get3A_337 : i32 to index
    %get3A_339 = arith.constant 96 : index
    %get3A_340 = tpu.vector_load %arg6[%get3A_338, %get3A_339] {strides = array<i32>} : memref<80x128xi32, #tpu.memory_space<vmem>>, vector<1x16xi32>,
    %get3A_341 = vector.shape_cast %get3A_340 : vector<1x16xi32> to vector<16xi32>
    %and3A_342 = arith.constant 65535 : i32
    %and3A_343 = vector.broadcast %and3A_342 : i32 to vector<16xi32>
    %and3A_344 = arith.andi %get3A_341, %and3A_343 : vector<16xi32>
    %swap3A_345 = arith.constant 1 : i32
    %swap3A_346 = arith.index_cast %swap3A_345 : i32 to index
    %swap3A_347 = arith.constant 96 : index
    %swap3A_348 = tpu.vector_load %arg7[%swap3A_346, %swap3A_347] {strides = array<i32>} : memref<2x128xi32, #tpu.memory_space<vmem>>, vector<1x16xi32>,
    %swap3A_349 = vector.shape_cast %swap3A_348 : vector<1x16xi32> to vector<16xi32>
    %swap3A_350 = vector.shape_cast %and3A_344 : vector<16xi32> to vector<1x16xi32>
    tpu.vector_store %arg7[%swap3A_346, %swap3A_347], %swap3A_350 {strides = array<i32>} : memref<2x128xi32, #tpu.memory_space<vmem>>, vector<1x16xi32>,
    %shift_right_logical3A_351 = arith.constant 16 : i32
    %shift_right_logical3A_352 = vector.broadcast %shift_right_logical3A_351 : i32 to vector<16xi32>
    %shift_right_logical3A_353 = arith.shrui %get3A_341, %shift_right_logical3A_352 : vector<16xi32>
    %swap3A_354 = arith.constant 1 : i32
    %swap3A_355 = arith.index_cast %swap3A_354 : i32 to index
    %swap3A_356 = arith.constant 96 : index
    %swap3A_357 = tpu.vector_load %arg8[%swap3A_355, %swap3A_356] {strides = array<i32>} : memref<2x128xi32, #tpu.memory_space<vmem>>, vector<1x16xi32>,
    %swap3A_358 = vector.shape_cast %swap3A_357 : vector<1x16xi32> to vector<16xi32>
    %swap3A_359 = vector.shape_cast %shift_right_logical3A_353 : vector<16xi32> to vector<1x16xi32>
    tpu.vector_store %arg8[%swap3A_355, %swap3A_356], %swap3A_359 {strides = array<i32>} : memref<2x128xi32, #tpu.memory_space<vmem>>, vector<1x16xi32>,
    %get3A_360 = arith.constant 1 : i32
    %get3A_361 = arith.index_cast %get3A_360 : i32 to index
    %get3A_362 = arith.constant 112 : index
    %get3A_363 = tpu.vector_load %arg6[%get3A_361, %get3A_362] {strides = array<i32>} : memref<80x128xi32, #tpu.memory_space<vmem>>, vector<1x16xi32>,
    %get3A_364 = vector.shape_cast %get3A_363 : vector<1x16xi32> to vector<16xi32>
    %and3A_365 = arith.constant 65535 : i32
    %and3A_366 = vector.broadcast %and3A_365 : i32 to vector<16xi32>
    %and3A_367 = arith.andi %get3A_364, %and3A_366 : vector<16xi32>
    %swap3A_368 = arith.constant 1 : i32
    %swap3A_369 = arith.index_cast %swap3A_368 : i32 to index
    %swap3A_370 = arith.constant 112 : index
    %swap3A_371 = tpu.vector_load %arg7[%swap3A_369, %swap3A_370] {strides = array<i32>} : memref<2x128xi32, #tpu.memory_space<vmem>>, vector<1x16xi32>,
    %swap3A_372 = vector.shape_cast %swap3A_371 : vector<1x16xi32> to vector<16xi32>
    %swap3A_373 = vector.shape_cast %and3A_367 : vector<16xi32> to vector<1x16xi32>
    tpu.vector_store %arg7[%swap3A_369, %swap3A_370], %swap3A_373 {strides = array<i32>} : memref<2x128xi32, #tpu.memory_space<vmem>>, vector<1x16xi32>,
    %shift_right_logical3A_374 = arith.constant 16 : i32
    %shift_right_logical3A_375 = vector.broadcast %shift_right_logical3A_374 : i32 to vector<16xi32>
    %shift_right_logical3A_376 = arith.shrui %get3A_364, %shift_right_logical3A_375 : vector<16xi32>
    %swap3A_377 = arith.constant 1 : i32
    %swap3A_378 = arith.index_cast %swap3A_377 : i32 to index
    %swap3A_379 = arith.constant 112 : index
    %swap3A_380 = tpu.vector_load %arg8[%swap3A_378, %swap3A_379] {strides = array<i32>} : memref<2x128xi32, #tpu.memory_space<vmem>>, vector<1x16xi32>,
    %swap3A_381 = vector.shape_cast %swap3A_380 : vector<1x16xi32> to vector<16xi32>
    %swap3A_382 = vector.shape_cast %shift_right_logical3A_376 : vector<16xi32> to vector<1x16xi32>
    tpu.vector_store %arg8[%swap3A_378, %swap3A_379], %swap3A_382 {strides = array<i32>} : memref<2x128xi32, #tpu.memory_space<vmem>>, vector<1x16xi32>,
    %dma_start3A_383 = arith.constant 1 : i32
    %dma_start3A_384 = arith.constant 1 : i32
    %dma_start3A_385 = arith.constant 1 : i32
    %dma_start3A_386 = arith.constant 0 : i32
    %dma_start3A_387 = arith.constant 0 : i32
    %dma_start3A_388 = tpu.memref_slice %arg9[%dma_start3A_384, %dma_start3A_386, %dma_start3A_387] : memref<2x128x128xf32, #tpu.memory_space<vmem>> -> memref<1x128x128xf32, #tpu.memory_space<vmem>>
    %dma_start3A_389 = tpu.memref_squeeze %dma_start3A_388 : memref<1x128x128xf32, #tpu.memory_space<vmem>> -> memref<128x128xf32, #tpu.memory_space<vmem>>
    %dma_start3A_390 = arith.constant 0 : i32
    %dma_start3A_391 = tpu.memref_slice %arg7[%dma_start3A_383, %dma_start3A_390] : memref<2x128xi32, #tpu.memory_space<vmem>> -> memref<1x128xi32, #tpu.memory_space<vmem>>
    %dma_start3A_392 = tpu.memref_squeeze %dma_start3A_391 : memref<1x128xi32, #tpu.memory_space<vmem>> -> memref<128xi32, #tpu.memory_space<vmem>>
    %dma_start3A_393 = arith.constant 0 : i32
    %dma_start3A_394 = arith.constant 0 : i32
    %dma_start3A_395 = tpu.memref_slice %arg2[%dma_start3A_393, %dma_start3A_394] : memref<10240x128xf32, #tpu.memory_space<hbm>> -> memref<10240x128xf32, #tpu.memory_space<hbm>>
    %dma_start3A_396 = tpu.memref_slice %arg11[%dma_start3A_385] : memref<2x!tpu.dma_semaphore, #tpu.memory_space<semaphore_mem>> -> memref<1x!tpu.dma_semaphore, #tpu.memory_space<semaphore_mem>>
    %dma_start3A_397 = tpu.memref_squeeze %dma_start3A_396 : memref<1x!tpu.dma_semaphore, #tpu.memory_space<semaphore_mem>> -> memref<!tpu.dma_semaphore, #tpu.memory_space<semaphore_mem>>
    tpu.enqueue_indirect_dma source(%dma_start3A_395 : memref<10240x128xf32, #tpu.memory_space<hbm>>) target(%dma_start3A_389 : memref<128x128xf32, #tpu.memory_space<vmem>>) offsets(%dma_start3A_392 : memref<128xi32, #tpu.memory_space<vmem>>) semaphore(%dma_start3A_397 : memref<!tpu.dma_semaphore, #tpu.memory_space<semaphore_mem>>)
    %scan3A = arith.constant 0 : i32
    %scan3A_398 = arith.constant 40 : i32
    %scan3A_399 = arith.addi %scan3A, %scan3A_398 : i32
    %scan3A_400 = arith.constant 1 : i32
    scf.for %scan3A_436 = %scan3A to %scan3A_399 step %scan3A_400  : i32 {
      %mul3A_437 = arith.constant 2 : i32
      %mul3A_438 = arith.muli %scan3A_436, %mul3A_437 : i32
      %add3A_439 = arith.constant 0 : i32
      %add3A_440 = arith.addi %add3A_439, %mul3A_438 : i32
      %dma_wait3A_441 = arith.constant 0 : i32
      %dma_wait3A_442 = arith.constant 0 : i32
      %dma_wait3A_443 = arith.constant 0 : i32
      %dma_wait3A_444 = arith.constant 0 : i32
      %dma_wait3A_445 = arith.constant 0 : i32
      %dma_wait3A_446 = tpu.memref_slice %arg9[%dma_wait3A_442, %dma_wait3A_444, %dma_wait3A_445] : memref<2x128x128xf32, #tpu.memory_space<vmem>> -> memref<1x128x128xf32, #tpu.memory_space<vmem>>
      %dma_wait3A_447 = tpu.memref_squeeze %dma_wait3A_446 : memref<1x128x128xf32, #tpu.memory_space<vmem>> -> memref<128x128xf32, #tpu.memory_space<vmem>>
      %dma_wait3A_448 = arith.constant 0 : i32
      %dma_wait3A_449 = tpu.memref_slice %arg7[%dma_wait3A_441, %dma_wait3A_448] : memref<2x128xi32, #tpu.memory_space<vmem>> -> memref<1x128xi32, #tpu.memory_space<vmem>>
      %dma_wait3A_450 = tpu.memref_squeeze %dma_wait3A_449 : memref<1x128xi32, #tpu.memory_space<vmem>> -> memref<128xi32, #tpu.memory_space<vmem>>
      %dma_wait3A_451 = arith.constant 0 : i32
      %dma_wait3A_452 = arith.constant 0 : i32
      %dma_wait3A_453 = tpu.memref_slice %arg2[%dma_wait3A_451, %dma_wait3A_452] : memref<10240x128xf32, #tpu.memory_space<hbm>> -> memref<10240x128xf32, #tpu.memory_space<hbm>>
      %dma_wait3A_454 = tpu.memref_slice %arg11[%dma_wait3A_443] : memref<2x!tpu.dma_semaphore, #tpu.memory_space<semaphore_mem>> -> memref<1x!tpu.dma_semaphore, #tpu.memory_space<semaphore_mem>>
      %dma_wait3A_455 = tpu.memref_squeeze %dma_wait3A_454 : memref<1x!tpu.dma_semaphore, #tpu.memory_space<semaphore_mem>> -> memref<!tpu.dma_semaphore, #tpu.memory_space<semaphore_mem>>
      tpu.wait_indirect_dma semaphore(%dma_wait3A_455 : memref<!tpu.dma_semaphore, #tpu.memory_space<semaphore_mem>>) src(%dma_wait3A_453 : memref<10240x128xf32, #tpu.memory_space<hbm>>) dst(%dma_wait3A_447 : memref<128x128xf32, #tpu.memory_space<vmem>>)
      %dma_start3A_456 = arith.constant 0 : i32
      %dma_start3A_457 = arith.constant 0 : i32
      %dma_start3A_458 = arith.constant 0 : i32
      %dma_start3A_459 = arith.constant 0 : i32
      %dma_start3A_460 = arith.constant 0 : i32
      %dma_start3A_461 = tpu.memref_slice %arg9[%dma_start3A_456, %dma_start3A_459, %dma_start3A_460] : memref<2x128x128xf32, #tpu.memory_space<vmem>> -> memref<1x128x128xf32, #tpu.memory_space<vmem>>
      %dma_start3A_462 = tpu.memref_squeeze %dma_start3A_461 : memref<1x128x128xf32, #tpu.memory_space<vmem>> -> memref<128x128xf32, #tpu.memory_space<vmem>>
      %dma_start3A_463 = arith.constant 0 : i32
      %dma_start3A_464 = tpu.memref_slice %arg8[%dma_start3A_457, %dma_start3A_463] : memref<2x128xi32, #tpu.memory_space<vmem>> -> memref<1x128xi32, #tpu.memory_space<vmem>>
      %dma_start3A_465 = tpu.memref_squeeze %dma_start3A_464 : memref<1x128xi32, #tpu.memory_space<vmem>> -> memref<128xi32, #tpu.memory_space<vmem>>
      %dma_start3A_466 = arith.constant 0 : i32
      %dma_start3A_467 = arith.constant 0 : i32
      %dma_start3A_468 = tpu.memref_slice %arg10[%dma_start3A_466, %dma_start3A_467] : memref<10112x128xf32, #tpu.memory_space<vmem_shared>> -> memref<10112x128xf32, #tpu.memory_space<vmem_shared>>
      %dma_start3A_469 = tpu.memref_slice %arg12[%dma_start3A_458] : memref<2x!tpu.dma_semaphore, #tpu.memory_space<semaphore_mem>> -> memref<1x!tpu.dma_semaphore, #tpu.memory_space<semaphore_mem>>
      %dma_start3A_470 = tpu.memref_squeeze %dma_start3A_469 : memref<1x!tpu.dma_semaphore, #tpu.memory_space<semaphore_mem>> -> memref<!tpu.dma_semaphore, #tpu.memory_space<semaphore_mem>>
      tpu.enqueue_indirect_dma source(%dma_start3A_462 : memref<128x128xf32, #tpu.memory_space<vmem>>) target(%dma_start3A_468 : memref<10112x128xf32, #tpu.memory_space<vmem_shared>>) offsets(%dma_start3A_465 : memref<128xi32, #tpu.memory_space<vmem>>) semaphore(%dma_start3A_470 : memref<!tpu.dma_semaphore, #tpu.memory_space<semaphore_mem>>) {add = true}
      %dma_wait3A_471 = arith.constant 1 : i32
      %dma_wait3A_472 = arith.constant 1 : i32
      %dma_wait3A_473 = arith.constant 1 : i32
      %dma_wait3A_474 = arith.constant 0 : i32
      %dma_wait3A_475 = arith.constant 0 : i32
      %dma_wait3A_476 = tpu.memref_slice %arg9[%dma_wait3A_472, %dma_wait3A_474, %dma_wait3A_475] : memref<2x128x128xf32, #tpu.memory_space<vmem>> -> memref<1x128x128xf32, #tpu.memory_space<vmem>>
      %dma_wait3A_477 = tpu.memref_squeeze %dma_wait3A_476 : memref<1x128x128xf32, #tpu.memory_space<vmem>> -> memref<128x128xf32, #tpu.memory_space<vmem>>
      %dma_wait3A_478 = arith.constant 0 : i32
      %dma_wait3A_479 = tpu.memref_slice %arg7[%dma_wait3A_471, %dma_wait3A_478] : memref<2x128xi32, #tpu.memory_space<vmem>> -> memref<1x128xi32, #tpu.memory_space<vmem>>
      %dma_wait3A_480 = tpu.memref_squeeze %dma_wait3A_479 : memref<1x128xi32, #tpu.memory_space<vmem>> -> memref<128xi32, #tpu.memory_space<vmem>>
      %dma_wait3A_481 = arith.constant 0 : i32
      %dma_wait3A_482 = arith.constant 0 : i32
      %dma_wait3A_483 = tpu.memref_slice %arg2[%dma_wait3A_481, %dma_wait3A_482] : memref<10240x128xf32, #tpu.memory_space<hbm>> -> memref<10240x128xf32, #tpu.memory_space<hbm>>
      %dma_wait3A_484 = tpu.memref_slice %arg11[%dma_wait3A_473] : memref<2x!tpu.dma_semaphore, #tpu.memory_space<semaphore_mem>> -> memref<1x!tpu.dma_semaphore, #tpu.memory_space<semaphore_mem>>
      %dma_wait3A_485 = tpu.memref_squeeze %dma_wait3A_484 : memref<1x!tpu.dma_semaphore, #tpu.memory_space<semaphore_mem>> -> memref<!tpu.dma_semaphore, #tpu.memory_space<semaphore_mem>>
      tpu.wait_indirect_dma semaphore(%dma_wait3A_485 : memref<!tpu.dma_semaphore, #tpu.memory_space<semaphore_mem>>) src(%dma_wait3A_483 : memref<10240x128xf32, #tpu.memory_space<hbm>>) dst(%dma_wait3A_477 : memref<128x128xf32, #tpu.memory_space<vmem>>)
      %dma_start3A_486 = arith.constant 1 : i32
      %dma_start3A_487 = arith.constant 1 : i32
      %dma_start3A_488 = arith.constant 1 : i32
      %dma_start3A_489 = arith.constant 0 : i32
      %dma_start3A_490 = arith.constant 0 : i32
      %dma_start3A_491 = tpu.memref_slice %arg9[%dma_start3A_486, %dma_start3A_489, %dma_start3A_490] : memref<2x128x128xf32, #tpu.memory_space<vmem>> -> memref<1x128x128xf32, #tpu.memory_space<vmem>>
      %dma_start3A_492 = tpu.memref_squeeze %dma_start3A_491 : memref<1x128x128xf32, #tpu.memory_space<vmem>> -> memref<128x128xf32, #tpu.memory_space<vmem>>
      %dma_start3A_493 = arith.constant 0 : i32
      %dma_start3A_494 = tpu.memref_slice %arg8[%dma_start3A_487, %dma_start3A_493] : memref<2x128xi32, #tpu.memory_space<vmem>> -> memref<1x128xi32, #tpu.memory_space<vmem>>
      %dma_start3A_495 = tpu.memref_squeeze %dma_start3A_494 : memref<1x128xi32, #tpu.memory_space<vmem>> -> memref<128xi32, #tpu.memory_space<vmem>>
      %dma_start3A_496 = arith.constant 0 : i32
      %dma_start3A_497 = arith.constant 0 : i32
      %dma_start3A_498 = tpu.memref_slice %arg10[%dma_start3A_496, %dma_start3A_497] : memref<10112x128xf32, #tpu.memory_space<vmem_shared>> -> memref<10112x128xf32, #tpu.memory_space<vmem_shared>>
      %dma_start3A_499 = tpu.memref_slice %arg12[%dma_start3A_488] : memref<2x!tpu.dma_semaphore, #tpu.memory_space<semaphore_mem>> -> memref<1x!tpu.dma_semaphore, #tpu.memory_space<semaphore_mem>>
      %dma_start3A_500 = tpu.memref_squeeze %dma_start3A_499 : memref<1x!tpu.dma_semaphore, #tpu.memory_space<semaphore_mem>> -> memref<!tpu.dma_semaphore, #tpu.memory_space<semaphore_mem>>
      tpu.enqueue_indirect_dma source(%dma_start3A_492 : memref<128x128xf32, #tpu.memory_space<vmem>>) target(%dma_start3A_498 : memref<10112x128xf32, #tpu.memory_space<vmem_shared>>) offsets(%dma_start3A_495 : memref<128xi32, #tpu.memory_space<vmem>>) semaphore(%dma_start3A_500 : memref<!tpu.dma_semaphore, #tpu.memory_space<semaphore_mem>>) {add = true}
      %add3A_501 = arith.constant 0 : i32
      %add3A_502 = arith.addi %add3A_440, %add3A_501 : i32
      %add3A_503 = arith.constant 2 : i32
      %add3A_504 = arith.addi %add3A_502, %add3A_503 : i32
      %lt3A = arith.constant 80 : i32
      %lt3A_505 = arith.cmpi slt, %add3A_504, %lt3A : i32
      %convert_element_type3A = arith.extui %lt3A_505 : i1 to i32
      %cond3A = arith.constant 0 : i32
      %cond3A_506 = arith.cmpi ne, %convert_element_type3A, %cond3A : i32
      scf.if %cond3A_506 {
        %dma_wait3A_516 = arith.constant 0 : i32
        %dma_wait3A_517 = arith.constant 0 : i32
        %dma_wait3A_518 = arith.constant 0 : i32
        %dma_wait3A_519 = arith.constant 0 : i32
        %dma_wait3A_520 = arith.constant 0 : i32
        %dma_wait3A_521 = tpu.memref_slice %arg9[%dma_wait3A_516, %dma_wait3A_519, %dma_wait3A_520] : memref<2x128x128xf32, #tpu.memory_space<vmem>> -> memref<1x128x128xf32, #tpu.memory_space<vmem>>
        %dma_wait3A_522 = tpu.memref_squeeze %dma_wait3A_521 : memref<1x128x128xf32, #tpu.memory_space<vmem>> -> memref<128x128xf32, #tpu.memory_space<vmem>>
        %dma_wait3A_523 = arith.constant 0 : i32
        %dma_wait3A_524 = tpu.memref_slice %arg8[%dma_wait3A_517, %dma_wait3A_523] : memref<2x128xi32, #tpu.memory_space<vmem>> -> memref<1x128xi32, #tpu.memory_space<vmem>>
        %dma_wait3A_525 = tpu.memref_squeeze %dma_wait3A_524 : memref<1x128xi32, #tpu.memory_space<vmem>> -> memref<128xi32, #tpu.memory_space<vmem>>
        %dma_wait3A_526 = arith.constant 0 : i32
        %dma_wait3A_527 = arith.constant 0 : i32
        %dma_wait3A_528 = tpu.memref_slice %arg10[%dma_wait3A_526, %dma_wait3A_527] : memref<10112x128xf32, #tpu.memory_space<vmem_shared>> -> memref<10112x128xf32, #tpu.memory_space<vmem_shared>>
        %dma_wait3A_529 = tpu.memref_slice %arg12[%dma_wait3A_518] : memref<2x!tpu.dma_semaphore, #tpu.memory_space<semaphore_mem>> -> memref<1x!tpu.dma_semaphore, #tpu.memory_space<semaphore_mem>>
        %dma_wait3A_530 = tpu.memref_squeeze %dma_wait3A_529 : memref<1x!tpu.dma_semaphore, #tpu.memory_space<semaphore_mem>> -> memref<!tpu.dma_semaphore, #tpu.memory_space<semaphore_mem>>
        tpu.wait_indirect_dma semaphore(%dma_wait3A_530 : memref<!tpu.dma_semaphore, #tpu.memory_space<semaphore_mem>>) src(%dma_wait3A_522 : memref<128x128xf32, #tpu.memory_space<vmem>>) dst(%dma_wait3A_528 : memref<10112x128xf32, #tpu.memory_space<vmem_shared>>)
        %get3A_531 = arith.index_cast %add3A_504 : i32 to index
        %get3A_532 = arith.constant 0 : index
        %get3A_533 = tpu.vector_load %arg6[%get3A_531, %get3A_532] {strides = array<i32>} : memref<80x128xi32, #tpu.memory_space<vmem>>, vector<1x16xi32>,
        %get3A_534 = vector.shape_cast %get3A_533 : vector<1x16xi32> to vector<16xi32>
        %and3A_535 = arith.constant 65535 : i32
        %and3A_536 = vector.broadcast %and3A_535 : i32 to vector<16xi32>
        %and3A_537 = arith.andi %get3A_534, %and3A_536 : vector<16xi32>
        %swap3A_538 = arith.constant 0 : i32
        %swap3A_539 = arith.index_cast %swap3A_538 : i32 to index
        %swap3A_540 = arith.constant 0 : index
        %swap3A_541 = tpu.vector_load %arg7[%swap3A_539, %swap3A_540] {strides = array<i32>} : memref<2x128xi32, #tpu.memory_space<vmem>>, vector<1x16xi32>,
        %swap3A_542 = vector.shape_cast %swap3A_541 : vector<1x16xi32> to vector<16xi32>
        %swap3A_543 = vector.shape_cast %and3A_537 : vector<16xi32> to vector<1x16xi32>
        tpu.vector_store %arg7[%swap3A_539, %swap3A_540], %swap3A_543 {strides = array<i32>} : memref<2x128xi32, #tpu.memory_space<vmem>>, vector<1x16xi32>,
        %shift_right_logical3A_544 = arith.constant 16 : i32
        %shift_right_logical3A_545 = vector.broadcast %shift_right_logical3A_544 : i32 to vector<16xi32>
        %shift_right_logical3A_546 = arith.shrui %get3A_534, %shift_right_logical3A_545 : vector<16xi32>
        %swap3A_547 = arith.constant 0 : i32
        %swap3A_548 = arith.index_cast %swap3A_547 : i32 to index
        %swap3A_549 = arith.constant 0 : index
        %swap3A_550 = tpu.vector_load %arg8[%swap3A_548, %swap3A_549] {strides = array<i32>} : memref<2x128xi32, #tpu.memory_space<vmem>>, vector<1x16xi32>,
        %swap3A_551 = vector.shape_cast %swap3A_550 : vector<1x16xi32> to vector<16xi32>
        %swap3A_552 = vector.shape_cast %shift_right_logical3A_546 : vector<16xi32> to vector<1x16xi32>
        tpu.vector_store %arg8[%swap3A_548, %swap3A_549], %swap3A_552 {strides = array<i32>} : memref<2x128xi32, #tpu.memory_space<vmem>>, vector<1x16xi32>,
        %get3A_553 = arith.index_cast %add3A_504 : i32 to index
        %get3A_554 = arith.constant 16 : index
        %get3A_555 = tpu.vector_load %arg6[%get3A_553, %get3A_554] {strides = array<i32>} : memref<80x128xi32, #tpu.memory_space<vmem>>, vector<1x16xi32>,
        %get3A_556 = vector.shape_cast %get3A_555 : vector<1x16xi32> to vector<16xi32>
        %and3A_557 = arith.constant 65535 : i32
        %and3A_558 = vector.broadcast %and3A_557 : i32 to vector<16xi32>
        %and3A_559 = arith.andi %get3A_556, %and3A_558 : vector<16xi32>
        %swap3A_560 = arith.constant 0 : i32
        %swap3A_561 = arith.index_cast %swap3A_560 : i32 to index
        %swap3A_562 = arith.constant 16 : index
        %swap3A_563 = tpu.vector_load %arg7[%swap3A_561, %swap3A_562] {strides = array<i32>} : memref<2x128xi32, #tpu.memory_space<vmem>>, vector<1x16xi32>,
        %swap3A_564 = vector.shape_cast %swap3A_563 : vector<1x16xi32> to vector<16xi32>
        %swap3A_565 = vector.shape_cast %and3A_559 : vector<16xi32> to vector<1x16xi32>
        tpu.vector_store %arg7[%swap3A_561, %swap3A_562], %swap3A_565 {strides = array<i32>} : memref<2x128xi32, #tpu.memory_space<vmem>>, vector<1x16xi32>,
        %shift_right_logical3A_566 = arith.constant 16 : i32
        %shift_right_logical3A_567 = vector.broadcast %shift_right_logical3A_566 : i32 to vector<16xi32>
        %shift_right_logical3A_568 = arith.shrui %get3A_556, %shift_right_logical3A_567 : vector<16xi32>
        %swap3A_569 = arith.constant 0 : i32
        %swap3A_570 = arith.index_cast %swap3A_569 : i32 to index
        %swap3A_571 = arith.constant 16 : index
        %swap3A_572 = tpu.vector_load %arg8[%swap3A_570, %swap3A_571] {strides = array<i32>} : memref<2x128xi32, #tpu.memory_space<vmem>>, vector<1x16xi32>,
        %swap3A_573 = vector.shape_cast %swap3A_572 : vector<1x16xi32> to vector<16xi32>
        %swap3A_574 = vector.shape_cast %shift_right_logical3A_568 : vector<16xi32> to vector<1x16xi32>
        tpu.vector_store %arg8[%swap3A_570, %swap3A_571], %swap3A_574 {strides = array<i32>} : memref<2x128xi32, #tpu.memory_space<vmem>>, vector<1x16xi32>,
        %get3A_575 = arith.index_cast %add3A_504 : i32 to index
        %get3A_576 = arith.constant 32 : index
        %get3A_577 = tpu.vector_load %arg6[%get3A_575, %get3A_576] {strides = array<i32>} : memref<80x128xi32, #tpu.memory_space<vmem>>, vector<1x16xi32>,
        %get3A_578 = vector.shape_cast %get3A_577 : vector<1x16xi32> to vector<16xi32>
        %and3A_579 = arith.constant 65535 : i32
        %and3A_580 = vector.broadcast %and3A_579 : i32 to vector<16xi32>
        %and3A_581 = arith.andi %get3A_578, %and3A_580 : vector<16xi32>
        %swap3A_582 = arith.constant 0 : i32
        %swap3A_583 = arith.index_cast %swap3A_582 : i32 to index
        %swap3A_584 = arith.constant 32 : index
        %swap3A_585 = tpu.vector_load %arg7[%swap3A_583, %swap3A_584] {strides = array<i32>} : memref<2x128xi32, #tpu.memory_space<vmem>>, vector<1x16xi32>,
        %swap3A_586 = vector.shape_cast %swap3A_585 : vector<1x16xi32> to vector<16xi32>
        %swap3A_587 = vector.shape_cast %and3A_581 : vector<16xi32> to vector<1x16xi32>
        tpu.vector_store %arg7[%swap3A_583, %swap3A_584], %swap3A_587 {strides = array<i32>} : memref<2x128xi32, #tpu.memory_space<vmem>>, vector<1x16xi32>,
        %shift_right_logical3A_588 = arith.constant 16 : i32
        %shift_right_logical3A_589 = vector.broadcast %shift_right_logical3A_588 : i32 to vector<16xi32>
        %shift_right_logical3A_590 = arith.shrui %get3A_578, %shift_right_logical3A_589 : vector<16xi32>
        %swap3A_591 = arith.constant 0 : i32
        %swap3A_592 = arith.index_cast %swap3A_591 : i32 to index
        %swap3A_593 = arith.constant 32 : index
        %swap3A_594 = tpu.vector_load %arg8[%swap3A_592, %swap3A_593] {strides = array<i32>} : memref<2x128xi32, #tpu.memory_space<vmem>>, vector<1x16xi32>,
        %swap3A_595 = vector.shape_cast %swap3A_594 : vector<1x16xi32> to vector<16xi32>
        %swap3A_596 = vector.shape_cast %shift_right_logical3A_590 : vector<16xi32> to vector<1x16xi32>
        tpu.vector_store %arg8[%swap3A_592, %swap3A_593], %swap3A_596 {strides = array<i32>} : memref<2x128xi32, #tpu.memory_space<vmem>>, vector<1x16xi32>,
        %get3A_597 = arith.index_cast %add3A_504 : i32 to index
        %get3A_598 = arith.constant 48 : index
        %get3A_599 = tpu.vector_load %arg6[%get3A_597, %get3A_598] {strides = array<i32>} : memref<80x128xi32, #tpu.memory_space<vmem>>, vector<1x16xi32>,
        %get3A_600 = vector.shape_cast %get3A_599 : vector<1x16xi32> to vector<16xi32>
        %and3A_601 = arith.constant 65535 : i32
        %and3A_602 = vector.broadcast %and3A_601 : i32 to vector<16xi32>
        %and3A_603 = arith.andi %get3A_600, %and3A_602 : vector<16xi32>
        %swap3A_604 = arith.constant 0 : i32
        %swap3A_605 = arith.index_cast %swap3A_604 : i32 to index
        %swap3A_606 = arith.constant 48 : index
        %swap3A_607 = tpu.vector_load %arg7[%swap3A_605, %swap3A_606] {strides = array<i32>} : memref<2x128xi32, #tpu.memory_space<vmem>>, vector<1x16xi32>,
        %swap3A_608 = vector.shape_cast %swap3A_607 : vector<1x16xi32> to vector<16xi32>
        %swap3A_609 = vector.shape_cast %and3A_603 : vector<16xi32> to vector<1x16xi32>
        tpu.vector_store %arg7[%swap3A_605, %swap3A_606], %swap3A_609 {strides = array<i32>} : memref<2x128xi32, #tpu.memory_space<vmem>>, vector<1x16xi32>,
        %shift_right_logical3A_610 = arith.constant 16 : i32
        %shift_right_logical3A_611 = vector.broadcast %shift_right_logical3A_610 : i32 to vector<16xi32>
        %shift_right_logical3A_612 = arith.shrui %get3A_600, %shift_right_logical3A_611 : vector<16xi32>
        %swap3A_613 = arith.constant 0 : i32
        %swap3A_614 = arith.index_cast %swap3A_613 : i32 to index
        %swap3A_615 = arith.constant 48 : index
        %swap3A_616 = tpu.vector_load %arg8[%swap3A_614, %swap3A_615] {strides = array<i32>} : memref<2x128xi32, #tpu.memory_space<vmem>>, vector<1x16xi32>,
        %swap3A_617 = vector.shape_cast %swap3A_616 : vector<1x16xi32> to vector<16xi32>
        %swap3A_618 = vector.shape_cast %shift_right_logical3A_612 : vector<16xi32> to vector<1x16xi32>
        tpu.vector_store %arg8[%swap3A_614, %swap3A_615], %swap3A_618 {strides = array<i32>} : memref<2x128xi32, #tpu.memory_space<vmem>>, vector<1x16xi32>,
        %get3A_619 = arith.index_cast %add3A_504 : i32 to index
        %get3A_620 = arith.constant 64 : index
        %get3A_621 = tpu.vector_load %arg6[%get3A_619, %get3A_620] {strides = array<i32>} : memref<80x128xi32, #tpu.memory_space<vmem>>, vector<1x16xi32>,
        %get3A_622 = vector.shape_cast %get3A_621 : vector<1x16xi32> to vector<16xi32>
        %and3A_623 = arith.constant 65535 : i32
        %and3A_624 = vector.broadcast %and3A_623 : i32 to vector<16xi32>
        %and3A_625 = arith.andi %get3A_622, %and3A_624 : vector<16xi32>
        %swap3A_626 = arith.constant 0 : i32
        %swap3A_627 = arith.index_cast %swap3A_626 : i32 to index
        %swap3A_628 = arith.constant 64 : index
        %swap3A_629 = tpu.vector_load %arg7[%swap3A_627, %swap3A_628] {strides = array<i32>} : memref<2x128xi32, #tpu.memory_space<vmem>>, vector<1x16xi32>,
        %swap3A_630 = vector.shape_cast %swap3A_629 : vector<1x16xi32> to vector<16xi32>
        %swap3A_631 = vector.shape_cast %and3A_625 : vector<16xi32> to vector<1x16xi32>
        tpu.vector_store %arg7[%swap3A_627, %swap3A_628], %swap3A_631 {strides = array<i32>} : memref<2x128xi32, #tpu.memory_space<vmem>>, vector<1x16xi32>,
        %shift_right_logical3A_632 = arith.constant 16 : i32
        %shift_right_logical3A_633 = vector.broadcast %shift_right_logical3A_632 : i32 to vector<16xi32>
        %shift_right_logical3A_634 = arith.shrui %get3A_622, %shift_right_logical3A_633 : vector<16xi32>
        %swap3A_635 = arith.constant 0 : i32
        %swap3A_636 = arith.index_cast %swap3A_635 : i32 to index
        %swap3A_637 = arith.constant 64 : index
        %swap3A_638 = tpu.vector_load %arg8[%swap3A_636, %swap3A_637] {strides = array<i32>} : memref<2x128xi32, #tpu.memory_space<vmem>>, vector<1x16xi32>,
        %swap3A_639 = vector.shape_cast %swap3A_638 : vector<1x16xi32> to vector<16xi32>
        %swap3A_640 = vector.shape_cast %shift_right_logical3A_634 : vector<16xi32> to vector<1x16xi32>
        tpu.vector_store %arg8[%swap3A_636, %swap3A_637], %swap3A_640 {strides = array<i32>} : memref<2x128xi32, #tpu.memory_space<vmem>>, vector<1x16xi32>,
        %get3A_641 = arith.index_cast %add3A_504 : i32 to index
        %get3A_642 = arith.constant 80 : index
        %get3A_643 = tpu.vector_load %arg6[%get3A_641, %get3A_642] {strides = array<i32>} : memref<80x128xi32, #tpu.memory_space<vmem>>, vector<1x16xi32>,
        %get3A_644 = vector.shape_cast %get3A_643 : vector<1x16xi32> to vector<16xi32>
        %and3A_645 = arith.constant 65535 : i32
        %and3A_646 = vector.broadcast %and3A_645 : i32 to vector<16xi32>
        %and3A_647 = arith.andi %get3A_644, %and3A_646 : vector<16xi32>
        %swap3A_648 = arith.constant 0 : i32
        %swap3A_649 = arith.index_cast %swap3A_648 : i32 to index
        %swap3A_650 = arith.constant 80 : index
        %swap3A_651 = tpu.vector_load %arg7[%swap3A_649, %swap3A_650] {strides = array<i32>} : memref<2x128xi32, #tpu.memory_space<vmem>>, vector<1x16xi32>,
        %swap3A_652 = vector.shape_cast %swap3A_651 : vector<1x16xi32> to vector<16xi32>
        %swap3A_653 = vector.shape_cast %and3A_647 : vector<16xi32> to vector<1x16xi32>
        tpu.vector_store %arg7[%swap3A_649, %swap3A_650], %swap3A_653 {strides = array<i32>} : memref<2x128xi32, #tpu.memory_space<vmem>>, vector<1x16xi32>,
        %shift_right_logical3A_654 = arith.constant 16 : i32
        %shift_right_logical3A_655 = vector.broadcast %shift_right_logical3A_654 : i32 to vector<16xi32>
        %shift_right_logical3A_656 = arith.shrui %get3A_644, %shift_right_logical3A_655 : vector<16xi32>
        %swap3A_657 = arith.constant 0 : i32
        %swap3A_658 = arith.index_cast %swap3A_657 : i32 to index
        %swap3A_659 = arith.constant 80 : index
        %swap3A_660 = tpu.vector_load %arg8[%swap3A_658, %swap3A_659] {strides = array<i32>} : memref<2x128xi32, #tpu.memory_space<vmem>>, vector<1x16xi32>,
        %swap3A_661 = vector.shape_cast %swap3A_660 : vector<1x16xi32> to vector<16xi32>
        %swap3A_662 = vector.shape_cast %shift_right_logical3A_656 : vector<16xi32> to vector<1x16xi32>
        tpu.vector_store %arg8[%swap3A_658, %swap3A_659], %swap3A_662 {strides = array<i32>} : memref<2x128xi32, #tpu.memory_space<vmem>>, vector<1x16xi32>,
        %get3A_663 = arith.index_cast %add3A_504 : i32 to index
        %get3A_664 = arith.constant 96 : index
        %get3A_665 = tpu.vector_load %arg6[%get3A_663, %get3A_664] {strides = array<i32>} : memref<80x128xi32, #tpu.memory_space<vmem>>, vector<1x16xi32>,
        %get3A_666 = vector.shape_cast %get3A_665 : vector<1x16xi32> to vector<16xi32>
        %and3A_667 = arith.constant 65535 : i32
        %and3A_668 = vector.broadcast %and3A_667 : i32 to vector<16xi32>
        %and3A_669 = arith.andi %get3A_666, %and3A_668 : vector<16xi32>
        %swap3A_670 = arith.constant 0 : i32
        %swap3A_671 = arith.index_cast %swap3A_670 : i32 to index
        %swap3A_672 = arith.constant 96 : index
        %swap3A_673 = tpu.vector_load %arg7[%swap3A_671, %swap3A_672] {strides = array<i32>} : memref<2x128xi32, #tpu.memory_space<vmem>>, vector<1x16xi32>,
        %swap3A_674 = vector.shape_cast %swap3A_673 : vector<1x16xi32> to vector<16xi32>
        %swap3A_675 = vector.shape_cast %and3A_669 : vector<16xi32> to vector<1x16xi32>
        tpu.vector_store %arg7[%swap3A_671, %swap3A_672], %swap3A_675 {strides = array<i32>} : memref<2x128xi32, #tpu.memory_space<vmem>>, vector<1x16xi32>,
        %shift_right_logical3A_676 = arith.constant 16 : i32
        %shift_right_logical3A_677 = vector.broadcast %shift_right_logical3A_676 : i32 to vector<16xi32>
        %shift_right_logical3A_678 = arith.shrui %get3A_666, %shift_right_logical3A_677 : vector<16xi32>
        %swap3A_679 = arith.constant 0 : i32
        %swap3A_680 = arith.index_cast %swap3A_679 : i32 to index
        %swap3A_681 = arith.constant 96 : index
        %swap3A_682 = tpu.vector_load %arg8[%swap3A_680, %swap3A_681] {strides = array<i32>} : memref<2x128xi32, #tpu.memory_space<vmem>>, vector<1x16xi32>,
        %swap3A_683 = vector.shape_cast %swap3A_682 : vector<1x16xi32> to vector<16xi32>
        %swap3A_684 = vector.shape_cast %shift_right_logical3A_678 : vector<16xi32> to vector<1x16xi32>
        tpu.vector_store %arg8[%swap3A_680, %swap3A_681], %swap3A_684 {strides = array<i32>} : memref<2x128xi32, #tpu.memory_space<vmem>>, vector<1x16xi32>,
        %get3A_685 = arith.index_cast %add3A_504 : i32 to index
        %get3A_686 = arith.constant 112 : index
        %get3A_687 = tpu.vector_load %arg6[%get3A_685, %get3A_686] {strides = array<i32>} : memref<80x128xi32, #tpu.memory_space<vmem>>, vector<1x16xi32>,
        %get3A_688 = vector.shape_cast %get3A_687 : vector<1x16xi32> to vector<16xi32>
        %and3A_689 = arith.constant 65535 : i32
        %and3A_690 = vector.broadcast %and3A_689 : i32 to vector<16xi32>
        %and3A_691 = arith.andi %get3A_688, %and3A_690 : vector<16xi32>
        %swap3A_692 = arith.constant 0 : i32
        %swap3A_693 = arith.index_cast %swap3A_692 : i32 to index
        %swap3A_694 = arith.constant 112 : index
        %swap3A_695 = tpu.vector_load %arg7[%swap3A_693, %swap3A_694] {strides = array<i32>} : memref<2x128xi32, #tpu.memory_space<vmem>>, vector<1x16xi32>,
        %swap3A_696 = vector.shape_cast %swap3A_695 : vector<1x16xi32> to vector<16xi32>
        %swap3A_697 = vector.shape_cast %and3A_691 : vector<16xi32> to vector<1x16xi32>
        tpu.vector_store %arg7[%swap3A_693, %swap3A_694], %swap3A_697 {strides = array<i32>} : memref<2x128xi32, #tpu.memory_space<vmem>>, vector<1x16xi32>,
        %shift_right_logical3A_698 = arith.constant 16 : i32
        %shift_right_logical3A_699 = vector.broadcast %shift_right_logical3A_698 : i32 to vector<16xi32>
        %shift_right_logical3A_700 = arith.shrui %get3A_688, %shift_right_logical3A_699 : vector<16xi32>
        %swap3A_701 = arith.constant 0 : i32
        %swap3A_702 = arith.index_cast %swap3A_701 : i32 to index
        %swap3A_703 = arith.constant 112 : index
        %swap3A_704 = tpu.vector_load %arg8[%swap3A_702, %swap3A_703] {strides = array<i32>} : memref<2x128xi32, #tpu.memory_space<vmem>>, vector<1x16xi32>,
        %swap3A_705 = vector.shape_cast %swap3A_704 : vector<1x16xi32> to vector<16xi32>
        %swap3A_706 = vector.shape_cast %shift_right_logical3A_700 : vector<16xi32> to vector<1x16xi32>
        tpu.vector_store %arg8[%swap3A_702, %swap3A_703], %swap3A_706 {strides = array<i32>} : memref<2x128xi32, #tpu.memory_space<vmem>>, vector<1x16xi32>,
        %dma_start3A_707 = arith.constant 0 : i32
        %dma_start3A_708 = arith.constant 0 : i32
        %dma_start3A_709 = arith.constant 0 : i32
        %dma_start3A_710 = arith.constant 0 : i32
        %dma_start3A_711 = arith.constant 0 : i32
        %dma_start3A_712 = tpu.memref_slice %arg9[%dma_start3A_708, %dma_start3A_710, %dma_start3A_711] : memref<2x128x128xf32, #tpu.memory_space<vmem>> -> memref<1x128x128xf32, #tpu.memory_space<vmem>>
        %dma_start3A_713 = tpu.memref_squeeze %dma_start3A_712 : memref<1x128x128xf32, #tpu.memory_space<vmem>> -> memref<128x128xf32, #tpu.memory_space<vmem>>
        %dma_start3A_714 = arith.constant 0 : i32
        %dma_start3A_715 = tpu.memref_slice %arg7[%dma_start3A_707, %dma_start3A_714] : memref<2x128xi32, #tpu.memory_space<vmem>> -> memref<1x128xi32, #tpu.memory_space<vmem>>
        %dma_start3A_716 = tpu.memref_squeeze %dma_start3A_715 : memref<1x128xi32, #tpu.memory_space<vmem>> -> memref<128xi32, #tpu.memory_space<vmem>>
        %dma_start3A_717 = arith.constant 0 : i32
        %dma_start3A_718 = arith.constant 0 : i32
        %dma_start3A_719 = tpu.memref_slice %arg2[%dma_start3A_717, %dma_start3A_718] : memref<10240x128xf32, #tpu.memory_space<hbm>> -> memref<10240x128xf32, #tpu.memory_space<hbm>>
        %dma_start3A_720 = tpu.memref_slice %arg11[%dma_start3A_709] : memref<2x!tpu.dma_semaphore, #tpu.memory_space<semaphore_mem>> -> memref<1x!tpu.dma_semaphore, #tpu.memory_space<semaphore_mem>>
        %dma_start3A_721 = tpu.memref_squeeze %dma_start3A_720 : memref<1x!tpu.dma_semaphore, #tpu.memory_space<semaphore_mem>> -> memref<!tpu.dma_semaphore, #tpu.memory_space<semaphore_mem>>
        tpu.enqueue_indirect_dma source(%dma_start3A_719 : memref<10240x128xf32, #tpu.memory_space<hbm>>) target(%dma_start3A_713 : memref<128x128xf32, #tpu.memory_space<vmem>>) offsets(%dma_start3A_716 : memref<128xi32, #tpu.memory_space<vmem>>) semaphore(%dma_start3A_721 : memref<!tpu.dma_semaphore, #tpu.memory_space<semaphore_mem>>)
      } else {
      }
      %add3A_507 = arith.constant 1 : i32
      %add3A_508 = arith.addi %add3A_440, %add3A_507 : i32
      %add3A_509 = arith.constant 2 : i32
      %add3A_510 = arith.addi %add3A_508, %add3A_509 : i32
      %lt3A_511 = arith.constant 80 : i32
      %lt3A_512 = arith.cmpi slt, %add3A_510, %lt3A_511 : i32
      %convert_element_type3A_513 = arith.extui %lt3A_512 : i1 to i32
      %cond3A_514 = arith.constant 0 : i32
      %cond3A_515 = arith.cmpi ne, %convert_element_type3A_513, %cond3A_514 : i32
      scf.if %cond3A_515 {
        %dma_wait3A_516 = arith.constant 1 : i32
        %dma_wait3A_517 = arith.constant 1 : i32
        %dma_wait3A_518 = arith.constant 1 : i32
        %dma_wait3A_519 = arith.constant 0 : i32
        %dma_wait3A_520 = arith.constant 0 : i32
        %dma_wait3A_521 = tpu.memref_slice %arg9[%dma_wait3A_516, %dma_wait3A_519, %dma_wait3A_520] : memref<2x128x128xf32, #tpu.memory_space<vmem>> -> memref<1x128x128xf32, #tpu.memory_space<vmem>>
        %dma_wait3A_522 = tpu.memref_squeeze %dma_wait3A_521 : memref<1x128x128xf32, #tpu.memory_space<vmem>> -> memref<128x128xf32, #tpu.memory_space<vmem>>
        %dma_wait3A_523 = arith.constant 0 : i32
        %dma_wait3A_524 = tpu.memref_slice %arg8[%dma_wait3A_517, %dma_wait3A_523] : memref<2x128xi32, #tpu.memory_space<vmem>> -> memref<1x128xi32, #tpu.memory_space<vmem>>
        %dma_wait3A_525 = tpu.memref_squeeze %dma_wait3A_524 : memref<1x128xi32, #tpu.memory_space<vmem>> -> memref<128xi32, #tpu.memory_space<vmem>>
        %dma_wait3A_526 = arith.constant 0 : i32
        %dma_wait3A_527 = arith.constant 0 : i32
        %dma_wait3A_528 = tpu.memref_slice %arg10[%dma_wait3A_526, %dma_wait3A_527] : memref<10112x128xf32, #tpu.memory_space<vmem_shared>> -> memref<10112x128xf32, #tpu.memory_space<vmem_shared>>
        %dma_wait3A_529 = tpu.memref_slice %arg12[%dma_wait3A_518] : memref<2x!tpu.dma_semaphore, #tpu.memory_space<semaphore_mem>> -> memref<1x!tpu.dma_semaphore, #tpu.memory_space<semaphore_mem>>
        %dma_wait3A_530 = tpu.memref_squeeze %dma_wait3A_529 : memref<1x!tpu.dma_semaphore, #tpu.memory_space<semaphore_mem>> -> memref<!tpu.dma_semaphore, #tpu.memory_space<semaphore_mem>>
        tpu.wait_indirect_dma semaphore(%dma_wait3A_530 : memref<!tpu.dma_semaphore, #tpu.memory_space<semaphore_mem>>) src(%dma_wait3A_522 : memref<128x128xf32, #tpu.memory_space<vmem>>) dst(%dma_wait3A_528 : memref<10112x128xf32, #tpu.memory_space<vmem_shared>>)
        %get3A_531 = arith.index_cast %add3A_510 : i32 to index
        %get3A_532 = arith.constant 0 : index
        %get3A_533 = tpu.vector_load %arg6[%get3A_531, %get3A_532] {strides = array<i32>} : memref<80x128xi32, #tpu.memory_space<vmem>>, vector<1x16xi32>,
        %get3A_534 = vector.shape_cast %get3A_533 : vector<1x16xi32> to vector<16xi32>
        %and3A_535 = arith.constant 65535 : i32
        %and3A_536 = vector.broadcast %and3A_535 : i32 to vector<16xi32>
        %and3A_537 = arith.andi %get3A_534, %and3A_536 : vector<16xi32>
        %swap3A_538 = arith.constant 1 : i32
        %swap3A_539 = arith.index_cast %swap3A_538 : i32 to index
        %swap3A_540 = arith.constant 0 : index
        %swap3A_541 = tpu.vector_load %arg7[%swap3A_539, %swap3A_540] {strides = array<i32>} : memref<2x128xi32, #tpu.memory_space<vmem>>, vector<1x16xi32>,
        %swap3A_542 = vector.shape_cast %swap3A_541 : vector<1x16xi32> to vector<16xi32>
        %swap3A_543 = vector.shape_cast %and3A_537 : vector<16xi32> to vector<1x16xi32>
        tpu.vector_store %arg7[%swap3A_539, %swap3A_540], %swap3A_543 {strides = array<i32>} : memref<2x128xi32, #tpu.memory_space<vmem>>, vector<1x16xi32>,
        %shift_right_logical3A_544 = arith.constant 16 : i32
        %shift_right_logical3A_545 = vector.broadcast %shift_right_logical3A_544 : i32 to vector<16xi32>
        %shift_right_logical3A_546 = arith.shrui %get3A_534, %shift_right_logical3A_545 : vector<16xi32>
        %swap3A_547 = arith.constant 1 : i32
        %swap3A_548 = arith.index_cast %swap3A_547 : i32 to index
        %swap3A_549 = arith.constant 0 : index
        %swap3A_550 = tpu.vector_load %arg8[%swap3A_548, %swap3A_549] {strides = array<i32>} : memref<2x128xi32, #tpu.memory_space<vmem>>, vector<1x16xi32>,
        %swap3A_551 = vector.shape_cast %swap3A_550 : vector<1x16xi32> to vector<16xi32>
        %swap3A_552 = vector.shape_cast %shift_right_logical3A_546 : vector<16xi32> to vector<1x16xi32>
        tpu.vector_store %arg8[%swap3A_548, %swap3A_549], %swap3A_552 {strides = array<i32>} : memref<2x128xi32, #tpu.memory_space<vmem>>, vector<1x16xi32>,
        %get3A_553 = arith.index_cast %add3A_510 : i32 to index
        %get3A_554 = arith.constant 16 : index
        %get3A_555 = tpu.vector_load %arg6[%get3A_553, %get3A_554] {strides = array<i32>} : memref<80x128xi32, #tpu.memory_space<vmem>>, vector<1x16xi32>,
        %get3A_556 = vector.shape_cast %get3A_555 : vector<1x16xi32> to vector<16xi32>
        %and3A_557 = arith.constant 65535 : i32
        %and3A_558 = vector.broadcast %and3A_557 : i32 to vector<16xi32>
        %and3A_559 = arith.andi %get3A_556, %and3A_558 : vector<16xi32>
        %swap3A_560 = arith.constant 1 : i32
        %swap3A_561 = arith.index_cast %swap3A_560 : i32 to index
        %swap3A_562 = arith.constant 16 : index
        %swap3A_563 = tpu.vector_load %arg7[%swap3A_561, %swap3A_562] {strides = array<i32>} : memref<2x128xi32, #tpu.memory_space<vmem>>, vector<1x16xi32>,
        %swap3A_564 = vector.shape_cast %swap3A_563 : vector<1x16xi32> to vector<16xi32>
        %swap3A_565 = vector.shape_cast %and3A_559 : vector<16xi32> to vector<1x16xi32>
        tpu.vector_store %arg7[%swap3A_561, %swap3A_562], %swap3A_565 {strides = array<i32>} : memref<2x128xi32, #tpu.memory_space<vmem>>, vector<1x16xi32>,
        %shift_right_logical3A_566 = arith.constant 16 : i32
        %shift_right_logical3A_567 = vector.broadcast %shift_right_logical3A_566 : i32 to vector<16xi32>
        %shift_right_logical3A_568 = arith.shrui %get3A_556, %shift_right_logical3A_567 : vector<16xi32>
        %swap3A_569 = arith.constant 1 : i32
        %swap3A_570 = arith.index_cast %swap3A_569 : i32 to index
        %swap3A_571 = arith.constant 16 : index
        %swap3A_572 = tpu.vector_load %arg8[%swap3A_570, %swap3A_571] {strides = array<i32>} : memref<2x128xi32, #tpu.memory_space<vmem>>, vector<1x16xi32>,
        %swap3A_573 = vector.shape_cast %swap3A_572 : vector<1x16xi32> to vector<16xi32>
        %swap3A_574 = vector.shape_cast %shift_right_logical3A_568 : vector<16xi32> to vector<1x16xi32>
        tpu.vector_store %arg8[%swap3A_570, %swap3A_571], %swap3A_574 {strides = array<i32>} : memref<2x128xi32, #tpu.memory_space<vmem>>, vector<1x16xi32>,
        %get3A_575 = arith.index_cast %add3A_510 : i32 to index
        %get3A_576 = arith.constant 32 : index
        %get3A_577 = tpu.vector_load %arg6[%get3A_575, %get3A_576] {strides = array<i32>} : memref<80x128xi32, #tpu.memory_space<vmem>>, vector<1x16xi32>,
        %get3A_578 = vector.shape_cast %get3A_577 : vector<1x16xi32> to vector<16xi32>
        %and3A_579 = arith.constant 65535 : i32
        %and3A_580 = vector.broadcast %and3A_579 : i32 to vector<16xi32>
        %and3A_581 = arith.andi %get3A_578, %and3A_580 : vector<16xi32>
        %swap3A_582 = arith.constant 1 : i32
        %swap3A_583 = arith.index_cast %swap3A_582 : i32 to index
        %swap3A_584 = arith.constant 32 : index
        %swap3A_585 = tpu.vector_load %arg7[%swap3A_583, %swap3A_584] {strides = array<i32>} : memref<2x128xi32, #tpu.memory_space<vmem>>, vector<1x16xi32>,
        %swap3A_586 = vector.shape_cast %swap3A_585 : vector<1x16xi32> to vector<16xi32>
        %swap3A_587 = vector.shape_cast %and3A_581 : vector<16xi32> to vector<1x16xi32>
        tpu.vector_store %arg7[%swap3A_583, %swap3A_584], %swap3A_587 {strides = array<i32>} : memref<2x128xi32, #tpu.memory_space<vmem>>, vector<1x16xi32>,
        %shift_right_logical3A_588 = arith.constant 16 : i32
        %shift_right_logical3A_589 = vector.broadcast %shift_right_logical3A_588 : i32 to vector<16xi32>
        %shift_right_logical3A_590 = arith.shrui %get3A_578, %shift_right_logical3A_589 : vector<16xi32>
        %swap3A_591 = arith.constant 1 : i32
        %swap3A_592 = arith.index_cast %swap3A_591 : i32 to index
        %swap3A_593 = arith.constant 32 : index
        %swap3A_594 = tpu.vector_load %arg8[%swap3A_592, %swap3A_593] {strides = array<i32>} : memref<2x128xi32, #tpu.memory_space<vmem>>, vector<1x16xi32>,
        %swap3A_595 = vector.shape_cast %swap3A_594 : vector<1x16xi32> to vector<16xi32>
        %swap3A_596 = vector.shape_cast %shift_right_logical3A_590 : vector<16xi32> to vector<1x16xi32>
        tpu.vector_store %arg8[%swap3A_592, %swap3A_593], %swap3A_596 {strides = array<i32>} : memref<2x128xi32, #tpu.memory_space<vmem>>, vector<1x16xi32>,
        %get3A_597 = arith.index_cast %add3A_510 : i32 to index
        %get3A_598 = arith.constant 48 : index
        %get3A_599 = tpu.vector_load %arg6[%get3A_597, %get3A_598] {strides = array<i32>} : memref<80x128xi32, #tpu.memory_space<vmem>>, vector<1x16xi32>,
        %get3A_600 = vector.shape_cast %get3A_599 : vector<1x16xi32> to vector<16xi32>
        %and3A_601 = arith.constant 65535 : i32
        %and3A_602 = vector.broadcast %and3A_601 : i32 to vector<16xi32>
        %and3A_603 = arith.andi %get3A_600, %and3A_602 : vector<16xi32>
        %swap3A_604 = arith.constant 1 : i32
        %swap3A_605 = arith.index_cast %swap3A_604 : i32 to index
        %swap3A_606 = arith.constant 48 : index
        %swap3A_607 = tpu.vector_load %arg7[%swap3A_605, %swap3A_606] {strides = array<i32>} : memref<2x128xi32, #tpu.memory_space<vmem>>, vector<1x16xi32>,
        %swap3A_608 = vector.shape_cast %swap3A_607 : vector<1x16xi32> to vector<16xi32>
        %swap3A_609 = vector.shape_cast %and3A_603 : vector<16xi32> to vector<1x16xi32>
        tpu.vector_store %arg7[%swap3A_605, %swap3A_606], %swap3A_609 {strides = array<i32>} : memref<2x128xi32, #tpu.memory_space<vmem>>, vector<1x16xi32>,
        %shift_right_logical3A_610 = arith.constant 16 : i32
        %shift_right_logical3A_611 = vector.broadcast %shift_right_logical3A_610 : i32 to vector<16xi32>
        %shift_right_logical3A_612 = arith.shrui %get3A_600, %shift_right_logical3A_611 : vector<16xi32>
        %swap3A_613 = arith.constant 1 : i32
        %swap3A_614 = arith.index_cast %swap3A_613 : i32 to index
        %swap3A_615 = arith.constant 48 : index
        %swap3A_616 = tpu.vector_load %arg8[%swap3A_614, %swap3A_615] {strides = array<i32>} : memref<2x128xi32, #tpu.memory_space<vmem>>, vector<1x16xi32>,
        %swap3A_617 = vector.shape_cast %swap3A_616 : vector<1x16xi32> to vector<16xi32>
        %swap3A_618 = vector.shape_cast %shift_right_logical3A_612 : vector<16xi32> to vector<1x16xi32>
        tpu.vector_store %arg8[%swap3A_614, %swap3A_615], %swap3A_618 {strides = array<i32>} : memref<2x128xi32, #tpu.memory_space<vmem>>, vector<1x16xi32>,
        %get3A_619 = arith.index_cast %add3A_510 : i32 to index
        %get3A_620 = arith.constant 64 : index
        %get3A_621 = tpu.vector_load %arg6[%get3A_619, %get3A_620] {strides = array<i32>} : memref<80x128xi32, #tpu.memory_space<vmem>>, vector<1x16xi32>,
        %get3A_622 = vector.shape_cast %get3A_621 : vector<1x16xi32> to vector<16xi32>
        %and3A_623 = arith.constant 65535 : i32
        %and3A_624 = vector.broadcast %and3A_623 : i32 to vector<16xi32>
        %and3A_625 = arith.andi %get3A_622, %and3A_624 : vector<16xi32>
        %swap3A_626 = arith.constant 1 : i32
        %swap3A_627 = arith.index_cast %swap3A_626 : i32 to index
        %swap3A_628 = arith.constant 64 : index
        %swap3A_629 = tpu.vector_load %arg7[%swap3A_627, %swap3A_628] {strides = array<i32>} : memref<2x128xi32, #tpu.memory_space<vmem>>, vector<1x16xi32>,
        %swap3A_630 = vector.shape_cast %swap3A_629 : vector<1x16xi32> to vector<16xi32>
        %swap3A_631 = vector.shape_cast %and3A_625 : vector<16xi32> to vector<1x16xi32>
        tpu.vector_store %arg7[%swap3A_627, %swap3A_628], %swap3A_631 {strides = array<i32>} : memref<2x128xi32, #tpu.memory_space<vmem>>, vector<1x16xi32>,
        %shift_right_logical3A_632 = arith.constant 16 : i32
        %shift_right_logical3A_633 = vector.broadcast %shift_right_logical3A_632 : i32 to vector<16xi32>
        %shift_right_logical3A_634 = arith.shrui %get3A_622, %shift_right_logical3A_633 : vector<16xi32>
        %swap3A_635 = arith.constant 1 : i32
        %swap3A_636 = arith.index_cast %swap3A_635 : i32 to index
        %swap3A_637 = arith.constant 64 : index
        %swap3A_638 = tpu.vector_load %arg8[%swap3A_636, %swap3A_637] {strides = array<i32>} : memref<2x128xi32, #tpu.memory_space<vmem>>, vector<1x16xi32>,
        %swap3A_639 = vector.shape_cast %swap3A_638 : vector<1x16xi32> to vector<16xi32>
        %swap3A_640 = vector.shape_cast %shift_right_logical3A_634 : vector<16xi32> to vector<1x16xi32>
        tpu.vector_store %arg8[%swap3A_636, %swap3A_637], %swap3A_640 {strides = array<i32>} : memref<2x128xi32, #tpu.memory_space<vmem>>, vector<1x16xi32>,
        %get3A_641 = arith.index_cast %add3A_510 : i32 to index
        %get3A_642 = arith.constant 80 : index
        %get3A_643 = tpu.vector_load %arg6[%get3A_641, %get3A_642] {strides = array<i32>} : memref<80x128xi32, #tpu.memory_space<vmem>>, vector<1x16xi32>,
        %get3A_644 = vector.shape_cast %get3A_643 : vector<1x16xi32> to vector<16xi32>
        %and3A_645 = arith.constant 65535 : i32
        %and3A_646 = vector.broadcast %and3A_645 : i32 to vector<16xi32>
        %and3A_647 = arith.andi %get3A_644, %and3A_646 : vector<16xi32>
        %swap3A_648 = arith.constant 1 : i32
        %swap3A_649 = arith.index_cast %swap3A_648 : i32 to index
        %swap3A_650 = arith.constant 80 : index
        %swap3A_651 = tpu.vector_load %arg7[%swap3A_649, %swap3A_650] {strides = array<i32>} : memref<2x128xi32, #tpu.memory_space<vmem>>, vector<1x16xi32>,
        %swap3A_652 = vector.shape_cast %swap3A_651 : vector<1x16xi32> to vector<16xi32>
        %swap3A_653 = vector.shape_cast %and3A_647 : vector<16xi32> to vector<1x16xi32>
        tpu.vector_store %arg7[%swap3A_649, %swap3A_650], %swap3A_653 {strides = array<i32>} : memref<2x128xi32, #tpu.memory_space<vmem>>, vector<1x16xi32>,
        %shift_right_logical3A_654 = arith.constant 16 : i32
        %shift_right_logical3A_655 = vector.broadcast %shift_right_logical3A_654 : i32 to vector<16xi32>
        %shift_right_logical3A_656 = arith.shrui %get3A_644, %shift_right_logical3A_655 : vector<16xi32>
        %swap3A_657 = arith.constant 1 : i32
        %swap3A_658 = arith.index_cast %swap3A_657 : i32 to index
        %swap3A_659 = arith.constant 80 : index
        %swap3A_660 = tpu.vector_load %arg8[%swap3A_658, %swap3A_659] {strides = array<i32>} : memref<2x128xi32, #tpu.memory_space<vmem>>, vector<1x16xi32>,
        %swap3A_661 = vector.shape_cast %swap3A_660 : vector<1x16xi32> to vector<16xi32>
        %swap3A_662 = vector.shape_cast %shift_right_logical3A_656 : vector<16xi32> to vector<1x16xi32>
        tpu.vector_store %arg8[%swap3A_658, %swap3A_659], %swap3A_662 {strides = array<i32>} : memref<2x128xi32, #tpu.memory_space<vmem>>, vector<1x16xi32>,
        %get3A_663 = arith.index_cast %add3A_510 : i32 to index
        %get3A_664 = arith.constant 96 : index
        %get3A_665 = tpu.vector_load %arg6[%get3A_663, %get3A_664] {strides = array<i32>} : memref<80x128xi32, #tpu.memory_space<vmem>>, vector<1x16xi32>,
        %get3A_666 = vector.shape_cast %get3A_665 : vector<1x16xi32> to vector<16xi32>
        %and3A_667 = arith.constant 65535 : i32
        %and3A_668 = vector.broadcast %and3A_667 : i32 to vector<16xi32>
        %and3A_669 = arith.andi %get3A_666, %and3A_668 : vector<16xi32>
        %swap3A_670 = arith.constant 1 : i32
        %swap3A_671 = arith.index_cast %swap3A_670 : i32 to index
        %swap3A_672 = arith.constant 96 : index
        %swap3A_673 = tpu.vector_load %arg7[%swap3A_671, %swap3A_672] {strides = array<i32>} : memref<2x128xi32, #tpu.memory_space<vmem>>, vector<1x16xi32>,
        %swap3A_674 = vector.shape_cast %swap3A_673 : vector<1x16xi32> to vector<16xi32>
        %swap3A_675 = vector.shape_cast %and3A_669 : vector<16xi32> to vector<1x16xi32>
        tpu.vector_store %arg7[%swap3A_671, %swap3A_672], %swap3A_675 {strides = array<i32>} : memref<2x128xi32, #tpu.memory_space<vmem>>, vector<1x16xi32>,
        %shift_right_logical3A_676 = arith.constant 16 : i32
        %shift_right_logical3A_677 = vector.broadcast %shift_right_logical3A_676 : i32 to vector<16xi32>
        %shift_right_logical3A_678 = arith.shrui %get3A_666, %shift_right_logical3A_677 : vector<16xi32>
        %swap3A_679 = arith.constant 1 : i32
        %swap3A_680 = arith.index_cast %swap3A_679 : i32 to index
        %swap3A_681 = arith.constant 96 : index
        %swap3A_682 = tpu.vector_load %arg8[%swap3A_680, %swap3A_681] {strides = array<i32>} : memref<2x128xi32, #tpu.memory_space<vmem>>, vector<1x16xi32>,
        %swap3A_683 = vector.shape_cast %swap3A_682 : vector<1x16xi32> to vector<16xi32>
        %swap3A_684 = vector.shape_cast %shift_right_logical3A_678 : vector<16xi32> to vector<1x16xi32>
        tpu.vector_store %arg8[%swap3A_680, %swap3A_681], %swap3A_684 {strides = array<i32>} : memref<2x128xi32, #tpu.memory_space<vmem>>, vector<1x16xi32>,
        %get3A_685 = arith.index_cast %add3A_510 : i32 to index
        %get3A_686 = arith.constant 112 : index
        %get3A_687 = tpu.vector_load %arg6[%get3A_685, %get3A_686] {strides = array<i32>} : memref<80x128xi32, #tpu.memory_space<vmem>>, vector<1x16xi32>,
        %get3A_688 = vector.shape_cast %get3A_687 : vector<1x16xi32> to vector<16xi32>
        %and3A_689 = arith.constant 65535 : i32
        %and3A_690 = vector.broadcast %and3A_689 : i32 to vector<16xi32>
        %and3A_691 = arith.andi %get3A_688, %and3A_690 : vector<16xi32>
        %swap3A_692 = arith.constant 1 : i32
        %swap3A_693 = arith.index_cast %swap3A_692 : i32 to index
        %swap3A_694 = arith.constant 112 : index
        %swap3A_695 = tpu.vector_load %arg7[%swap3A_693, %swap3A_694] {strides = array<i32>} : memref<2x128xi32, #tpu.memory_space<vmem>>, vector<1x16xi32>,
        %swap3A_696 = vector.shape_cast %swap3A_695 : vector<1x16xi32> to vector<16xi32>
        %swap3A_697 = vector.shape_cast %and3A_691 : vector<16xi32> to vector<1x16xi32>
        tpu.vector_store %arg7[%swap3A_693, %swap3A_694], %swap3A_697 {strides = array<i32>} : memref<2x128xi32, #tpu.memory_space<vmem>>, vector<1x16xi32>,
        %shift_right_logical3A_698 = arith.constant 16 : i32
        %shift_right_logical3A_699 = vector.broadcast %shift_right_logical3A_698 : i32 to vector<16xi32>
        %shift_right_logical3A_700 = arith.shrui %get3A_688, %shift_right_logical3A_699 : vector<16xi32>
        %swap3A_701 = arith.constant 1 : i32
        %swap3A_702 = arith.index_cast %swap3A_701 : i32 to index
        %swap3A_703 = arith.constant 112 : index
        %swap3A_704 = tpu.vector_load %arg8[%swap3A_702, %swap3A_703] {strides = array<i32>} : memref<2x128xi32, #tpu.memory_space<vmem>>, vector<1x16xi32>,
        %swap3A_705 = vector.shape_cast %swap3A_704 : vector<1x16xi32> to vector<16xi32>
        %swap3A_706 = vector.shape_cast %shift_right_logical3A_700 : vector<16xi32> to vector<1x16xi32>
        tpu.vector_store %arg8[%swap3A_702, %swap3A_703], %swap3A_706 {strides = array<i32>} : memref<2x128xi32, #tpu.memory_space<vmem>>, vector<1x16xi32>,
        %dma_start3A_707 = arith.constant 1 : i32
        %dma_start3A_708 = arith.constant 1 : i32
        %dma_start3A_709 = arith.constant 1 : i32
        %dma_start3A_710 = arith.constant 0 : i32
        %dma_start3A_711 = arith.constant 0 : i32
        %dma_start3A_712 = tpu.memref_slice %arg9[%dma_start3A_708, %dma_start3A_710, %dma_start3A_711] : memref<2x128x128xf32, #tpu.memory_space<vmem>> -> memref<1x128x128xf32, #tpu.memory_space<vmem>>
        %dma_start3A_713 = tpu.memref_squeeze %dma_start3A_712 : memref<1x128x128xf32, #tpu.memory_space<vmem>> -> memref<128x128xf32, #tpu.memory_space<vmem>>
        %dma_start3A_714 = arith.constant 0 : i32
        %dma_start3A_715 = tpu.memref_slice %arg7[%dma_start3A_707, %dma_start3A_714] : memref<2x128xi32, #tpu.memory_space<vmem>> -> memref<1x128xi32, #tpu.memory_space<vmem>>
        %dma_start3A_716 = tpu.memref_squeeze %dma_start3A_715 : memref<1x128xi32, #tpu.memory_space<vmem>> -> memref<128xi32, #tpu.memory_space<vmem>>
        %dma_start3A_717 = arith.constant 0 : i32
        %dma_start3A_718 = arith.constant 0 : i32
        %dma_start3A_719 = tpu.memref_slice %arg2[%dma_start3A_717, %dma_start3A_718] : memref<10240x128xf32, #tpu.memory_space<hbm>> -> memref<10240x128xf32, #tpu.memory_space<hbm>>
        %dma_start3A_720 = tpu.memref_slice %arg11[%dma_start3A_709] : memref<2x!tpu.dma_semaphore, #tpu.memory_space<semaphore_mem>> -> memref<1x!tpu.dma_semaphore, #tpu.memory_space<semaphore_mem>>
        %dma_start3A_721 = tpu.memref_squeeze %dma_start3A_720 : memref<1x!tpu.dma_semaphore, #tpu.memory_space<semaphore_mem>> -> memref<!tpu.dma_semaphore, #tpu.memory_space<semaphore_mem>>
        tpu.enqueue_indirect_dma source(%dma_start3A_719 : memref<10240x128xf32, #tpu.memory_space<hbm>>) target(%dma_start3A_713 : memref<128x128xf32, #tpu.memory_space<vmem>>) offsets(%dma_start3A_716 : memref<128xi32, #tpu.memory_space<vmem>>) semaphore(%dma_start3A_721 : memref<!tpu.dma_semaphore, #tpu.memory_space<semaphore_mem>>)
      } else {
      }
    }
    %scan3A_401 = arith.constant 40 : i32
    %dma_wait3A = arith.constant 0 : i32
    %dma_wait3A_402 = arith.constant 0 : i32
    %dma_wait3A_403 = arith.constant 0 : i32
    %dma_wait3A_404 = arith.constant 0 : i32
    %dma_wait3A_405 = arith.constant 0 : i32
    %dma_wait3A_406 = tpu.memref_slice %arg9[%dma_wait3A, %dma_wait3A_404, %dma_wait3A_405] : memref<2x128x128xf32, #tpu.memory_space<vmem>> -> memref<1x128x128xf32, #tpu.memory_space<vmem>>
    %dma_wait3A_407 = tpu.memref_squeeze %dma_wait3A_406 : memref<1x128x128xf32, #tpu.memory_space<vmem>> -> memref<128x128xf32, #tpu.memory_space<vmem>>
    %dma_wait3A_408 = arith.constant 0 : i32
    %dma_wait3A_409 = tpu.memref_slice %arg8[%dma_wait3A_402, %dma_wait3A_408] : memref<2x128xi32, #tpu.memory_space<vmem>> -> memref<1x128xi32, #tpu.memory_space<vmem>>
    %dma_wait3A_410 = tpu.memref_squeeze %dma_wait3A_409 : memref<1x128xi32, #tpu.memory_space<vmem>> -> memref<128xi32, #tpu.memory_space<vmem>>
    %dma_wait3A_411 = arith.constant 0 : i32
    %dma_wait3A_412 = arith.constant 0 : i32
    %dma_wait3A_413 = tpu.memref_slice %arg10[%dma_wait3A_411, %dma_wait3A_412] : memref<10112x128xf32, #tpu.memory_space<vmem_shared>> -> memref<10112x128xf32, #tpu.memory_space<vmem_shared>>
    %dma_wait3A_414 = tpu.memref_slice %arg12[%dma_wait3A_403] : memref<2x!tpu.dma_semaphore, #tpu.memory_space<semaphore_mem>> -> memref<1x!tpu.dma_semaphore, #tpu.memory_space<semaphore_mem>>
    %dma_wait3A_415 = tpu.memref_squeeze %dma_wait3A_414 : memref<1x!tpu.dma_semaphore, #tpu.memory_space<semaphore_mem>> -> memref<!tpu.dma_semaphore, #tpu.memory_space<semaphore_mem>>
    tpu.wait_indirect_dma semaphore(%dma_wait3A_415 : memref<!tpu.dma_semaphore, #tpu.memory_space<semaphore_mem>>) src(%dma_wait3A_407 : memref<128x128xf32, #tpu.memory_space<vmem>>) dst(%dma_wait3A_413 : memref<10112x128xf32, #tpu.memory_space<vmem_shared>>)
    %dma_wait3A_416 = arith.constant 1 : i32
    %dma_wait3A_417 = arith.constant 1 : i32
    %dma_wait3A_418 = arith.constant 1 : i32
    %dma_wait3A_419 = arith.constant 0 : i32
    %dma_wait3A_420 = arith.constant 0 : i32
    %dma_wait3A_421 = tpu.memref_slice %arg9[%dma_wait3A_416, %dma_wait3A_419, %dma_wait3A_420] : memref<2x128x128xf32, #tpu.memory_space<vmem>> -> memref<1x128x128xf32, #tpu.memory_space<vmem>>
    %dma_wait3A_422 = tpu.memref_squeeze %dma_wait3A_421 : memref<1x128x128xf32, #tpu.memory_space<vmem>> -> memref<128x128xf32, #tpu.memory_space<vmem>>
    %dma_wait3A_423 = arith.constant 0 : i32
    %dma_wait3A_424 = tpu.memref_slice %arg8[%dma_wait3A_417, %dma_wait3A_423] : memref<2x128xi32, #tpu.memory_space<vmem>> -> memref<1x128xi32, #tpu.memory_space<vmem>>
    %dma_wait3A_425 = tpu.memref_squeeze %dma_wait3A_424 : memref<1x128xi32, #tpu.memory_space<vmem>> -> memref<128xi32, #tpu.memory_space<vmem>>
    %dma_wait3A_426 = arith.constant 0 : i32
    %dma_wait3A_427 = arith.constant 0 : i32
    %dma_wait3A_428 = tpu.memref_slice %arg10[%dma_wait3A_426, %dma_wait3A_427] : memref<10112x128xf32, #tpu.memory_space<vmem_shared>> -> memref<10112x128xf32, #tpu.memory_space<vmem_shared>>
    %dma_wait3A_429 = tpu.memref_slice %arg12[%dma_wait3A_418] : memref<2x!tpu.dma_semaphore, #tpu.memory_space<semaphore_mem>> -> memref<1x!tpu.dma_semaphore, #tpu.memory_space<semaphore_mem>>
    %dma_wait3A_430 = tpu.memref_squeeze %dma_wait3A_429 : memref<1x!tpu.dma_semaphore, #tpu.memory_space<semaphore_mem>> -> memref<!tpu.dma_semaphore, #tpu.memory_space<semaphore_mem>>
    tpu.wait_indirect_dma semaphore(%dma_wait3A_430 : memref<!tpu.dma_semaphore, #tpu.memory_space<semaphore_mem>>) src(%dma_wait3A_422 : memref<128x128xf32, #tpu.memory_space<vmem>>) dst(%dma_wait3A_428 : memref<10112x128xf32, #tpu.memory_space<vmem_shared>>)
    %barrier3A_431 = arith.constant 0 : index
    tpu.barrier barrier_id(%barrier3A_431)
    %mul3A_432 = arith.constant 632 : i32
    %mul3A_433 = arith.muli %arg1, %mul3A_432 : i32
    %mul3A_434 = arith.constant 632 : i32
    %mul3A_435 = arith.muli %arg1, %mul3A_434 : i32
    "tpu.region"() ({
      %run_scoped3A = tpu.sem_alloc : memref<!tpu.dma_semaphore, #tpu.memory_space<semaphore_mem>>
      %dma_start3A_436 = arith.constant 0 : i32
      %dma_start3A_437 = tpu.memref_slice %arg5[%arg0, %mul3A_435, %dma_start3A_436] : memref<2x10112x128xf32, #tpu.memory_space<hbm>> -> memref<1x632x128xf32, #tpu.memory_space<hbm>>
      %dma_start3A_438 = tpu.memref_squeeze %dma_start3A_437 : memref<1x632x128xf32, #tpu.memory_space<hbm>> -> memref<632x128xf32, #tpu.memory_space<hbm>>
      %dma_start3A_439 = arith.constant 0 : i32
      %dma_start3A_440 = tpu.memref_slice %arg10[%mul3A_433, %dma_start3A_439] : memref<10112x128xf32, #tpu.memory_space<vmem_shared>> -> memref<632x128xf32, #tpu.memory_space<vmem_shared>>
      tpu.enqueue_dma source(%dma_start3A_440 : memref<632x128xf32, #tpu.memory_space<vmem_shared>>) target(%dma_start3A_438 : memref<632x128xf32, #tpu.memory_space<hbm>>) target_semaphore(%run_scoped3A : memref<!tpu.dma_semaphore, #tpu.memory_space<semaphore_mem>>)
      %dma_wait3A_441 = arith.constant 0 : i32
      %dma_wait3A_442 = tpu.memref_slice %arg5[%arg0, %mul3A_435, %dma_wait3A_441] : memref<2x10112x128xf32, #tpu.memory_space<hbm>> -> memref<1x632x128xf32, #tpu.memory_space<hbm>>
      %dma_wait3A_443 = tpu.memref_squeeze %dma_wait3A_442 : memref<1x632x128xf32, #tpu.memory_space<hbm>> -> memref<632x128xf32, #tpu.memory_space<hbm>>
      %dma_wait3A_444 = arith.constant 0 : i32
      %dma_wait3A_445 = tpu.memref_slice %arg10[%mul3A_433, %dma_wait3A_444] : memref<10112x128xf32, #tpu.memory_space<vmem_shared>> -> memref<632x128xf32, #tpu.memory_space<vmem_shared>>
      tpu.wait_dma2 semaphore(%run_scoped3A : memref<!tpu.dma_semaphore, #tpu.memory_space<semaphore_mem>>) src(%dma_wait3A_445 : memref<632x128xf32, #tpu.memory_space<vmem_shared>>) dst(%dma_wait3A_443 : memref<632x128xf32, #tpu.memory_space<hbm>>)
      tpu.yield
    }) : () -> ()
    return
  }
}

#map = affine_map<(d0, d1) -> (0, 0)>
#map1 = affine_map<(d0, d1) -> (0, 0, 0)>
module attributes {stable_mosaic.version = 14 : i64} {
  func.func @sc_segsum(%arg0: i32, %arg1: i32, %arg2: memref<10240x128xf32, #tpu.memory_space<hbm>>, %arg3: memref<32x80x128xi32, #tpu.memory_space<hbm>>, %arg4: memref<10112x128xf32, #tpu.memory_space<hbm>>, %arg5: memref<2x10112x128xf32, #tpu.memory_space<hbm>>, %arg6: memref<80x128xi32, #tpu.memory_space<vmem>>, %arg7: memref<2x128xi32, #tpu.memory_space<vmem>>, %arg8: memref<2x128xi32, #tpu.memory_space<vmem>>, %arg9: memref<2x128x128xf32, #tpu.memory_space<vmem>>, %arg10: memref<10112x128xf32, #tpu.memory_space<vmem_shared>>, %arg11: memref<2x!tpu.dma_semaphore, #tpu.memory_space<semaphore_mem>>, %arg12: memref<2x!tpu.dma_semaphore, #tpu.memory_space<semaphore_mem>>) attributes {dimension_semantics = [#tpu.dimension_semantics<core_parallel>, #tpu.dimension_semantics<subcore_parallel>], iteration_bounds = array<i64: 2, 16>, scalar_prefetch = 0 : i64, scratch_operands = 7 : i64, tpu.core_type = #tpu.core_type<sc_vector_subcore>, window_params = [{transform_indices = #map}, {transform_indices = #map1}, {transform_indices = #map}, {transform_indices = #map1}]} {
    %mul3A = arith.constant 2 : i32
    %mul3A_0 = arith.muli %arg1, %mul3A : i32
    %add3A = arith.addi %mul3A_0, %arg0 : i32
    %mul3A_1 = arith.constant 632 : i32
    %mul3A_2 = arith.muli %arg1, %mul3A_1 : i32
    %mul3A_3 = arith.constant 632 : i32
    %mul3A_4 = arith.muli %arg1, %mul3A_3 : i32
    "tpu.region"() ({
      %run_scoped3A = tpu.sem_alloc : memref<!tpu.dma_semaphore, #tpu.memory_space<semaphore_mem>>
      %dma_start3A_436 = arith.constant 0 : i32
      %dma_start3A_437 = tpu.memref_slice %arg10[%mul3A_4, %dma_start3A_436] : memref<10112x128xf32, #tpu.memory_space<vmem_shared>> -> memref<632x128xf32, #tpu.memory_space<vmem_shared>>
      %dma_start3A_438 = arith.constant 0 : i32
      %dma_start3A_439 = tpu.memref_slice %arg4[%mul3A_2, %dma_start3A_438] : memref<10112x128xf32, #tpu.memory_space<hbm>> -> memref<632x128xf32, #tpu.memory_space<hbm>>
      tpu.enqueue_dma source(%dma_start3A_439 : memref<632x128xf32, #tpu.memory_space<hbm>>) target(%dma_start3A_437 : memref<632x128xf32, #tpu.memory_space<vmem_shared>>) target_semaphore(%run_scoped3A : memref<!tpu.dma_semaphore, #tpu.memory_space<semaphore_mem>>)
      %dma_wait3A_440 = arith.constant 0 : i32
      %dma_wait3A_441 = tpu.memref_slice %arg10[%mul3A_4, %dma_wait3A_440] : memref<10112x128xf32, #tpu.memory_space<vmem_shared>> -> memref<632x128xf32, #tpu.memory_space<vmem_shared>>
      %dma_wait3A_442 = arith.constant 0 : i32
      %dma_wait3A_443 = tpu.memref_slice %arg4[%mul3A_2, %dma_wait3A_442] : memref<10112x128xf32, #tpu.memory_space<hbm>> -> memref<632x128xf32, #tpu.memory_space<hbm>>
      tpu.wait_dma2 semaphore(%run_scoped3A : memref<!tpu.dma_semaphore, #tpu.memory_space<semaphore_mem>>) src(%dma_wait3A_443 : memref<632x128xf32, #tpu.memory_space<hbm>>) dst(%dma_wait3A_441 : memref<632x128xf32, #tpu.memory_space<vmem_shared>>)
      tpu.yield
    }) : () -> ()
    "tpu.region"() ({
      %run_scoped3A = tpu.sem_alloc : memref<!tpu.dma_semaphore, #tpu.memory_space<semaphore_mem>>
      %dma_start3A_436 = arith.constant 0 : i32
      %dma_start3A_437 = arith.constant 0 : i32
      %dma_start3A_438 = tpu.memref_slice %arg3[%add3A, %dma_start3A_436, %dma_start3A_437] : memref<32x80x128xi32, #tpu.memory_space<hbm>> -> memref<1x80x128xi32, #tpu.memory_space<hbm>>
      %dma_start3A_439 = tpu.memref_squeeze %dma_start3A_438 : memref<1x80x128xi32, #tpu.memory_space<hbm>> -> memref<80x128xi32, #tpu.memory_space<hbm>>
      %dma_start3A_440 = arith.constant 0 : i32
      %dma_start3A_441 = arith.constant 0 : i32
      %dma_start3A_442 = tpu.memref_slice %arg3[%add3A, %dma_start3A_440, %dma_start3A_441] : memref<32x80x128xi32, #tpu.memory_space<hbm>> -> memref<1x80x128xi32, #tpu.memory_space<hbm>>
      %dma_start3A_443 = tpu.memref_squeeze %dma_start3A_442 : memref<1x80x128xi32, #tpu.memory_space<hbm>> -> memref<80x128xi32, #tpu.memory_space<hbm>>
      tpu.enqueue_dma source(%dma_start3A_443 : memref<80x128xi32, #tpu.memory_space<hbm>>) target(%arg6 : memref<80x128xi32, #tpu.memory_space<vmem>>) target_semaphore(%run_scoped3A : memref<!tpu.dma_semaphore, #tpu.memory_space<semaphore_mem>>)
      %dma_wait3A_444 = arith.constant 0 : i32
      %dma_wait3A_445 = arith.constant 0 : i32
      %dma_wait3A_446 = tpu.memref_slice %arg3[%add3A, %dma_wait3A_444, %dma_wait3A_445] : memref<32x80x128xi32, #tpu.memory_space<hbm>> -> memref<1x80x128xi32, #tpu.memory_space<hbm>>
      %dma_wait3A_447 = tpu.memref_squeeze %dma_wait3A_446 : memref<1x80x128xi32, #tpu.memory_space<hbm>> -> memref<80x128xi32, #tpu.memory_space<hbm>>
      %dma_wait3A_448 = arith.constant 0 : i32
      %dma_wait3A_449 = arith.constant 0 : i32
      %dma_wait3A_450 = tpu.memref_slice %arg3[%add3A, %dma_wait3A_448, %dma_wait3A_449] : memref<32x80x128xi32, #tpu.memory_space<hbm>> -> memref<1x80x128xi32, #tpu.memory_space<hbm>>
      %dma_wait3A_451 = tpu.memref_squeeze %dma_wait3A_450 : memref<1x80x128xi32, #tpu.memory_space<hbm>> -> memref<80x128xi32, #tpu.memory_space<hbm>>
      tpu.wait_dma2 semaphore(%run_scoped3A : memref<!tpu.dma_semaphore, #tpu.memory_space<semaphore_mem>>) src(%dma_wait3A_451 : memref<80x128xi32, #tpu.memory_space<hbm>>) dst(%arg6 : memref<80x128xi32, #tpu.memory_space<vmem>>)
      tpu.yield
    }) : () -> ()
    %barrier3A = arith.constant 0 : index
    tpu.barrier barrier_id(%barrier3A)
    %get3A = arith.constant 0 : i32
    %get3A_5 = arith.index_cast %get3A : i32 to index
    %get3A_6 = arith.constant 0 : index
    %get3A_7 = tpu.vector_load %arg6[%get3A_5, %get3A_6] {strides = array<i32>} : memref<80x128xi32, #tpu.memory_space<vmem>>, vector<1x16xi32>,
    %get3A_8 = vector.shape_cast %get3A_7 : vector<1x16xi32> to vector<16xi32>
    %and3A = arith.constant 65535 : i32
    %and3A_9 = vector.broadcast %and3A : i32 to vector<16xi32>
    %and3A_10 = arith.andi %get3A_8, %and3A_9 : vector<16xi32>
    %swap3A = arith.constant 0 : i32
    %swap3A_11 = arith.index_cast %swap3A : i32 to index
    %swap3A_12 = arith.constant 0 : index
    %swap3A_13 = tpu.vector_load %arg7[%swap3A_11, %swap3A_12] {strides = array<i32>} : memref<2x128xi32, #tpu.memory_space<vmem>>, vector<1x16xi32>,
    %swap3A_14 = vector.shape_cast %swap3A_13 : vector<1x16xi32> to vector<16xi32>
    %swap3A_15 = vector.shape_cast %and3A_10 : vector<16xi32> to vector<1x16xi32>
    tpu.vector_store %arg7[%swap3A_11, %swap3A_12], %swap3A_15 {strides = array<i32>} : memref<2x128xi32, #tpu.memory_space<vmem>>, vector<1x16xi32>,
    %shift_right_logical3A = arith.constant 16 : i32
    %shift_right_logical3A_16 = vector.broadcast %shift_right_logical3A : i32 to vector<16xi32>
    %shift_right_logical3A_17 = arith.shrui %get3A_8, %shift_right_logical3A_16 : vector<16xi32>
    %swap3A_18 = arith.constant 0 : i32
    %swap3A_19 = arith.index_cast %swap3A_18 : i32 to index
    %swap3A_20 = arith.constant 0 : index
    %swap3A_21 = tpu.vector_load %arg8[%swap3A_19, %swap3A_20] {strides = array<i32>} : memref<2x128xi32, #tpu.memory_space<vmem>>, vector<1x16xi32>,
    %swap3A_22 = vector.shape_cast %swap3A_21 : vector<1x16xi32> to vector<16xi32>
    %swap3A_23 = vector.shape_cast %shift_right_logical3A_17 : vector<16xi32> to vector<1x16xi32>
    tpu.vector_store %arg8[%swap3A_19, %swap3A_20], %swap3A_23 {strides = array<i32>} : memref<2x128xi32, #tpu.memory_space<vmem>>, vector<1x16xi32>,
    %get3A_24 = arith.constant 0 : i32
    %get3A_25 = arith.index_cast %get3A_24 : i32 to index
    %get3A_26 = arith.constant 16 : index
    %get3A_27 = tpu.vector_load %arg6[%get3A_25, %get3A_26] {strides = array<i32>} : memref<80x128xi32, #tpu.memory_space<vmem>>, vector<1x16xi32>,
    %get3A_28 = vector.shape_cast %get3A_27 : vector<1x16xi32> to vector<16xi32>
    %and3A_29 = arith.constant 65535 : i32
    %and3A_30 = vector.broadcast %and3A_29 : i32 to vector<16xi32>
    %and3A_31 = arith.andi %get3A_28, %and3A_30 : vector<16xi32>
    %swap3A_32 = arith.constant 0 : i32
    %swap3A_33 = arith.index_cast %swap3A_32 : i32 to index
    %swap3A_34 = arith.constant 16 : index
    %swap3A_35 = tpu.vector_load %arg7[%swap3A_33, %swap3A_34] {strides = array<i32>} : memref<2x128xi32, #tpu.memory_space<vmem>>, vector<1x16xi32>,
    %swap3A_36 = vector.shape_cast %swap3A_35 : vector<1x16xi32> to vector<16xi32>
    %swap3A_37 = vector.shape_cast %and3A_31 : vector<16xi32> to vector<1x16xi32>
    tpu.vector_store %arg7[%swap3A_33, %swap3A_34], %swap3A_37 {strides = array<i32>} : memref<2x128xi32, #tpu.memory_space<vmem>>, vector<1x16xi32>,
    %shift_right_logical3A_38 = arith.constant 16 : i32
    %shift_right_logical3A_39 = vector.broadcast %shift_right_logical3A_38 : i32 to vector<16xi32>
    %shift_right_logical3A_40 = arith.shrui %get3A_28, %shift_right_logical3A_39 : vector<16xi32>
    %swap3A_41 = arith.constant 0 : i32
    %swap3A_42 = arith.index_cast %swap3A_41 : i32 to index
    %swap3A_43 = arith.constant 16 : index
    %swap3A_44 = tpu.vector_load %arg8[%swap3A_42, %swap3A_43] {strides = array<i32>} : memref<2x128xi32, #tpu.memory_space<vmem>>, vector<1x16xi32>,
    %swap3A_45 = vector.shape_cast %swap3A_44 : vector<1x16xi32> to vector<16xi32>
    %swap3A_46 = vector.shape_cast %shift_right_logical3A_40 : vector<16xi32> to vector<1x16xi32>
    tpu.vector_store %arg8[%swap3A_42, %swap3A_43], %swap3A_46 {strides = array<i32>} : memref<2x128xi32, #tpu.memory_space<vmem>>, vector<1x16xi32>,
    %get3A_47 = arith.constant 0 : i32
    %get3A_48 = arith.index_cast %get3A_47 : i32 to index
    %get3A_49 = arith.constant 32 : index
    %get3A_50 = tpu.vector_load %arg6[%get3A_48, %get3A_49] {strides = array<i32>} : memref<80x128xi32, #tpu.memory_space<vmem>>, vector<1x16xi32>,
    %get3A_51 = vector.shape_cast %get3A_50 : vector<1x16xi32> to vector<16xi32>
    %and3A_52 = arith.constant 65535 : i32
    %and3A_53 = vector.broadcast %and3A_52 : i32 to vector<16xi32>
    %and3A_54 = arith.andi %get3A_51, %and3A_53 : vector<16xi32>
    %swap3A_55 = arith.constant 0 : i32
    %swap3A_56 = arith.index_cast %swap3A_55 : i32 to index
    %swap3A_57 = arith.constant 32 : index
    %swap3A_58 = tpu.vector_load %arg7[%swap3A_56, %swap3A_57] {strides = array<i32>} : memref<2x128xi32, #tpu.memory_space<vmem>>, vector<1x16xi32>,
    %swap3A_59 = vector.shape_cast %swap3A_58 : vector<1x16xi32> to vector<16xi32>
    %swap3A_60 = vector.shape_cast %and3A_54 : vector<16xi32> to vector<1x16xi32>
    tpu.vector_store %arg7[%swap3A_56, %swap3A_57], %swap3A_60 {strides = array<i32>} : memref<2x128xi32, #tpu.memory_space<vmem>>, vector<1x16xi32>,
    %shift_right_logical3A_61 = arith.constant 16 : i32
    %shift_right_logical3A_62 = vector.broadcast %shift_right_logical3A_61 : i32 to vector<16xi32>
    %shift_right_logical3A_63 = arith.shrui %get3A_51, %shift_right_logical3A_62 : vector<16xi32>
    %swap3A_64 = arith.constant 0 : i32
    %swap3A_65 = arith.index_cast %swap3A_64 : i32 to index
    %swap3A_66 = arith.constant 32 : index
    %swap3A_67 = tpu.vector_load %arg8[%swap3A_65, %swap3A_66] {strides = array<i32>} : memref<2x128xi32, #tpu.memory_space<vmem>>, vector<1x16xi32>,
    %swap3A_68 = vector.shape_cast %swap3A_67 : vector<1x16xi32> to vector<16xi32>
    %swap3A_69 = vector.shape_cast %shift_right_logical3A_63 : vector<16xi32> to vector<1x16xi32>
    tpu.vector_store %arg8[%swap3A_65, %swap3A_66], %swap3A_69 {strides = array<i32>} : memref<2x128xi32, #tpu.memory_space<vmem>>, vector<1x16xi32>,
    %get3A_70 = arith.constant 0 : i32
    %get3A_71 = arith.index_cast %get3A_70 : i32 to index
    %get3A_72 = arith.constant 48 : index
    %get3A_73 = tpu.vector_load %arg6[%get3A_71, %get3A_72] {strides = array<i32>} : memref<80x128xi32, #tpu.memory_space<vmem>>, vector<1x16xi32>,
    %get3A_74 = vector.shape_cast %get3A_73 : vector<1x16xi32> to vector<16xi32>
    %and3A_75 = arith.constant 65535 : i32
    %and3A_76 = vector.broadcast %and3A_75 : i32 to vector<16xi32>
    %and3A_77 = arith.andi %get3A_74, %and3A_76 : vector<16xi32>
    %swap3A_78 = arith.constant 0 : i32
    %swap3A_79 = arith.index_cast %swap3A_78 : i32 to index
    %swap3A_80 = arith.constant 48 : index
    %swap3A_81 = tpu.vector_load %arg7[%swap3A_79, %swap3A_80] {strides = array<i32>} : memref<2x128xi32, #tpu.memory_space<vmem>>, vector<1x16xi32>,
    %swap3A_82 = vector.shape_cast %swap3A_81 : vector<1x16xi32> to vector<16xi32>
    %swap3A_83 = vector.shape_cast %and3A_77 : vector<16xi32> to vector<1x16xi32>
    tpu.vector_store %arg7[%swap3A_79, %swap3A_80], %swap3A_83 {strides = array<i32>} : memref<2x128xi32, #tpu.memory_space<vmem>>, vector<1x16xi32>,
    %shift_right_logical3A_84 = arith.constant 16 : i32
    %shift_right_logical3A_85 = vector.broadcast %shift_right_logical3A_84 : i32 to vector<16xi32>
    %shift_right_logical3A_86 = arith.shrui %get3A_74, %shift_right_logical3A_85 : vector<16xi32>
    %swap3A_87 = arith.constant 0 : i32
    %swap3A_88 = arith.index_cast %swap3A_87 : i32 to index
    %swap3A_89 = arith.constant 48 : index
    %swap3A_90 = tpu.vector_load %arg8[%swap3A_88, %swap3A_89] {strides = array<i32>} : memref<2x128xi32, #tpu.memory_space<vmem>>, vector<1x16xi32>,
    %swap3A_91 = vector.shape_cast %swap3A_90 : vector<1x16xi32> to vector<16xi32>
    %swap3A_92 = vector.shape_cast %shift_right_logical3A_86 : vector<16xi32> to vector<1x16xi32>
    tpu.vector_store %arg8[%swap3A_88, %swap3A_89], %swap3A_92 {strides = array<i32>} : memref<2x128xi32, #tpu.memory_space<vmem>>, vector<1x16xi32>,
    %get3A_93 = arith.constant 0 : i32
    %get3A_94 = arith.index_cast %get3A_93 : i32 to index
    %get3A_95 = arith.constant 64 : index
    %get3A_96 = tpu.vector_load %arg6[%get3A_94, %get3A_95] {strides = array<i32>} : memref<80x128xi32, #tpu.memory_space<vmem>>, vector<1x16xi32>,
    %get3A_97 = vector.shape_cast %get3A_96 : vector<1x16xi32> to vector<16xi32>
    %and3A_98 = arith.constant 65535 : i32
    %and3A_99 = vector.broadcast %and3A_98 : i32 to vector<16xi32>
    %and3A_100 = arith.andi %get3A_97, %and3A_99 : vector<16xi32>
    %swap3A_101 = arith.constant 0 : i32
    %swap3A_102 = arith.index_cast %swap3A_101 : i32 to index
    %swap3A_103 = arith.constant 64 : index
    %swap3A_104 = tpu.vector_load %arg7[%swap3A_102, %swap3A_103] {strides = array<i32>} : memref<2x128xi32, #tpu.memory_space<vmem>>, vector<1x16xi32>,
    %swap3A_105 = vector.shape_cast %swap3A_104 : vector<1x16xi32> to vector<16xi32>
    %swap3A_106 = vector.shape_cast %and3A_100 : vector<16xi32> to vector<1x16xi32>
    tpu.vector_store %arg7[%swap3A_102, %swap3A_103], %swap3A_106 {strides = array<i32>} : memref<2x128xi32, #tpu.memory_space<vmem>>, vector<1x16xi32>,
    %shift_right_logical3A_107 = arith.constant 16 : i32
    %shift_right_logical3A_108 = vector.broadcast %shift_right_logical3A_107 : i32 to vector<16xi32>
    %shift_right_logical3A_109 = arith.shrui %get3A_97, %shift_right_logical3A_108 : vector<16xi32>
    %swap3A_110 = arith.constant 0 : i32
    %swap3A_111 = arith.index_cast %swap3A_110 : i32 to index
    %swap3A_112 = arith.constant 64 : index
    %swap3A_113 = tpu.vector_load %arg8[%swap3A_111, %swap3A_112] {strides = array<i32>} : memref<2x128xi32, #tpu.memory_space<vmem>>, vector<1x16xi32>,
    %swap3A_114 = vector.shape_cast %swap3A_113 : vector<1x16xi32> to vector<16xi32>
    %swap3A_115 = vector.shape_cast %shift_right_logical3A_109 : vector<16xi32> to vector<1x16xi32>
    tpu.vector_store %arg8[%swap3A_111, %swap3A_112], %swap3A_115 {strides = array<i32>} : memref<2x128xi32, #tpu.memory_space<vmem>>, vector<1x16xi32>,
    %get3A_116 = arith.constant 0 : i32
    %get3A_117 = arith.index_cast %get3A_116 : i32 to index
    %get3A_118 = arith.constant 80 : index
    %get3A_119 = tpu.vector_load %arg6[%get3A_117, %get3A_118] {strides = array<i32>} : memref<80x128xi32, #tpu.memory_space<vmem>>, vector<1x16xi32>,
    %get3A_120 = vector.shape_cast %get3A_119 : vector<1x16xi32> to vector<16xi32>
    %and3A_121 = arith.constant 65535 : i32
    %and3A_122 = vector.broadcast %and3A_121 : i32 to vector<16xi32>
    %and3A_123 = arith.andi %get3A_120, %and3A_122 : vector<16xi32>
    %swap3A_124 = arith.constant 0 : i32
    %swap3A_125 = arith.index_cast %swap3A_124 : i32 to index
    %swap3A_126 = arith.constant 80 : index
    %swap3A_127 = tpu.vector_load %arg7[%swap3A_125, %swap3A_126] {strides = array<i32>} : memref<2x128xi32, #tpu.memory_space<vmem>>, vector<1x16xi32>,
    %swap3A_128 = vector.shape_cast %swap3A_127 : vector<1x16xi32> to vector<16xi32>
    %swap3A_129 = vector.shape_cast %and3A_123 : vector<16xi32> to vector<1x16xi32>
    tpu.vector_store %arg7[%swap3A_125, %swap3A_126], %swap3A_129 {strides = array<i32>} : memref<2x128xi32, #tpu.memory_space<vmem>>, vector<1x16xi32>,
    %shift_right_logical3A_130 = arith.constant 16 : i32
    %shift_right_logical3A_131 = vector.broadcast %shift_right_logical3A_130 : i32 to vector<16xi32>
    %shift_right_logical3A_132 = arith.shrui %get3A_120, %shift_right_logical3A_131 : vector<16xi32>
    %swap3A_133 = arith.constant 0 : i32
    %swap3A_134 = arith.index_cast %swap3A_133 : i32 to index
    %swap3A_135 = arith.constant 80 : index
    %swap3A_136 = tpu.vector_load %arg8[%swap3A_134, %swap3A_135] {strides = array<i32>} : memref<2x128xi32, #tpu.memory_space<vmem>>, vector<1x16xi32>,
    %swap3A_137 = vector.shape_cast %swap3A_136 : vector<1x16xi32> to vector<16xi32>
    %swap3A_138 = vector.shape_cast %shift_right_logical3A_132 : vector<16xi32> to vector<1x16xi32>
    tpu.vector_store %arg8[%swap3A_134, %swap3A_135], %swap3A_138 {strides = array<i32>} : memref<2x128xi32, #tpu.memory_space<vmem>>, vector<1x16xi32>,
    %get3A_139 = arith.constant 0 : i32
    %get3A_140 = arith.index_cast %get3A_139 : i32 to index
    %get3A_141 = arith.constant 96 : index
    %get3A_142 = tpu.vector_load %arg6[%get3A_140, %get3A_141] {strides = array<i32>} : memref<80x128xi32, #tpu.memory_space<vmem>>, vector<1x16xi32>,
    %get3A_143 = vector.shape_cast %get3A_142 : vector<1x16xi32> to vector<16xi32>
    %and3A_144 = arith.constant 65535 : i32
    %and3A_145 = vector.broadcast %and3A_144 : i32 to vector<16xi32>
    %and3A_146 = arith.andi %get3A_143, %and3A_145 : vector<16xi32>
    %swap3A_147 = arith.constant 0 : i32
    %swap3A_148 = arith.index_cast %swap3A_147 : i32 to index
    %swap3A_149 = arith.constant 96 : index
    %swap3A_150 = tpu.vector_load %arg7[%swap3A_148, %swap3A_149] {strides = array<i32>} : memref<2x128xi32, #tpu.memory_space<vmem>>, vector<1x16xi32>,
    %swap3A_151 = vector.shape_cast %swap3A_150 : vector<1x16xi32> to vector<16xi32>
    %swap3A_152 = vector.shape_cast %and3A_146 : vector<16xi32> to vector<1x16xi32>
    tpu.vector_store %arg7[%swap3A_148, %swap3A_149], %swap3A_152 {strides = array<i32>} : memref<2x128xi32, #tpu.memory_space<vmem>>, vector<1x16xi32>,
    %shift_right_logical3A_153 = arith.constant 16 : i32
    %shift_right_logical3A_154 = vector.broadcast %shift_right_logical3A_153 : i32 to vector<16xi32>
    %shift_right_logical3A_155 = arith.shrui %get3A_143, %shift_right_logical3A_154 : vector<16xi32>
    %swap3A_156 = arith.constant 0 : i32
    %swap3A_157 = arith.index_cast %swap3A_156 : i32 to index
    %swap3A_158 = arith.constant 96 : index
    %swap3A_159 = tpu.vector_load %arg8[%swap3A_157, %swap3A_158] {strides = array<i32>} : memref<2x128xi32, #tpu.memory_space<vmem>>, vector<1x16xi32>,
    %swap3A_160 = vector.shape_cast %swap3A_159 : vector<1x16xi32> to vector<16xi32>
    %swap3A_161 = vector.shape_cast %shift_right_logical3A_155 : vector<16xi32> to vector<1x16xi32>
    tpu.vector_store %arg8[%swap3A_157, %swap3A_158], %swap3A_161 {strides = array<i32>} : memref<2x128xi32, #tpu.memory_space<vmem>>, vector<1x16xi32>,
    %get3A_162 = arith.constant 0 : i32
    %get3A_163 = arith.index_cast %get3A_162 : i32 to index
    %get3A_164 = arith.constant 112 : index
    %get3A_165 = tpu.vector_load %arg6[%get3A_163, %get3A_164] {strides = array<i32>} : memref<80x128xi32, #tpu.memory_space<vmem>>, vector<1x16xi32>,
    %get3A_166 = vector.shape_cast %get3A_165 : vector<1x16xi32> to vector<16xi32>
    %and3A_167 = arith.constant 65535 : i32
    %and3A_168 = vector.broadcast %and3A_167 : i32 to vector<16xi32>
    %and3A_169 = arith.andi %get3A_166, %and3A_168 : vector<16xi32>
    %swap3A_170 = arith.constant 0 : i32
    %swap3A_171 = arith.index_cast %swap3A_170 : i32 to index
    %swap3A_172 = arith.constant 112 : index
    %swap3A_173 = tpu.vector_load %arg7[%swap3A_171, %swap3A_172] {strides = array<i32>} : memref<2x128xi32, #tpu.memory_space<vmem>>, vector<1x16xi32>,
    %swap3A_174 = vector.shape_cast %swap3A_173 : vector<1x16xi32> to vector<16xi32>
    %swap3A_175 = vector.shape_cast %and3A_169 : vector<16xi32> to vector<1x16xi32>
    tpu.vector_store %arg7[%swap3A_171, %swap3A_172], %swap3A_175 {strides = array<i32>} : memref<2x128xi32, #tpu.memory_space<vmem>>, vector<1x16xi32>,
    %shift_right_logical3A_176 = arith.constant 16 : i32
    %shift_right_logical3A_177 = vector.broadcast %shift_right_logical3A_176 : i32 to vector<16xi32>
    %shift_right_logical3A_178 = arith.shrui %get3A_166, %shift_right_logical3A_177 : vector<16xi32>
    %swap3A_179 = arith.constant 0 : i32
    %swap3A_180 = arith.index_cast %swap3A_179 : i32 to index
    %swap3A_181 = arith.constant 112 : index
    %swap3A_182 = tpu.vector_load %arg8[%swap3A_180, %swap3A_181] {strides = array<i32>} : memref<2x128xi32, #tpu.memory_space<vmem>>, vector<1x16xi32>,
    %swap3A_183 = vector.shape_cast %swap3A_182 : vector<1x16xi32> to vector<16xi32>
    %swap3A_184 = vector.shape_cast %shift_right_logical3A_178 : vector<16xi32> to vector<1x16xi32>
    tpu.vector_store %arg8[%swap3A_180, %swap3A_181], %swap3A_184 {strides = array<i32>} : memref<2x128xi32, #tpu.memory_space<vmem>>, vector<1x16xi32>,
    %dma_start3A = arith.constant 0 : i32
    %dma_start3A_185 = arith.constant 0 : i32
    %dma_start3A_186 = arith.constant 0 : i32
    %dma_start3A_187 = arith.constant 0 : i32
    %dma_start3A_188 = arith.constant 0 : i32
    %dma_start3A_189 = tpu.memref_slice %arg9[%dma_start3A_185, %dma_start3A_187, %dma_start3A_188] : memref<2x128x128xf32, #tpu.memory_space<vmem>> -> memref<1x128x128xf32, #tpu.memory_space<vmem>>
    %dma_start3A_190 = tpu.memref_squeeze %dma_start3A_189 : memref<1x128x128xf32, #tpu.memory_space<vmem>> -> memref<128x128xf32, #tpu.memory_space<vmem>>
    %dma_start3A_191 = arith.constant 0 : i32
    %dma_start3A_192 = tpu.memref_slice %arg7[%dma_start3A, %dma_start3A_191] : memref<2x128xi32, #tpu.memory_space<vmem>> -> memref<1x128xi32, #tpu.memory_space<vmem>>
    %dma_start3A_193 = tpu.memref_squeeze %dma_start3A_192 : memref<1x128xi32, #tpu.memory_space<vmem>> -> memref<128xi32, #tpu.memory_space<vmem>>
    %dma_start3A_194 = arith.constant 0 : i32
    %dma_start3A_195 = arith.constant 0 : i32
    %dma_start3A_196 = tpu.memref_slice %arg2[%dma_start3A_194, %dma_start3A_195] : memref<10240x128xf32, #tpu.memory_space<hbm>> -> memref<10240x128xf32, #tpu.memory_space<hbm>>
    %dma_start3A_197 = tpu.memref_slice %arg11[%dma_start3A_186] : memref<2x!tpu.dma_semaphore, #tpu.memory_space<semaphore_mem>> -> memref<1x!tpu.dma_semaphore, #tpu.memory_space<semaphore_mem>>
    %dma_start3A_198 = tpu.memref_squeeze %dma_start3A_197 : memref<1x!tpu.dma_semaphore, #tpu.memory_space<semaphore_mem>> -> memref<!tpu.dma_semaphore, #tpu.memory_space<semaphore_mem>>
    tpu.enqueue_indirect_dma source(%dma_start3A_196 : memref<10240x128xf32, #tpu.memory_space<hbm>>) target(%dma_start3A_190 : memref<128x128xf32, #tpu.memory_space<vmem>>) offsets(%dma_start3A_193 : memref<128xi32, #tpu.memory_space<vmem>>) semaphore(%dma_start3A_198 : memref<!tpu.dma_semaphore, #tpu.memory_space<semaphore_mem>>)
    %get3A_199 = arith.constant 1 : i32
    %get3A_200 = arith.index_cast %get3A_199 : i32 to index
    %get3A_201 = arith.constant 0 : index
    %get3A_202 = tpu.vector_load %arg6[%get3A_200, %get3A_201] {strides = array<i32>} : memref<80x128xi32, #tpu.memory_space<vmem>>, vector<1x16xi32>,
    %get3A_203 = vector.shape_cast %get3A_202 : vector<1x16xi32> to vector<16xi32>
    %and3A_204 = arith.constant 65535 : i32
    %and3A_205 = vector.broadcast %and3A_204 : i32 to vector<16xi32>
    %and3A_206 = arith.andi %get3A_203, %and3A_205 : vector<16xi32>
    %swap3A_207 = arith.constant 1 : i32
    %swap3A_208 = arith.index_cast %swap3A_207 : i32 to index
    %swap3A_209 = arith.constant 0 : index
    %swap3A_210 = tpu.vector_load %arg7[%swap3A_208, %swap3A_209] {strides = array<i32>} : memref<2x128xi32, #tpu.memory_space<vmem>>, vector<1x16xi32>,
    %swap3A_211 = vector.shape_cast %swap3A_210 : vector<1x16xi32> to vector<16xi32>
    %swap3A_212 = vector.shape_cast %and3A_206 : vector<16xi32> to vector<1x16xi32>
    tpu.vector_store %arg7[%swap3A_208, %swap3A_209], %swap3A_212 {strides = array<i32>} : memref<2x128xi32, #tpu.memory_space<vmem>>, vector<1x16xi32>,
    %shift_right_logical3A_213 = arith.constant 16 : i32
    %shift_right_logical3A_214 = vector.broadcast %shift_right_logical3A_213 : i32 to vector<16xi32>
    %shift_right_logical3A_215 = arith.shrui %get3A_203, %shift_right_logical3A_214 : vector<16xi32>
    %swap3A_216 = arith.constant 1 : i32
    %swap3A_217 = arith.index_cast %swap3A_216 : i32 to index
    %swap3A_218 = arith.constant 0 : index
    %swap3A_219 = tpu.vector_load %arg8[%swap3A_217, %swap3A_218] {strides = array<i32>} : memref<2x128xi32, #tpu.memory_space<vmem>>, vector<1x16xi32>,
    %swap3A_220 = vector.shape_cast %swap3A_219 : vector<1x16xi32> to vector<16xi32>
    %swap3A_221 = vector.shape_cast %shift_right_logical3A_215 : vector<16xi32> to vector<1x16xi32>
    tpu.vector_store %arg8[%swap3A_217, %swap3A_218], %swap3A_221 {strides = array<i32>} : memref<2x128xi32, #tpu.memory_space<vmem>>, vector<1x16xi32>,
    %get3A_222 = arith.constant 1 : i32
    %get3A_223 = arith.index_cast %get3A_222 : i32 to index
    %get3A_224 = arith.constant 16 : index
    %get3A_225 = tpu.vector_load %arg6[%get3A_223, %get3A_224] {strides = array<i32>} : memref<80x128xi32, #tpu.memory_space<vmem>>, vector<1x16xi32>,
    %get3A_226 = vector.shape_cast %get3A_225 : vector<1x16xi32> to vector<16xi32>
    %and3A_227 = arith.constant 65535 : i32
    %and3A_228 = vector.broadcast %and3A_227 : i32 to vector<16xi32>
    %and3A_229 = arith.andi %get3A_226, %and3A_228 : vector<16xi32>
    %swap3A_230 = arith.constant 1 : i32
    %swap3A_231 = arith.index_cast %swap3A_230 : i32 to index
    %swap3A_232 = arith.constant 16 : index
    %swap3A_233 = tpu.vector_load %arg7[%swap3A_231, %swap3A_232] {strides = array<i32>} : memref<2x128xi32, #tpu.memory_space<vmem>>, vector<1x16xi32>,
    %swap3A_234 = vector.shape_cast %swap3A_233 : vector<1x16xi32> to vector<16xi32>
    %swap3A_235 = vector.shape_cast %and3A_229 : vector<16xi32> to vector<1x16xi32>
    tpu.vector_store %arg7[%swap3A_231, %swap3A_232], %swap3A_235 {strides = array<i32>} : memref<2x128xi32, #tpu.memory_space<vmem>>, vector<1x16xi32>,
    %shift_right_logical3A_236 = arith.constant 16 : i32
    %shift_right_logical3A_237 = vector.broadcast %shift_right_logical3A_236 : i32 to vector<16xi32>
    %shift_right_logical3A_238 = arith.shrui %get3A_226, %shift_right_logical3A_237 : vector<16xi32>
    %swap3A_239 = arith.constant 1 : i32
    %swap3A_240 = arith.index_cast %swap3A_239 : i32 to index
    %swap3A_241 = arith.constant 16 : index
    %swap3A_242 = tpu.vector_load %arg8[%swap3A_240, %swap3A_241] {strides = array<i32>} : memref<2x128xi32, #tpu.memory_space<vmem>>, vector<1x16xi32>,
    %swap3A_243 = vector.shape_cast %swap3A_242 : vector<1x16xi32> to vector<16xi32>
    %swap3A_244 = vector.shape_cast %shift_right_logical3A_238 : vector<16xi32> to vector<1x16xi32>
    tpu.vector_store %arg8[%swap3A_240, %swap3A_241], %swap3A_244 {strides = array<i32>} : memref<2x128xi32, #tpu.memory_space<vmem>>, vector<1x16xi32>,
    %get3A_245 = arith.constant 1 : i32
    %get3A_246 = arith.index_cast %get3A_245 : i32 to index
    %get3A_247 = arith.constant 32 : index
    %get3A_248 = tpu.vector_load %arg6[%get3A_246, %get3A_247] {strides = array<i32>} : memref<80x128xi32, #tpu.memory_space<vmem>>, vector<1x16xi32>,
    %get3A_249 = vector.shape_cast %get3A_248 : vector<1x16xi32> to vector<16xi32>
    %and3A_250 = arith.constant 65535 : i32
    %and3A_251 = vector.broadcast %and3A_250 : i32 to vector<16xi32>
    %and3A_252 = arith.andi %get3A_249, %and3A_251 : vector<16xi32>
    %swap3A_253 = arith.constant 1 : i32
    %swap3A_254 = arith.index_cast %swap3A_253 : i32 to index
    %swap3A_255 = arith.constant 32 : index
    %swap3A_256 = tpu.vector_load %arg7[%swap3A_254, %swap3A_255] {strides = array<i32>} : memref<2x128xi32, #tpu.memory_space<vmem>>, vector<1x16xi32>,
    %swap3A_257 = vector.shape_cast %swap3A_256 : vector<1x16xi32> to vector<16xi32>
    %swap3A_258 = vector.shape_cast %and3A_252 : vector<16xi32> to vector<1x16xi32>
    tpu.vector_store %arg7[%swap3A_254, %swap3A_255], %swap3A_258 {strides = array<i32>} : memref<2x128xi32, #tpu.memory_space<vmem>>, vector<1x16xi32>,
    %shift_right_logical3A_259 = arith.constant 16 : i32
    %shift_right_logical3A_260 = vector.broadcast %shift_right_logical3A_259 : i32 to vector<16xi32>
    %shift_right_logical3A_261 = arith.shrui %get3A_249, %shift_right_logical3A_260 : vector<16xi32>
    %swap3A_262 = arith.constant 1 : i32
    %swap3A_263 = arith.index_cast %swap3A_262 : i32 to index
    %swap3A_264 = arith.constant 32 : index
    %swap3A_265 = tpu.vector_load %arg8[%swap3A_263, %swap3A_264] {strides = array<i32>} : memref<2x128xi32, #tpu.memory_space<vmem>>, vector<1x16xi32>,
    %swap3A_266 = vector.shape_cast %swap3A_265 : vector<1x16xi32> to vector<16xi32>
    %swap3A_267 = vector.shape_cast %shift_right_logical3A_261 : vector<16xi32> to vector<1x16xi32>
    tpu.vector_store %arg8[%swap3A_263, %swap3A_264], %swap3A_267 {strides = array<i32>} : memref<2x128xi32, #tpu.memory_space<vmem>>, vector<1x16xi32>,
    %get3A_268 = arith.constant 1 : i32
    %get3A_269 = arith.index_cast %get3A_268 : i32 to index
    %get3A_270 = arith.constant 48 : index
    %get3A_271 = tpu.vector_load %arg6[%get3A_269, %get3A_270] {strides = array<i32>} : memref<80x128xi32, #tpu.memory_space<vmem>>, vector<1x16xi32>,
    %get3A_272 = vector.shape_cast %get3A_271 : vector<1x16xi32> to vector<16xi32>
    %and3A_273 = arith.constant 65535 : i32
    %and3A_274 = vector.broadcast %and3A_273 : i32 to vector<16xi32>
    %and3A_275 = arith.andi %get3A_272, %and3A_274 : vector<16xi32>
    %swap3A_276 = arith.constant 1 : i32
    %swap3A_277 = arith.index_cast %swap3A_276 : i32 to index
    %swap3A_278 = arith.constant 48 : index
    %swap3A_279 = tpu.vector_load %arg7[%swap3A_277, %swap3A_278] {strides = array<i32>} : memref<2x128xi32, #tpu.memory_space<vmem>>, vector<1x16xi32>,
    %swap3A_280 = vector.shape_cast %swap3A_279 : vector<1x16xi32> to vector<16xi32>
    %swap3A_281 = vector.shape_cast %and3A_275 : vector<16xi32> to vector<1x16xi32>
    tpu.vector_store %arg7[%swap3A_277, %swap3A_278], %swap3A_281 {strides = array<i32>} : memref<2x128xi32, #tpu.memory_space<vmem>>, vector<1x16xi32>,
    %shift_right_logical3A_282 = arith.constant 16 : i32
    %shift_right_logical3A_283 = vector.broadcast %shift_right_logical3A_282 : i32 to vector<16xi32>
    %shift_right_logical3A_284 = arith.shrui %get3A_272, %shift_right_logical3A_283 : vector<16xi32>
    %swap3A_285 = arith.constant 1 : i32
    %swap3A_286 = arith.index_cast %swap3A_285 : i32 to index
    %swap3A_287 = arith.constant 48 : index
    %swap3A_288 = tpu.vector_load %arg8[%swap3A_286, %swap3A_287] {strides = array<i32>} : memref<2x128xi32, #tpu.memory_space<vmem>>, vector<1x16xi32>,
    %swap3A_289 = vector.shape_cast %swap3A_288 : vector<1x16xi32> to vector<16xi32>
    %swap3A_290 = vector.shape_cast %shift_right_logical3A_284 : vector<16xi32> to vector<1x16xi32>
    tpu.vector_store %arg8[%swap3A_286, %swap3A_287], %swap3A_290 {strides = array<i32>} : memref<2x128xi32, #tpu.memory_space<vmem>>, vector<1x16xi32>,
    %get3A_291 = arith.constant 1 : i32
    %get3A_292 = arith.index_cast %get3A_291 : i32 to index
    %get3A_293 = arith.constant 64 : index
    %get3A_294 = tpu.vector_load %arg6[%get3A_292, %get3A_293] {strides = array<i32>} : memref<80x128xi32, #tpu.memory_space<vmem>>, vector<1x16xi32>,
    %get3A_295 = vector.shape_cast %get3A_294 : vector<1x16xi32> to vector<16xi32>
    %and3A_296 = arith.constant 65535 : i32
    %and3A_297 = vector.broadcast %and3A_296 : i32 to vector<16xi32>
    %and3A_298 = arith.andi %get3A_295, %and3A_297 : vector<16xi32>
    %swap3A_299 = arith.constant 1 : i32
    %swap3A_300 = arith.index_cast %swap3A_299 : i32 to index
    %swap3A_301 = arith.constant 64 : index
    %swap3A_302 = tpu.vector_load %arg7[%swap3A_300, %swap3A_301] {strides = array<i32>} : memref<2x128xi32, #tpu.memory_space<vmem>>, vector<1x16xi32>,
    %swap3A_303 = vector.shape_cast %swap3A_302 : vector<1x16xi32> to vector<16xi32>
    %swap3A_304 = vector.shape_cast %and3A_298 : vector<16xi32> to vector<1x16xi32>
    tpu.vector_store %arg7[%swap3A_300, %swap3A_301], %swap3A_304 {strides = array<i32>} : memref<2x128xi32, #tpu.memory_space<vmem>>, vector<1x16xi32>,
    %shift_right_logical3A_305 = arith.constant 16 : i32
    %shift_right_logical3A_306 = vector.broadcast %shift_right_logical3A_305 : i32 to vector<16xi32>
    %shift_right_logical3A_307 = arith.shrui %get3A_295, %shift_right_logical3A_306 : vector<16xi32>
    %swap3A_308 = arith.constant 1 : i32
    %swap3A_309 = arith.index_cast %swap3A_308 : i32 to index
    %swap3A_310 = arith.constant 64 : index
    %swap3A_311 = tpu.vector_load %arg8[%swap3A_309, %swap3A_310] {strides = array<i32>} : memref<2x128xi32, #tpu.memory_space<vmem>>, vector<1x16xi32>,
    %swap3A_312 = vector.shape_cast %swap3A_311 : vector<1x16xi32> to vector<16xi32>
    %swap3A_313 = vector.shape_cast %shift_right_logical3A_307 : vector<16xi32> to vector<1x16xi32>
    tpu.vector_store %arg8[%swap3A_309, %swap3A_310], %swap3A_313 {strides = array<i32>} : memref<2x128xi32, #tpu.memory_space<vmem>>, vector<1x16xi32>,
    %get3A_314 = arith.constant 1 : i32
    %get3A_315 = arith.index_cast %get3A_314 : i32 to index
    %get3A_316 = arith.constant 80 : index
    %get3A_317 = tpu.vector_load %arg6[%get3A_315, %get3A_316] {strides = array<i32>} : memref<80x128xi32, #tpu.memory_space<vmem>>, vector<1x16xi32>,
    %get3A_318 = vector.shape_cast %get3A_317 : vector<1x16xi32> to vector<16xi32>
    %and3A_319 = arith.constant 65535 : i32
    %and3A_320 = vector.broadcast %and3A_319 : i32 to vector<16xi32>
    %and3A_321 = arith.andi %get3A_318, %and3A_320 : vector<16xi32>
    %swap3A_322 = arith.constant 1 : i32
    %swap3A_323 = arith.index_cast %swap3A_322 : i32 to index
    %swap3A_324 = arith.constant 80 : index
    %swap3A_325 = tpu.vector_load %arg7[%swap3A_323, %swap3A_324] {strides = array<i32>} : memref<2x128xi32, #tpu.memory_space<vmem>>, vector<1x16xi32>,
    %swap3A_326 = vector.shape_cast %swap3A_325 : vector<1x16xi32> to vector<16xi32>
    %swap3A_327 = vector.shape_cast %and3A_321 : vector<16xi32> to vector<1x16xi32>
    tpu.vector_store %arg7[%swap3A_323, %swap3A_324], %swap3A_327 {strides = array<i32>} : memref<2x128xi32, #tpu.memory_space<vmem>>, vector<1x16xi32>,
    %shift_right_logical3A_328 = arith.constant 16 : i32
    %shift_right_logical3A_329 = vector.broadcast %shift_right_logical3A_328 : i32 to vector<16xi32>
    %shift_right_logical3A_330 = arith.shrui %get3A_318, %shift_right_logical3A_329 : vector<16xi32>
    %swap3A_331 = arith.constant 1 : i32
    %swap3A_332 = arith.index_cast %swap3A_331 : i32 to index
    %swap3A_333 = arith.constant 80 : index
    %swap3A_334 = tpu.vector_load %arg8[%swap3A_332, %swap3A_333] {strides = array<i32>} : memref<2x128xi32, #tpu.memory_space<vmem>>, vector<1x16xi32>,
    %swap3A_335 = vector.shape_cast %swap3A_334 : vector<1x16xi32> to vector<16xi32>
    %swap3A_336 = vector.shape_cast %shift_right_logical3A_330 : vector<16xi32> to vector<1x16xi32>
    tpu.vector_store %arg8[%swap3A_332, %swap3A_333], %swap3A_336 {strides = array<i32>} : memref<2x128xi32, #tpu.memory_space<vmem>>, vector<1x16xi32>,
    %get3A_337 = arith.constant 1 : i32
    %get3A_338 = arith.index_cast %get3A_337 : i32 to index
    %get3A_339 = arith.constant 96 : index
    %get3A_340 = tpu.vector_load %arg6[%get3A_338, %get3A_339] {strides = array<i32>} : memref<80x128xi32, #tpu.memory_space<vmem>>, vector<1x16xi32>,
    %get3A_341 = vector.shape_cast %get3A_340 : vector<1x16xi32> to vector<16xi32>
    %and3A_342 = arith.constant 65535 : i32
    %and3A_343 = vector.broadcast %and3A_342 : i32 to vector<16xi32>
    %and3A_344 = arith.andi %get3A_341, %and3A_343 : vector<16xi32>
    %swap3A_345 = arith.constant 1 : i32
    %swap3A_346 = arith.index_cast %swap3A_345 : i32 to index
    %swap3A_347 = arith.constant 96 : index
    %swap3A_348 = tpu.vector_load %arg7[%swap3A_346, %swap3A_347] {strides = array<i32>} : memref<2x128xi32, #tpu.memory_space<vmem>>, vector<1x16xi32>,
    %swap3A_349 = vector.shape_cast %swap3A_348 : vector<1x16xi32> to vector<16xi32>
    %swap3A_350 = vector.shape_cast %and3A_344 : vector<16xi32> to vector<1x16xi32>
    tpu.vector_store %arg7[%swap3A_346, %swap3A_347], %swap3A_350 {strides = array<i32>} : memref<2x128xi32, #tpu.memory_space<vmem>>, vector<1x16xi32>,
    %shift_right_logical3A_351 = arith.constant 16 : i32
    %shift_right_logical3A_352 = vector.broadcast %shift_right_logical3A_351 : i32 to vector<16xi32>
    %shift_right_logical3A_353 = arith.shrui %get3A_341, %shift_right_logical3A_352 : vector<16xi32>
    %swap3A_354 = arith.constant 1 : i32
    %swap3A_355 = arith.index_cast %swap3A_354 : i32 to index
    %swap3A_356 = arith.constant 96 : index
    %swap3A_357 = tpu.vector_load %arg8[%swap3A_355, %swap3A_356] {strides = array<i32>} : memref<2x128xi32, #tpu.memory_space<vmem>>, vector<1x16xi32>,
    %swap3A_358 = vector.shape_cast %swap3A_357 : vector<1x16xi32> to vector<16xi32>
    %swap3A_359 = vector.shape_cast %shift_right_logical3A_353 : vector<16xi32> to vector<1x16xi32>
    tpu.vector_store %arg8[%swap3A_355, %swap3A_356], %swap3A_359 {strides = array<i32>} : memref<2x128xi32, #tpu.memory_space<vmem>>, vector<1x16xi32>,
    %get3A_360 = arith.constant 1 : i32
    %get3A_361 = arith.index_cast %get3A_360 : i32 to index
    %get3A_362 = arith.constant 112 : index
    %get3A_363 = tpu.vector_load %arg6[%get3A_361, %get3A_362] {strides = array<i32>} : memref<80x128xi32, #tpu.memory_space<vmem>>, vector<1x16xi32>,
    %get3A_364 = vector.shape_cast %get3A_363 : vector<1x16xi32> to vector<16xi32>
    %and3A_365 = arith.constant 65535 : i32
    %and3A_366 = vector.broadcast %and3A_365 : i32 to vector<16xi32>
    %and3A_367 = arith.andi %get3A_364, %and3A_366 : vector<16xi32>
    %swap3A_368 = arith.constant 1 : i32
    %swap3A_369 = arith.index_cast %swap3A_368 : i32 to index
    %swap3A_370 = arith.constant 112 : index
    %swap3A_371 = tpu.vector_load %arg7[%swap3A_369, %swap3A_370] {strides = array<i32>} : memref<2x128xi32, #tpu.memory_space<vmem>>, vector<1x16xi32>,
    %swap3A_372 = vector.shape_cast %swap3A_371 : vector<1x16xi32> to vector<16xi32>
    %swap3A_373 = vector.shape_cast %and3A_367 : vector<16xi32> to vector<1x16xi32>
    tpu.vector_store %arg7[%swap3A_369, %swap3A_370], %swap3A_373 {strides = array<i32>} : memref<2x128xi32, #tpu.memory_space<vmem>>, vector<1x16xi32>,
    %shift_right_logical3A_374 = arith.constant 16 : i32
    %shift_right_logical3A_375 = vector.broadcast %shift_right_logical3A_374 : i32 to vector<16xi32>
    %shift_right_logical3A_376 = arith.shrui %get3A_364, %shift_right_logical3A_375 : vector<16xi32>
    %swap3A_377 = arith.constant 1 : i32
    %swap3A_378 = arith.index_cast %swap3A_377 : i32 to index
    %swap3A_379 = arith.constant 112 : index
    %swap3A_380 = tpu.vector_load %arg8[%swap3A_378, %swap3A_379] {strides = array<i32>} : memref<2x128xi32, #tpu.memory_space<vmem>>, vector<1x16xi32>,
    %swap3A_381 = vector.shape_cast %swap3A_380 : vector<1x16xi32> to vector<16xi32>
    %swap3A_382 = vector.shape_cast %shift_right_logical3A_376 : vector<16xi32> to vector<1x16xi32>
    tpu.vector_store %arg8[%swap3A_378, %swap3A_379], %swap3A_382 {strides = array<i32>} : memref<2x128xi32, #tpu.memory_space<vmem>>, vector<1x16xi32>,
    %dma_start3A_383 = arith.constant 1 : i32
    %dma_start3A_384 = arith.constant 1 : i32
    %dma_start3A_385 = arith.constant 1 : i32
    %dma_start3A_386 = arith.constant 0 : i32
    %dma_start3A_387 = arith.constant 0 : i32
    %dma_start3A_388 = tpu.memref_slice %arg9[%dma_start3A_384, %dma_start3A_386, %dma_start3A_387] : memref<2x128x128xf32, #tpu.memory_space<vmem>> -> memref<1x128x128xf32, #tpu.memory_space<vmem>>
    %dma_start3A_389 = tpu.memref_squeeze %dma_start3A_388 : memref<1x128x128xf32, #tpu.memory_space<vmem>> -> memref<128x128xf32, #tpu.memory_space<vmem>>
    %dma_start3A_390 = arith.constant 0 : i32
    %dma_start3A_391 = tpu.memref_slice %arg7[%dma_start3A_383, %dma_start3A_390] : memref<2x128xi32, #tpu.memory_space<vmem>> -> memref<1x128xi32, #tpu.memory_space<vmem>>
    %dma_start3A_392 = tpu.memref_squeeze %dma_start3A_391 : memref<1x128xi32, #tpu.memory_space<vmem>> -> memref<128xi32, #tpu.memory_space<vmem>>
    %dma_start3A_393 = arith.constant 0 : i32
    %dma_start3A_394 = arith.constant 0 : i32
    %dma_start3A_395 = tpu.memref_slice %arg2[%dma_start3A_393, %dma_start3A_394] : memref<10240x128xf32, #tpu.memory_space<hbm>> -> memref<10240x128xf32, #tpu.memory_space<hbm>>
    %dma_start3A_396 = tpu.memref_slice %arg11[%dma_start3A_385] : memref<2x!tpu.dma_semaphore, #tpu.memory_space<semaphore_mem>> -> memref<1x!tpu.dma_semaphore, #tpu.memory_space<semaphore_mem>>
    %dma_start3A_397 = tpu.memref_squeeze %dma_start3A_396 : memref<1x!tpu.dma_semaphore, #tpu.memory_space<semaphore_mem>> -> memref<!tpu.dma_semaphore, #tpu.memory_space<semaphore_mem>>
    tpu.enqueue_indirect_dma source(%dma_start3A_395 : memref<10240x128xf32, #tpu.memory_space<hbm>>) target(%dma_start3A_389 : memref<128x128xf32, #tpu.memory_space<vmem>>) offsets(%dma_start3A_392 : memref<128xi32, #tpu.memory_space<vmem>>) semaphore(%dma_start3A_397 : memref<!tpu.dma_semaphore, #tpu.memory_space<semaphore_mem>>)
    %scan3A = arith.constant 0 : i32
    %scan3A_398 = arith.constant 40 : i32
    %scan3A_399 = arith.addi %scan3A, %scan3A_398 : i32
    %scan3A_400 = arith.constant 1 : i32
    scf.for %scan3A_436 = %scan3A to %scan3A_399 step %scan3A_400  : i32 {
      %mul3A_437 = arith.constant 2 : i32
      %mul3A_438 = arith.muli %scan3A_436, %mul3A_437 : i32
      %add3A_439 = arith.constant 0 : i32
      %add3A_440 = arith.addi %add3A_439, %mul3A_438 : i32
      %dma_wait3A_441 = arith.constant 0 : i32
      %dma_wait3A_442 = arith.constant 0 : i32
      %dma_wait3A_443 = arith.constant 0 : i32
      %dma_wait3A_444 = arith.constant 0 : i32
      %dma_wait3A_445 = arith.constant 0 : i32
      %dma_wait3A_446 = tpu.memref_slice %arg9[%dma_wait3A_442, %dma_wait3A_444, %dma_wait3A_445] : memref<2x128x128xf32, #tpu.memory_space<vmem>> -> memref<1x128x128xf32, #tpu.memory_space<vmem>>
      %dma_wait3A_447 = tpu.memref_squeeze %dma_wait3A_446 : memref<1x128x128xf32, #tpu.memory_space<vmem>> -> memref<128x128xf32, #tpu.memory_space<vmem>>
      %dma_wait3A_448 = arith.constant 0 : i32
      %dma_wait3A_449 = tpu.memref_slice %arg7[%dma_wait3A_441, %dma_wait3A_448] : memref<2x128xi32, #tpu.memory_space<vmem>> -> memref<1x128xi32, #tpu.memory_space<vmem>>
      %dma_wait3A_450 = tpu.memref_squeeze %dma_wait3A_449 : memref<1x128xi32, #tpu.memory_space<vmem>> -> memref<128xi32, #tpu.memory_space<vmem>>
      %dma_wait3A_451 = arith.constant 0 : i32
      %dma_wait3A_452 = arith.constant 0 : i32
      %dma_wait3A_453 = tpu.memref_slice %arg2[%dma_wait3A_451, %dma_wait3A_452] : memref<10240x128xf32, #tpu.memory_space<hbm>> -> memref<10240x128xf32, #tpu.memory_space<hbm>>
      %dma_wait3A_454 = tpu.memref_slice %arg11[%dma_wait3A_443] : memref<2x!tpu.dma_semaphore, #tpu.memory_space<semaphore_mem>> -> memref<1x!tpu.dma_semaphore, #tpu.memory_space<semaphore_mem>>
      %dma_wait3A_455 = tpu.memref_squeeze %dma_wait3A_454 : memref<1x!tpu.dma_semaphore, #tpu.memory_space<semaphore_mem>> -> memref<!tpu.dma_semaphore, #tpu.memory_space<semaphore_mem>>
      tpu.wait_indirect_dma semaphore(%dma_wait3A_455 : memref<!tpu.dma_semaphore, #tpu.memory_space<semaphore_mem>>) src(%dma_wait3A_453 : memref<10240x128xf32, #tpu.memory_space<hbm>>) dst(%dma_wait3A_447 : memref<128x128xf32, #tpu.memory_space<vmem>>)
      %dma_start3A_456 = arith.constant 0 : i32
      %dma_start3A_457 = arith.constant 0 : i32
      %dma_start3A_458 = arith.constant 0 : i32
      %dma_start3A_459 = arith.constant 0 : i32
      %dma_start3A_460 = arith.constant 0 : i32
      %dma_start3A_461 = tpu.memref_slice %arg9[%dma_start3A_456, %dma_start3A_459, %dma_start3A_460] : memref<2x128x128xf32, #tpu.memory_space<vmem>> -> memref<1x128x128xf32, #tpu.memory_space<vmem>>
      %dma_start3A_462 = tpu.memref_squeeze %dma_start3A_461 : memref<1x128x128xf32, #tpu.memory_space<vmem>> -> memref<128x128xf32, #tpu.memory_space<vmem>>
      %dma_start3A_463 = arith.constant 0 : i32
      %dma_start3A_464 = tpu.memref_slice %arg8[%dma_start3A_457, %dma_start3A_463] : memref<2x128xi32, #tpu.memory_space<vmem>> -> memref<1x128xi32, #tpu.memory_space<vmem>>
      %dma_start3A_465 = tpu.memref_squeeze %dma_start3A_464 : memref<1x128xi32, #tpu.memory_space<vmem>> -> memref<128xi32, #tpu.memory_space<vmem>>
      %dma_start3A_466 = arith.constant 0 : i32
      %dma_start3A_467 = arith.constant 0 : i32
      %dma_start3A_468 = tpu.memref_slice %arg10[%dma_start3A_466, %dma_start3A_467] : memref<10112x128xf32, #tpu.memory_space<vmem_shared>> -> memref<10112x128xf32, #tpu.memory_space<vmem_shared>>
      %dma_start3A_469 = tpu.memref_slice %arg12[%dma_start3A_458] : memref<2x!tpu.dma_semaphore, #tpu.memory_space<semaphore_mem>> -> memref<1x!tpu.dma_semaphore, #tpu.memory_space<semaphore_mem>>
      %dma_start3A_470 = tpu.memref_squeeze %dma_start3A_469 : memref<1x!tpu.dma_semaphore, #tpu.memory_space<semaphore_mem>> -> memref<!tpu.dma_semaphore, #tpu.memory_space<semaphore_mem>>
      tpu.enqueue_indirect_dma source(%dma_start3A_462 : memref<128x128xf32, #tpu.memory_space<vmem>>) target(%dma_start3A_468 : memref<10112x128xf32, #tpu.memory_space<vmem_shared>>) offsets(%dma_start3A_465 : memref<128xi32, #tpu.memory_space<vmem>>) semaphore(%dma_start3A_470 : memref<!tpu.dma_semaphore, #tpu.memory_space<semaphore_mem>>) {add = true}
      %dma_wait3A_471 = arith.constant 1 : i32
      %dma_wait3A_472 = arith.constant 1 : i32
      %dma_wait3A_473 = arith.constant 1 : i32
      %dma_wait3A_474 = arith.constant 0 : i32
      %dma_wait3A_475 = arith.constant 0 : i32
      %dma_wait3A_476 = tpu.memref_slice %arg9[%dma_wait3A_472, %dma_wait3A_474, %dma_wait3A_475] : memref<2x128x128xf32, #tpu.memory_space<vmem>> -> memref<1x128x128xf32, #tpu.memory_space<vmem>>
      %dma_wait3A_477 = tpu.memref_squeeze %dma_wait3A_476 : memref<1x128x128xf32, #tpu.memory_space<vmem>> -> memref<128x128xf32, #tpu.memory_space<vmem>>
      %dma_wait3A_478 = arith.constant 0 : i32
      %dma_wait3A_479 = tpu.memref_slice %arg7[%dma_wait3A_471, %dma_wait3A_478] : memref<2x128xi32, #tpu.memory_space<vmem>> -> memref<1x128xi32, #tpu.memory_space<vmem>>
      %dma_wait3A_480 = tpu.memref_squeeze %dma_wait3A_479 : memref<1x128xi32, #tpu.memory_space<vmem>> -> memref<128xi32, #tpu.memory_space<vmem>>
      %dma_wait3A_481 = arith.constant 0 : i32
      %dma_wait3A_482 = arith.constant 0 : i32
      %dma_wait3A_483 = tpu.memref_slice %arg2[%dma_wait3A_481, %dma_wait3A_482] : memref<10240x128xf32, #tpu.memory_space<hbm>> -> memref<10240x128xf32, #tpu.memory_space<hbm>>
      %dma_wait3A_484 = tpu.memref_slice %arg11[%dma_wait3A_473] : memref<2x!tpu.dma_semaphore, #tpu.memory_space<semaphore_mem>> -> memref<1x!tpu.dma_semaphore, #tpu.memory_space<semaphore_mem>>
      %dma_wait3A_485 = tpu.memref_squeeze %dma_wait3A_484 : memref<1x!tpu.dma_semaphore, #tpu.memory_space<semaphore_mem>> -> memref<!tpu.dma_semaphore, #tpu.memory_space<semaphore_mem>>
      tpu.wait_indirect_dma semaphore(%dma_wait3A_485 : memref<!tpu.dma_semaphore, #tpu.memory_space<semaphore_mem>>) src(%dma_wait3A_483 : memref<10240x128xf32, #tpu.memory_space<hbm>>) dst(%dma_wait3A_477 : memref<128x128xf32, #tpu.memory_space<vmem>>)
      %dma_start3A_486 = arith.constant 1 : i32
      %dma_start3A_487 = arith.constant 1 : i32
      %dma_start3A_488 = arith.constant 1 : i32
      %dma_start3A_489 = arith.constant 0 : i32
      %dma_start3A_490 = arith.constant 0 : i32
      %dma_start3A_491 = tpu.memref_slice %arg9[%dma_start3A_486, %dma_start3A_489, %dma_start3A_490] : memref<2x128x128xf32, #tpu.memory_space<vmem>> -> memref<1x128x128xf32, #tpu.memory_space<vmem>>
      %dma_start3A_492 = tpu.memref_squeeze %dma_start3A_491 : memref<1x128x128xf32, #tpu.memory_space<vmem>> -> memref<128x128xf32, #tpu.memory_space<vmem>>
      %dma_start3A_493 = arith.constant 0 : i32
      %dma_start3A_494 = tpu.memref_slice %arg8[%dma_start3A_487, %dma_start3A_493] : memref<2x128xi32, #tpu.memory_space<vmem>> -> memref<1x128xi32, #tpu.memory_space<vmem>>
      %dma_start3A_495 = tpu.memref_squeeze %dma_start3A_494 : memref<1x128xi32, #tpu.memory_space<vmem>> -> memref<128xi32, #tpu.memory_space<vmem>>
      %dma_start3A_496 = arith.constant 0 : i32
      %dma_start3A_497 = arith.constant 0 : i32
      %dma_start3A_498 = tpu.memref_slice %arg10[%dma_start3A_496, %dma_start3A_497] : memref<10112x128xf32, #tpu.memory_space<vmem_shared>> -> memref<10112x128xf32, #tpu.memory_space<vmem_shared>>
      %dma_start3A_499 = tpu.memref_slice %arg12[%dma_start3A_488] : memref<2x!tpu.dma_semaphore, #tpu.memory_space<semaphore_mem>> -> memref<1x!tpu.dma_semaphore, #tpu.memory_space<semaphore_mem>>
      %dma_start3A_500 = tpu.memref_squeeze %dma_start3A_499 : memref<1x!tpu.dma_semaphore, #tpu.memory_space<semaphore_mem>> -> memref<!tpu.dma_semaphore, #tpu.memory_space<semaphore_mem>>
      tpu.enqueue_indirect_dma source(%dma_start3A_492 : memref<128x128xf32, #tpu.memory_space<vmem>>) target(%dma_start3A_498 : memref<10112x128xf32, #tpu.memory_space<vmem_shared>>) offsets(%dma_start3A_495 : memref<128xi32, #tpu.memory_space<vmem>>) semaphore(%dma_start3A_500 : memref<!tpu.dma_semaphore, #tpu.memory_space<semaphore_mem>>) {add = true}
      %add3A_501 = arith.constant 0 : i32
      %add3A_502 = arith.addi %add3A_440, %add3A_501 : i32
      %add3A_503 = arith.constant 2 : i32
      %add3A_504 = arith.addi %add3A_502, %add3A_503 : i32
      %lt3A = arith.constant 80 : i32
      %lt3A_505 = arith.cmpi slt, %add3A_504, %lt3A : i32
      %convert_element_type3A = arith.extui %lt3A_505 : i1 to i32
      %cond3A = arith.constant 0 : i32
      %cond3A_506 = arith.cmpi ne, %convert_element_type3A, %cond3A : i32
      scf.if %cond3A_506 {
        %dma_wait3A_516 = arith.constant 0 : i32
        %dma_wait3A_517 = arith.constant 0 : i32
        %dma_wait3A_518 = arith.constant 0 : i32
        %dma_wait3A_519 = arith.constant 0 : i32
        %dma_wait3A_520 = arith.constant 0 : i32
        %dma_wait3A_521 = tpu.memref_slice %arg9[%dma_wait3A_516, %dma_wait3A_519, %dma_wait3A_520] : memref<2x128x128xf32, #tpu.memory_space<vmem>> -> memref<1x128x128xf32, #tpu.memory_space<vmem>>
        %dma_wait3A_522 = tpu.memref_squeeze %dma_wait3A_521 : memref<1x128x128xf32, #tpu.memory_space<vmem>> -> memref<128x128xf32, #tpu.memory_space<vmem>>
        %dma_wait3A_523 = arith.constant 0 : i32
        %dma_wait3A_524 = tpu.memref_slice %arg8[%dma_wait3A_517, %dma_wait3A_523] : memref<2x128xi32, #tpu.memory_space<vmem>> -> memref<1x128xi32, #tpu.memory_space<vmem>>
        %dma_wait3A_525 = tpu.memref_squeeze %dma_wait3A_524 : memref<1x128xi32, #tpu.memory_space<vmem>> -> memref<128xi32, #tpu.memory_space<vmem>>
        %dma_wait3A_526 = arith.constant 0 : i32
        %dma_wait3A_527 = arith.constant 0 : i32
        %dma_wait3A_528 = tpu.memref_slice %arg10[%dma_wait3A_526, %dma_wait3A_527] : memref<10112x128xf32, #tpu.memory_space<vmem_shared>> -> memref<10112x128xf32, #tpu.memory_space<vmem_shared>>
        %dma_wait3A_529 = tpu.memref_slice %arg12[%dma_wait3A_518] : memref<2x!tpu.dma_semaphore, #tpu.memory_space<semaphore_mem>> -> memref<1x!tpu.dma_semaphore, #tpu.memory_space<semaphore_mem>>
        %dma_wait3A_530 = tpu.memref_squeeze %dma_wait3A_529 : memref<1x!tpu.dma_semaphore, #tpu.memory_space<semaphore_mem>> -> memref<!tpu.dma_semaphore, #tpu.memory_space<semaphore_mem>>
        tpu.wait_indirect_dma semaphore(%dma_wait3A_530 : memref<!tpu.dma_semaphore, #tpu.memory_space<semaphore_mem>>) src(%dma_wait3A_522 : memref<128x128xf32, #tpu.memory_space<vmem>>) dst(%dma_wait3A_528 : memref<10112x128xf32, #tpu.memory_space<vmem_shared>>)
        %get3A_531 = arith.index_cast %add3A_504 : i32 to index
        %get3A_532 = arith.constant 0 : index
        %get3A_533 = tpu.vector_load %arg6[%get3A_531, %get3A_532] {strides = array<i32>} : memref<80x128xi32, #tpu.memory_space<vmem>>, vector<1x16xi32>,
        %get3A_534 = vector.shape_cast %get3A_533 : vector<1x16xi32> to vector<16xi32>
        %and3A_535 = arith.constant 65535 : i32
        %and3A_536 = vector.broadcast %and3A_535 : i32 to vector<16xi32>
        %and3A_537 = arith.andi %get3A_534, %and3A_536 : vector<16xi32>
        %swap3A_538 = arith.constant 0 : i32
        %swap3A_539 = arith.index_cast %swap3A_538 : i32 to index
        %swap3A_540 = arith.constant 0 : index
        %swap3A_541 = tpu.vector_load %arg7[%swap3A_539, %swap3A_540] {strides = array<i32>} : memref<2x128xi32, #tpu.memory_space<vmem>>, vector<1x16xi32>,
        %swap3A_542 = vector.shape_cast %swap3A_541 : vector<1x16xi32> to vector<16xi32>
        %swap3A_543 = vector.shape_cast %and3A_537 : vector<16xi32> to vector<1x16xi32>
        tpu.vector_store %arg7[%swap3A_539, %swap3A_540], %swap3A_543 {strides = array<i32>} : memref<2x128xi32, #tpu.memory_space<vmem>>, vector<1x16xi32>,
        %shift_right_logical3A_544 = arith.constant 16 : i32
        %shift_right_logical3A_545 = vector.broadcast %shift_right_logical3A_544 : i32 to vector<16xi32>
        %shift_right_logical3A_546 = arith.shrui %get3A_534, %shift_right_logical3A_545 : vector<16xi32>
        %swap3A_547 = arith.constant 0 : i32
        %swap3A_548 = arith.index_cast %swap3A_547 : i32 to index
        %swap3A_549 = arith.constant 0 : index
        %swap3A_550 = tpu.vector_load %arg8[%swap3A_548, %swap3A_549] {strides = array<i32>} : memref<2x128xi32, #tpu.memory_space<vmem>>, vector<1x16xi32>,
        %swap3A_551 = vector.shape_cast %swap3A_550 : vector<1x16xi32> to vector<16xi32>
        %swap3A_552 = vector.shape_cast %shift_right_logical3A_546 : vector<16xi32> to vector<1x16xi32>
        tpu.vector_store %arg8[%swap3A_548, %swap3A_549], %swap3A_552 {strides = array<i32>} : memref<2x128xi32, #tpu.memory_space<vmem>>, vector<1x16xi32>,
        %get3A_553 = arith.index_cast %add3A_504 : i32 to index
        %get3A_554 = arith.constant 16 : index
        %get3A_555 = tpu.vector_load %arg6[%get3A_553, %get3A_554] {strides = array<i32>} : memref<80x128xi32, #tpu.memory_space<vmem>>, vector<1x16xi32>,
        %get3A_556 = vector.shape_cast %get3A_555 : vector<1x16xi32> to vector<16xi32>
        %and3A_557 = arith.constant 65535 : i32
        %and3A_558 = vector.broadcast %and3A_557 : i32 to vector<16xi32>
        %and3A_559 = arith.andi %get3A_556, %and3A_558 : vector<16xi32>
        %swap3A_560 = arith.constant 0 : i32
        %swap3A_561 = arith.index_cast %swap3A_560 : i32 to index
        %swap3A_562 = arith.constant 16 : index
        %swap3A_563 = tpu.vector_load %arg7[%swap3A_561, %swap3A_562] {strides = array<i32>} : memref<2x128xi32, #tpu.memory_space<vmem>>, vector<1x16xi32>,
        %swap3A_564 = vector.shape_cast %swap3A_563 : vector<1x16xi32> to vector<16xi32>
        %swap3A_565 = vector.shape_cast %and3A_559 : vector<16xi32> to vector<1x16xi32>
        tpu.vector_store %arg7[%swap3A_561, %swap3A_562], %swap3A_565 {strides = array<i32>} : memref<2x128xi32, #tpu.memory_space<vmem>>, vector<1x16xi32>,
        %shift_right_logical3A_566 = arith.constant 16 : i32
        %shift_right_logical3A_567 = vector.broadcast %shift_right_logical3A_566 : i32 to vector<16xi32>
        %shift_right_logical3A_568 = arith.shrui %get3A_556, %shift_right_logical3A_567 : vector<16xi32>
        %swap3A_569 = arith.constant 0 : i32
        %swap3A_570 = arith.index_cast %swap3A_569 : i32 to index
        %swap3A_571 = arith.constant 16 : index
        %swap3A_572 = tpu.vector_load %arg8[%swap3A_570, %swap3A_571] {strides = array<i32>} : memref<2x128xi32, #tpu.memory_space<vmem>>, vector<1x16xi32>,
        %swap3A_573 = vector.shape_cast %swap3A_572 : vector<1x16xi32> to vector<16xi32>
        %swap3A_574 = vector.shape_cast %shift_right_logical3A_568 : vector<16xi32> to vector<1x16xi32>
        tpu.vector_store %arg8[%swap3A_570, %swap3A_571], %swap3A_574 {strides = array<i32>} : memref<2x128xi32, #tpu.memory_space<vmem>>, vector<1x16xi32>,
        %get3A_575 = arith.index_cast %add3A_504 : i32 to index
        %get3A_576 = arith.constant 32 : index
        %get3A_577 = tpu.vector_load %arg6[%get3A_575, %get3A_576] {strides = array<i32>} : memref<80x128xi32, #tpu.memory_space<vmem>>, vector<1x16xi32>,
        %get3A_578 = vector.shape_cast %get3A_577 : vector<1x16xi32> to vector<16xi32>
        %and3A_579 = arith.constant 65535 : i32
        %and3A_580 = vector.broadcast %and3A_579 : i32 to vector<16xi32>
        %and3A_581 = arith.andi %get3A_578, %and3A_580 : vector<16xi32>
        %swap3A_582 = arith.constant 0 : i32
        %swap3A_583 = arith.index_cast %swap3A_582 : i32 to index
        %swap3A_584 = arith.constant 32 : index
        %swap3A_585 = tpu.vector_load %arg7[%swap3A_583, %swap3A_584] {strides = array<i32>} : memref<2x128xi32, #tpu.memory_space<vmem>>, vector<1x16xi32>,
        %swap3A_586 = vector.shape_cast %swap3A_585 : vector<1x16xi32> to vector<16xi32>
        %swap3A_587 = vector.shape_cast %and3A_581 : vector<16xi32> to vector<1x16xi32>
        tpu.vector_store %arg7[%swap3A_583, %swap3A_584], %swap3A_587 {strides = array<i32>} : memref<2x128xi32, #tpu.memory_space<vmem>>, vector<1x16xi32>,
        %shift_right_logical3A_588 = arith.constant 16 : i32
        %shift_right_logical3A_589 = vector.broadcast %shift_right_logical3A_588 : i32 to vector<16xi32>
        %shift_right_logical3A_590 = arith.shrui %get3A_578, %shift_right_logical3A_589 : vector<16xi32>
        %swap3A_591 = arith.constant 0 : i32
        %swap3A_592 = arith.index_cast %swap3A_591 : i32 to index
        %swap3A_593 = arith.constant 32 : index
        %swap3A_594 = tpu.vector_load %arg8[%swap3A_592, %swap3A_593] {strides = array<i32>} : memref<2x128xi32, #tpu.memory_space<vmem>>, vector<1x16xi32>,
        %swap3A_595 = vector.shape_cast %swap3A_594 : vector<1x16xi32> to vector<16xi32>
        %swap3A_596 = vector.shape_cast %shift_right_logical3A_590 : vector<16xi32> to vector<1x16xi32>
        tpu.vector_store %arg8[%swap3A_592, %swap3A_593], %swap3A_596 {strides = array<i32>} : memref<2x128xi32, #tpu.memory_space<vmem>>, vector<1x16xi32>,
        %get3A_597 = arith.index_cast %add3A_504 : i32 to index
        %get3A_598 = arith.constant 48 : index
        %get3A_599 = tpu.vector_load %arg6[%get3A_597, %get3A_598] {strides = array<i32>} : memref<80x128xi32, #tpu.memory_space<vmem>>, vector<1x16xi32>,
        %get3A_600 = vector.shape_cast %get3A_599 : vector<1x16xi32> to vector<16xi32>
        %and3A_601 = arith.constant 65535 : i32
        %and3A_602 = vector.broadcast %and3A_601 : i32 to vector<16xi32>
        %and3A_603 = arith.andi %get3A_600, %and3A_602 : vector<16xi32>
        %swap3A_604 = arith.constant 0 : i32
        %swap3A_605 = arith.index_cast %swap3A_604 : i32 to index
        %swap3A_606 = arith.constant 48 : index
        %swap3A_607 = tpu.vector_load %arg7[%swap3A_605, %swap3A_606] {strides = array<i32>} : memref<2x128xi32, #tpu.memory_space<vmem>>, vector<1x16xi32>,
        %swap3A_608 = vector.shape_cast %swap3A_607 : vector<1x16xi32> to vector<16xi32>
        %swap3A_609 = vector.shape_cast %and3A_603 : vector<16xi32> to vector<1x16xi32>
        tpu.vector_store %arg7[%swap3A_605, %swap3A_606], %swap3A_609 {strides = array<i32>} : memref<2x128xi32, #tpu.memory_space<vmem>>, vector<1x16xi32>,
        %shift_right_logical3A_610 = arith.constant 16 : i32
        %shift_right_logical3A_611 = vector.broadcast %shift_right_logical3A_610 : i32 to vector<16xi32>
        %shift_right_logical3A_612 = arith.shrui %get3A_600, %shift_right_logical3A_611 : vector<16xi32>
        %swap3A_613 = arith.constant 0 : i32
        %swap3A_614 = arith.index_cast %swap3A_613 : i32 to index
        %swap3A_615 = arith.constant 48 : index
        %swap3A_616 = tpu.vector_load %arg8[%swap3A_614, %swap3A_615] {strides = array<i32>} : memref<2x128xi32, #tpu.memory_space<vmem>>, vector<1x16xi32>,
        %swap3A_617 = vector.shape_cast %swap3A_616 : vector<1x16xi32> to vector<16xi32>
        %swap3A_618 = vector.shape_cast %shift_right_logical3A_612 : vector<16xi32> to vector<1x16xi32>
        tpu.vector_store %arg8[%swap3A_614, %swap3A_615], %swap3A_618 {strides = array<i32>} : memref<2x128xi32, #tpu.memory_space<vmem>>, vector<1x16xi32>,
        %get3A_619 = arith.index_cast %add3A_504 : i32 to index
        %get3A_620 = arith.constant 64 : index
        %get3A_621 = tpu.vector_load %arg6[%get3A_619, %get3A_620] {strides = array<i32>} : memref<80x128xi32, #tpu.memory_space<vmem>>, vector<1x16xi32>,
        %get3A_622 = vector.shape_cast %get3A_621 : vector<1x16xi32> to vector<16xi32>
        %and3A_623 = arith.constant 65535 : i32
        %and3A_624 = vector.broadcast %and3A_623 : i32 to vector<16xi32>
        %and3A_625 = arith.andi %get3A_622, %and3A_624 : vector<16xi32>
        %swap3A_626 = arith.constant 0 : i32
        %swap3A_627 = arith.index_cast %swap3A_626 : i32 to index
        %swap3A_628 = arith.constant 64 : index
        %swap3A_629 = tpu.vector_load %arg7[%swap3A_627, %swap3A_628] {strides = array<i32>} : memref<2x128xi32, #tpu.memory_space<vmem>>, vector<1x16xi32>,
        %swap3A_630 = vector.shape_cast %swap3A_629 : vector<1x16xi32> to vector<16xi32>
        %swap3A_631 = vector.shape_cast %and3A_625 : vector<16xi32> to vector<1x16xi32>
        tpu.vector_store %arg7[%swap3A_627, %swap3A_628], %swap3A_631 {strides = array<i32>} : memref<2x128xi32, #tpu.memory_space<vmem>>, vector<1x16xi32>,
        %shift_right_logical3A_632 = arith.constant 16 : i32
        %shift_right_logical3A_633 = vector.broadcast %shift_right_logical3A_632 : i32 to vector<16xi32>
        %shift_right_logical3A_634 = arith.shrui %get3A_622, %shift_right_logical3A_633 : vector<16xi32>
        %swap3A_635 = arith.constant 0 : i32
        %swap3A_636 = arith.index_cast %swap3A_635 : i32 to index
        %swap3A_637 = arith.constant 64 : index
        %swap3A_638 = tpu.vector_load %arg8[%swap3A_636, %swap3A_637] {strides = array<i32>} : memref<2x128xi32, #tpu.memory_space<vmem>>, vector<1x16xi32>,
        %swap3A_639 = vector.shape_cast %swap3A_638 : vector<1x16xi32> to vector<16xi32>
        %swap3A_640 = vector.shape_cast %shift_right_logical3A_634 : vector<16xi32> to vector<1x16xi32>
        tpu.vector_store %arg8[%swap3A_636, %swap3A_637], %swap3A_640 {strides = array<i32>} : memref<2x128xi32, #tpu.memory_space<vmem>>, vector<1x16xi32>,
        %get3A_641 = arith.index_cast %add3A_504 : i32 to index
        %get3A_642 = arith.constant 80 : index
        %get3A_643 = tpu.vector_load %arg6[%get3A_641, %get3A_642] {strides = array<i32>} : memref<80x128xi32, #tpu.memory_space<vmem>>, vector<1x16xi32>,
        %get3A_644 = vector.shape_cast %get3A_643 : vector<1x16xi32> to vector<16xi32>
        %and3A_645 = arith.constant 65535 : i32
        %and3A_646 = vector.broadcast %and3A_645 : i32 to vector<16xi32>
        %and3A_647 = arith.andi %get3A_644, %and3A_646 : vector<16xi32>
        %swap3A_648 = arith.constant 0 : i32
        %swap3A_649 = arith.index_cast %swap3A_648 : i32 to index
        %swap3A_650 = arith.constant 80 : index
        %swap3A_651 = tpu.vector_load %arg7[%swap3A_649, %swap3A_650] {strides = array<i32>} : memref<2x128xi32, #tpu.memory_space<vmem>>, vector<1x16xi32>,
        %swap3A_652 = vector.shape_cast %swap3A_651 : vector<1x16xi32> to vector<16xi32>
        %swap3A_653 = vector.shape_cast %and3A_647 : vector<16xi32> to vector<1x16xi32>
        tpu.vector_store %arg7[%swap3A_649, %swap3A_650], %swap3A_653 {strides = array<i32>} : memref<2x128xi32, #tpu.memory_space<vmem>>, vector<1x16xi32>,
        %shift_right_logical3A_654 = arith.constant 16 : i32
        %shift_right_logical3A_655 = vector.broadcast %shift_right_logical3A_654 : i32 to vector<16xi32>
        %shift_right_logical3A_656 = arith.shrui %get3A_644, %shift_right_logical3A_655 : vector<16xi32>
        %swap3A_657 = arith.constant 0 : i32
        %swap3A_658 = arith.index_cast %swap3A_657 : i32 to index
        %swap3A_659 = arith.constant 80 : index
        %swap3A_660 = tpu.vector_load %arg8[%swap3A_658, %swap3A_659] {strides = array<i32>} : memref<2x128xi32, #tpu.memory_space<vmem>>, vector<1x16xi32>,
        %swap3A_661 = vector.shape_cast %swap3A_660 : vector<1x16xi32> to vector<16xi32>
        %swap3A_662 = vector.shape_cast %shift_right_logical3A_656 : vector<16xi32> to vector<1x16xi32>
        tpu.vector_store %arg8[%swap3A_658, %swap3A_659], %swap3A_662 {strides = array<i32>} : memref<2x128xi32, #tpu.memory_space<vmem>>, vector<1x16xi32>,
        %get3A_663 = arith.index_cast %add3A_504 : i32 to index
        %get3A_664 = arith.constant 96 : index
        %get3A_665 = tpu.vector_load %arg6[%get3A_663, %get3A_664] {strides = array<i32>} : memref<80x128xi32, #tpu.memory_space<vmem>>, vector<1x16xi32>,
        %get3A_666 = vector.shape_cast %get3A_665 : vector<1x16xi32> to vector<16xi32>
        %and3A_667 = arith.constant 65535 : i32
        %and3A_668 = vector.broadcast %and3A_667 : i32 to vector<16xi32>
        %and3A_669 = arith.andi %get3A_666, %and3A_668 : vector<16xi32>
        %swap3A_670 = arith.constant 0 : i32
        %swap3A_671 = arith.index_cast %swap3A_670 : i32 to index
        %swap3A_672 = arith.constant 96 : index
        %swap3A_673 = tpu.vector_load %arg7[%swap3A_671, %swap3A_672] {strides = array<i32>} : memref<2x128xi32, #tpu.memory_space<vmem>>, vector<1x16xi32>,
        %swap3A_674 = vector.shape_cast %swap3A_673 : vector<1x16xi32> to vector<16xi32>
        %swap3A_675 = vector.shape_cast %and3A_669 : vector<16xi32> to vector<1x16xi32>
        tpu.vector_store %arg7[%swap3A_671, %swap3A_672], %swap3A_675 {strides = array<i32>} : memref<2x128xi32, #tpu.memory_space<vmem>>, vector<1x16xi32>,
        %shift_right_logical3A_676 = arith.constant 16 : i32
        %shift_right_logical3A_677 = vector.broadcast %shift_right_logical3A_676 : i32 to vector<16xi32>
        %shift_right_logical3A_678 = arith.shrui %get3A_666, %shift_right_logical3A_677 : vector<16xi32>
        %swap3A_679 = arith.constant 0 : i32
        %swap3A_680 = arith.index_cast %swap3A_679 : i32 to index
        %swap3A_681 = arith.constant 96 : index
        %swap3A_682 = tpu.vector_load %arg8[%swap3A_680, %swap3A_681] {strides = array<i32>} : memref<2x128xi32, #tpu.memory_space<vmem>>, vector<1x16xi32>,
        %swap3A_683 = vector.shape_cast %swap3A_682 : vector<1x16xi32> to vector<16xi32>
        %swap3A_684 = vector.shape_cast %shift_right_logical3A_678 : vector<16xi32> to vector<1x16xi32>
        tpu.vector_store %arg8[%swap3A_680, %swap3A_681], %swap3A_684 {strides = array<i32>} : memref<2x128xi32, #tpu.memory_space<vmem>>, vector<1x16xi32>,
        %get3A_685 = arith.index_cast %add3A_504 : i32 to index
        %get3A_686 = arith.constant 112 : index
        %get3A_687 = tpu.vector_load %arg6[%get3A_685, %get3A_686] {strides = array<i32>} : memref<80x128xi32, #tpu.memory_space<vmem>>, vector<1x16xi32>,
        %get3A_688 = vector.shape_cast %get3A_687 : vector<1x16xi32> to vector<16xi32>
        %and3A_689 = arith.constant 65535 : i32
        %and3A_690 = vector.broadcast %and3A_689 : i32 to vector<16xi32>
        %and3A_691 = arith.andi %get3A_688, %and3A_690 : vector<16xi32>
        %swap3A_692 = arith.constant 0 : i32
        %swap3A_693 = arith.index_cast %swap3A_692 : i32 to index
        %swap3A_694 = arith.constant 112 : index
        %swap3A_695 = tpu.vector_load %arg7[%swap3A_693, %swap3A_694] {strides = array<i32>} : memref<2x128xi32, #tpu.memory_space<vmem>>, vector<1x16xi32>,
        %swap3A_696 = vector.shape_cast %swap3A_695 : vector<1x16xi32> to vector<16xi32>
        %swap3A_697 = vector.shape_cast %and3A_691 : vector<16xi32> to vector<1x16xi32>
        tpu.vector_store %arg7[%swap3A_693, %swap3A_694], %swap3A_697 {strides = array<i32>} : memref<2x128xi32, #tpu.memory_space<vmem>>, vector<1x16xi32>,
        %shift_right_logical3A_698 = arith.constant 16 : i32
        %shift_right_logical3A_699 = vector.broadcast %shift_right_logical3A_698 : i32 to vector<16xi32>
        %shift_right_logical3A_700 = arith.shrui %get3A_688, %shift_right_logical3A_699 : vector<16xi32>
        %swap3A_701 = arith.constant 0 : i32
        %swap3A_702 = arith.index_cast %swap3A_701 : i32 to index
        %swap3A_703 = arith.constant 112 : index
        %swap3A_704 = tpu.vector_load %arg8[%swap3A_702, %swap3A_703] {strides = array<i32>} : memref<2x128xi32, #tpu.memory_space<vmem>>, vector<1x16xi32>,
        %swap3A_705 = vector.shape_cast %swap3A_704 : vector<1x16xi32> to vector<16xi32>
        %swap3A_706 = vector.shape_cast %shift_right_logical3A_700 : vector<16xi32> to vector<1x16xi32>
        tpu.vector_store %arg8[%swap3A_702, %swap3A_703], %swap3A_706 {strides = array<i32>} : memref<2x128xi32, #tpu.memory_space<vmem>>, vector<1x16xi32>,
        %dma_start3A_707 = arith.constant 0 : i32
        %dma_start3A_708 = arith.constant 0 : i32
        %dma_start3A_709 = arith.constant 0 : i32
        %dma_start3A_710 = arith.constant 0 : i32
        %dma_start3A_711 = arith.constant 0 : i32
        %dma_start3A_712 = tpu.memref_slice %arg9[%dma_start3A_708, %dma_start3A_710, %dma_start3A_711] : memref<2x128x128xf32, #tpu.memory_space<vmem>> -> memref<1x128x128xf32, #tpu.memory_space<vmem>>
        %dma_start3A_713 = tpu.memref_squeeze %dma_start3A_712 : memref<1x128x128xf32, #tpu.memory_space<vmem>> -> memref<128x128xf32, #tpu.memory_space<vmem>>
        %dma_start3A_714 = arith.constant 0 : i32
        %dma_start3A_715 = tpu.memref_slice %arg7[%dma_start3A_707, %dma_start3A_714] : memref<2x128xi32, #tpu.memory_space<vmem>> -> memref<1x128xi32, #tpu.memory_space<vmem>>
        %dma_start3A_716 = tpu.memref_squeeze %dma_start3A_715 : memref<1x128xi32, #tpu.memory_space<vmem>> -> memref<128xi32, #tpu.memory_space<vmem>>
        %dma_start3A_717 = arith.constant 0 : i32
        %dma_start3A_718 = arith.constant 0 : i32
        %dma_start3A_719 = tpu.memref_slice %arg2[%dma_start3A_717, %dma_start3A_718] : memref<10240x128xf32, #tpu.memory_space<hbm>> -> memref<10240x128xf32, #tpu.memory_space<hbm>>
        %dma_start3A_720 = tpu.memref_slice %arg11[%dma_start3A_709] : memref<2x!tpu.dma_semaphore, #tpu.memory_space<semaphore_mem>> -> memref<1x!tpu.dma_semaphore, #tpu.memory_space<semaphore_mem>>
        %dma_start3A_721 = tpu.memref_squeeze %dma_start3A_720 : memref<1x!tpu.dma_semaphore, #tpu.memory_space<semaphore_mem>> -> memref<!tpu.dma_semaphore, #tpu.memory_space<semaphore_mem>>
        tpu.enqueue_indirect_dma source(%dma_start3A_719 : memref<10240x128xf32, #tpu.memory_space<hbm>>) target(%dma_start3A_713 : memref<128x128xf32, #tpu.memory_space<vmem>>) offsets(%dma_start3A_716 : memref<128xi32, #tpu.memory_space<vmem>>) semaphore(%dma_start3A_721 : memref<!tpu.dma_semaphore, #tpu.memory_space<semaphore_mem>>)
      } else {
      }
      %add3A_507 = arith.constant 1 : i32
      %add3A_508 = arith.addi %add3A_440, %add3A_507 : i32
      %add3A_509 = arith.constant 2 : i32
      %add3A_510 = arith.addi %add3A_508, %add3A_509 : i32
      %lt3A_511 = arith.constant 80 : i32
      %lt3A_512 = arith.cmpi slt, %add3A_510, %lt3A_511 : i32
      %convert_element_type3A_513 = arith.extui %lt3A_512 : i1 to i32
      %cond3A_514 = arith.constant 0 : i32
      %cond3A_515 = arith.cmpi ne, %convert_element_type3A_513, %cond3A_514 : i32
      scf.if %cond3A_515 {
        %dma_wait3A_516 = arith.constant 1 : i32
        %dma_wait3A_517 = arith.constant 1 : i32
        %dma_wait3A_518 = arith.constant 1 : i32
        %dma_wait3A_519 = arith.constant 0 : i32
        %dma_wait3A_520 = arith.constant 0 : i32
        %dma_wait3A_521 = tpu.memref_slice %arg9[%dma_wait3A_516, %dma_wait3A_519, %dma_wait3A_520] : memref<2x128x128xf32, #tpu.memory_space<vmem>> -> memref<1x128x128xf32, #tpu.memory_space<vmem>>
        %dma_wait3A_522 = tpu.memref_squeeze %dma_wait3A_521 : memref<1x128x128xf32, #tpu.memory_space<vmem>> -> memref<128x128xf32, #tpu.memory_space<vmem>>
        %dma_wait3A_523 = arith.constant 0 : i32
        %dma_wait3A_524 = tpu.memref_slice %arg8[%dma_wait3A_517, %dma_wait3A_523] : memref<2x128xi32, #tpu.memory_space<vmem>> -> memref<1x128xi32, #tpu.memory_space<vmem>>
        %dma_wait3A_525 = tpu.memref_squeeze %dma_wait3A_524 : memref<1x128xi32, #tpu.memory_space<vmem>> -> memref<128xi32, #tpu.memory_space<vmem>>
        %dma_wait3A_526 = arith.constant 0 : i32
        %dma_wait3A_527 = arith.constant 0 : i32
        %dma_wait3A_528 = tpu.memref_slice %arg10[%dma_wait3A_526, %dma_wait3A_527] : memref<10112x128xf32, #tpu.memory_space<vmem_shared>> -> memref<10112x128xf32, #tpu.memory_space<vmem_shared>>
        %dma_wait3A_529 = tpu.memref_slice %arg12[%dma_wait3A_518] : memref<2x!tpu.dma_semaphore, #tpu.memory_space<semaphore_mem>> -> memref<1x!tpu.dma_semaphore, #tpu.memory_space<semaphore_mem>>
        %dma_wait3A_530 = tpu.memref_squeeze %dma_wait3A_529 : memref<1x!tpu.dma_semaphore, #tpu.memory_space<semaphore_mem>> -> memref<!tpu.dma_semaphore, #tpu.memory_space<semaphore_mem>>
        tpu.wait_indirect_dma semaphore(%dma_wait3A_530 : memref<!tpu.dma_semaphore, #tpu.memory_space<semaphore_mem>>) src(%dma_wait3A_522 : memref<128x128xf32, #tpu.memory_space<vmem>>) dst(%dma_wait3A_528 : memref<10112x128xf32, #tpu.memory_space<vmem_shared>>)
        %get3A_531 = arith.index_cast %add3A_510 : i32 to index
        %get3A_532 = arith.constant 0 : index
        %get3A_533 = tpu.vector_load %arg6[%get3A_531, %get3A_532] {strides = array<i32>} : memref<80x128xi32, #tpu.memory_space<vmem>>, vector<1x16xi32>,
        %get3A_534 = vector.shape_cast %get3A_533 : vector<1x16xi32> to vector<16xi32>
        %and3A_535 = arith.constant 65535 : i32
        %and3A_536 = vector.broadcast %and3A_535 : i32 to vector<16xi32>
        %and3A_537 = arith.andi %get3A_534, %and3A_536 : vector<16xi32>
        %swap3A_538 = arith.constant 1 : i32
        %swap3A_539 = arith.index_cast %swap3A_538 : i32 to index
        %swap3A_540 = arith.constant 0 : index
        %swap3A_541 = tpu.vector_load %arg7[%swap3A_539, %swap3A_540] {strides = array<i32>} : memref<2x128xi32, #tpu.memory_space<vmem>>, vector<1x16xi32>,
        %swap3A_542 = vector.shape_cast %swap3A_541 : vector<1x16xi32> to vector<16xi32>
        %swap3A_543 = vector.shape_cast %and3A_537 : vector<16xi32> to vector<1x16xi32>
        tpu.vector_store %arg7[%swap3A_539, %swap3A_540], %swap3A_543 {strides = array<i32>} : memref<2x128xi32, #tpu.memory_space<vmem>>, vector<1x16xi32>,
        %shift_right_logical3A_544 = arith.constant 16 : i32
        %shift_right_logical3A_545 = vector.broadcast %shift_right_logical3A_544 : i32 to vector<16xi32>
        %shift_right_logical3A_546 = arith.shrui %get3A_534, %shift_right_logical3A_545 : vector<16xi32>
        %swap3A_547 = arith.constant 1 : i32
        %swap3A_548 = arith.index_cast %swap3A_547 : i32 to index
        %swap3A_549 = arith.constant 0 : index
        %swap3A_550 = tpu.vector_load %arg8[%swap3A_548, %swap3A_549] {strides = array<i32>} : memref<2x128xi32, #tpu.memory_space<vmem>>, vector<1x16xi32>,
        %swap3A_551 = vector.shape_cast %swap3A_550 : vector<1x16xi32> to vector<16xi32>
        %swap3A_552 = vector.shape_cast %shift_right_logical3A_546 : vector<16xi32> to vector<1x16xi32>
        tpu.vector_store %arg8[%swap3A_548, %swap3A_549], %swap3A_552 {strides = array<i32>} : memref<2x128xi32, #tpu.memory_space<vmem>>, vector<1x16xi32>,
        %get3A_553 = arith.index_cast %add3A_510 : i32 to index
        %get3A_554 = arith.constant 16 : index
        %get3A_555 = tpu.vector_load %arg6[%get3A_553, %get3A_554] {strides = array<i32>} : memref<80x128xi32, #tpu.memory_space<vmem>>, vector<1x16xi32>,
        %get3A_556 = vector.shape_cast %get3A_555 : vector<1x16xi32> to vector<16xi32>
        %and3A_557 = arith.constant 65535 : i32
        %and3A_558 = vector.broadcast %and3A_557 : i32 to vector<16xi32>
        %and3A_559 = arith.andi %get3A_556, %and3A_558 : vector<16xi32>
        %swap3A_560 = arith.constant 1 : i32
        %swap3A_561 = arith.index_cast %swap3A_560 : i32 to index
        %swap3A_562 = arith.constant 16 : index
        %swap3A_563 = tpu.vector_load %arg7[%swap3A_561, %swap3A_562] {strides = array<i32>} : memref<2x128xi32, #tpu.memory_space<vmem>>, vector<1x16xi32>,
        %swap3A_564 = vector.shape_cast %swap3A_563 : vector<1x16xi32> to vector<16xi32>
        %swap3A_565 = vector.shape_cast %and3A_559 : vector<16xi32> to vector<1x16xi32>
        tpu.vector_store %arg7[%swap3A_561, %swap3A_562], %swap3A_565 {strides = array<i32>} : memref<2x128xi32, #tpu.memory_space<vmem>>, vector<1x16xi32>,
        %shift_right_logical3A_566 = arith.constant 16 : i32
        %shift_right_logical3A_567 = vector.broadcast %shift_right_logical3A_566 : i32 to vector<16xi32>
        %shift_right_logical3A_568 = arith.shrui %get3A_556, %shift_right_logical3A_567 : vector<16xi32>
        %swap3A_569 = arith.constant 1 : i32
        %swap3A_570 = arith.index_cast %swap3A_569 : i32 to index
        %swap3A_571 = arith.constant 16 : index
        %swap3A_572 = tpu.vector_load %arg8[%swap3A_570, %swap3A_571] {strides = array<i32>} : memref<2x128xi32, #tpu.memory_space<vmem>>, vector<1x16xi32>,
        %swap3A_573 = vector.shape_cast %swap3A_572 : vector<1x16xi32> to vector<16xi32>
        %swap3A_574 = vector.shape_cast %shift_right_logical3A_568 : vector<16xi32> to vector<1x16xi32>
        tpu.vector_store %arg8[%swap3A_570, %swap3A_571], %swap3A_574 {strides = array<i32>} : memref<2x128xi32, #tpu.memory_space<vmem>>, vector<1x16xi32>,
        %get3A_575 = arith.index_cast %add3A_510 : i32 to index
        %get3A_576 = arith.constant 32 : index
        %get3A_577 = tpu.vector_load %arg6[%get3A_575, %get3A_576] {strides = array<i32>} : memref<80x128xi32, #tpu.memory_space<vmem>>, vector<1x16xi32>,
        %get3A_578 = vector.shape_cast %get3A_577 : vector<1x16xi32> to vector<16xi32>
        %and3A_579 = arith.constant 65535 : i32
        %and3A_580 = vector.broadcast %and3A_579 : i32 to vector<16xi32>
        %and3A_581 = arith.andi %get3A_578, %and3A_580 : vector<16xi32>
        %swap3A_582 = arith.constant 1 : i32
        %swap3A_583 = arith.index_cast %swap3A_582 : i32 to index
        %swap3A_584 = arith.constant 32 : index
        %swap3A_585 = tpu.vector_load %arg7[%swap3A_583, %swap3A_584] {strides = array<i32>} : memref<2x128xi32, #tpu.memory_space<vmem>>, vector<1x16xi32>,
        %swap3A_586 = vector.shape_cast %swap3A_585 : vector<1x16xi32> to vector<16xi32>
        %swap3A_587 = vector.shape_cast %and3A_581 : vector<16xi32> to vector<1x16xi32>
        tpu.vector_store %arg7[%swap3A_583, %swap3A_584], %swap3A_587 {strides = array<i32>} : memref<2x128xi32, #tpu.memory_space<vmem>>, vector<1x16xi32>,
        %shift_right_logical3A_588 = arith.constant 16 : i32
        %shift_right_logical3A_589 = vector.broadcast %shift_right_logical3A_588 : i32 to vector<16xi32>
        %shift_right_logical3A_590 = arith.shrui %get3A_578, %shift_right_logical3A_589 : vector<16xi32>
        %swap3A_591 = arith.constant 1 : i32
        %swap3A_592 = arith.index_cast %swap3A_591 : i32 to index
        %swap3A_593 = arith.constant 32 : index
        %swap3A_594 = tpu.vector_load %arg8[%swap3A_592, %swap3A_593] {strides = array<i32>} : memref<2x128xi32, #tpu.memory_space<vmem>>, vector<1x16xi32>,
        %swap3A_595 = vector.shape_cast %swap3A_594 : vector<1x16xi32> to vector<16xi32>
        %swap3A_596 = vector.shape_cast %shift_right_logical3A_590 : vector<16xi32> to vector<1x16xi32>
        tpu.vector_store %arg8[%swap3A_592, %swap3A_593], %swap3A_596 {strides = array<i32>} : memref<2x128xi32, #tpu.memory_space<vmem>>, vector<1x16xi32>,
        %get3A_597 = arith.index_cast %add3A_510 : i32 to index
        %get3A_598 = arith.constant 48 : index
        %get3A_599 = tpu.vector_load %arg6[%get3A_597, %get3A_598] {strides = array<i32>} : memref<80x128xi32, #tpu.memory_space<vmem>>, vector<1x16xi32>,
        %get3A_600 = vector.shape_cast %get3A_599 : vector<1x16xi32> to vector<16xi32>
        %and3A_601 = arith.constant 65535 : i32
        %and3A_602 = vector.broadcast %and3A_601 : i32 to vector<16xi32>
        %and3A_603 = arith.andi %get3A_600, %and3A_602 : vector<16xi32>
        %swap3A_604 = arith.constant 1 : i32
        %swap3A_605 = arith.index_cast %swap3A_604 : i32 to index
        %swap3A_606 = arith.constant 48 : index
        %swap3A_607 = tpu.vector_load %arg7[%swap3A_605, %swap3A_606] {strides = array<i32>} : memref<2x128xi32, #tpu.memory_space<vmem>>, vector<1x16xi32>,
        %swap3A_608 = vector.shape_cast %swap3A_607 : vector<1x16xi32> to vector<16xi32>
        %swap3A_609 = vector.shape_cast %and3A_603 : vector<16xi32> to vector<1x16xi32>
        tpu.vector_store %arg7[%swap3A_605, %swap3A_606], %swap3A_609 {strides = array<i32>} : memref<2x128xi32, #tpu.memory_space<vmem>>, vector<1x16xi32>,
        %shift_right_logical3A_610 = arith.constant 16 : i32
        %shift_right_logical3A_611 = vector.broadcast %shift_right_logical3A_610 : i32 to vector<16xi32>
        %shift_right_logical3A_612 = arith.shrui %get3A_600, %shift_right_logical3A_611 : vector<16xi32>
        %swap3A_613 = arith.constant 1 : i32
        %swap3A_614 = arith.index_cast %swap3A_613 : i32 to index
        %swap3A_615 = arith.constant 48 : index
        %swap3A_616 = tpu.vector_load %arg8[%swap3A_614, %swap3A_615] {strides = array<i32>} : memref<2x128xi32, #tpu.memory_space<vmem>>, vector<1x16xi32>,
        %swap3A_617 = vector.shape_cast %swap3A_616 : vector<1x16xi32> to vector<16xi32>
        %swap3A_618 = vector.shape_cast %shift_right_logical3A_612 : vector<16xi32> to vector<1x16xi32>
        tpu.vector_store %arg8[%swap3A_614, %swap3A_615], %swap3A_618 {strides = array<i32>} : memref<2x128xi32, #tpu.memory_space<vmem>>, vector<1x16xi32>,
        %get3A_619 = arith.index_cast %add3A_510 : i32 to index
        %get3A_620 = arith.constant 64 : index
        %get3A_621 = tpu.vector_load %arg6[%get3A_619, %get3A_620] {strides = array<i32>} : memref<80x128xi32, #tpu.memory_space<vmem>>, vector<1x16xi32>,
        %get3A_622 = vector.shape_cast %get3A_621 : vector<1x16xi32> to vector<16xi32>
        %and3A_623 = arith.constant 65535 : i32
        %and3A_624 = vector.broadcast %and3A_623 : i32 to vector<16xi32>
        %and3A_625 = arith.andi %get3A_622, %and3A_624 : vector<16xi32>
        %swap3A_626 = arith.constant 1 : i32
        %swap3A_627 = arith.index_cast %swap3A_626 : i32 to index
        %swap3A_628 = arith.constant 64 : index
        %swap3A_629 = tpu.vector_load %arg7[%swap3A_627, %swap3A_628] {strides = array<i32>} : memref<2x128xi32, #tpu.memory_space<vmem>>, vector<1x16xi32>,
        %swap3A_630 = vector.shape_cast %swap3A_629 : vector<1x16xi32> to vector<16xi32>
        %swap3A_631 = vector.shape_cast %and3A_625 : vector<16xi32> to vector<1x16xi32>
        tpu.vector_store %arg7[%swap3A_627, %swap3A_628], %swap3A_631 {strides = array<i32>} : memref<2x128xi32, #tpu.memory_space<vmem>>, vector<1x16xi32>,
        %shift_right_logical3A_632 = arith.constant 16 : i32
        %shift_right_logical3A_633 = vector.broadcast %shift_right_logical3A_632 : i32 to vector<16xi32>
        %shift_right_logical3A_634 = arith.shrui %get3A_622, %shift_right_logical3A_633 : vector<16xi32>
        %swap3A_635 = arith.constant 1 : i32
        %swap3A_636 = arith.index_cast %swap3A_635 : i32 to index
        %swap3A_637 = arith.constant 64 : index
        %swap3A_638 = tpu.vector_load %arg8[%swap3A_636, %swap3A_637] {strides = array<i32>} : memref<2x128xi32, #tpu.memory_space<vmem>>, vector<1x16xi32>,
        %swap3A_639 = vector.shape_cast %swap3A_638 : vector<1x16xi32> to vector<16xi32>
        %swap3A_640 = vector.shape_cast %shift_right_logical3A_634 : vector<16xi32> to vector<1x16xi32>
        tpu.vector_store %arg8[%swap3A_636, %swap3A_637], %swap3A_640 {strides = array<i32>} : memref<2x128xi32, #tpu.memory_space<vmem>>, vector<1x16xi32>,
        %get3A_641 = arith.index_cast %add3A_510 : i32 to index
        %get3A_642 = arith.constant 80 : index
        %get3A_643 = tpu.vector_load %arg6[%get3A_641, %get3A_642] {strides = array<i32>} : memref<80x128xi32, #tpu.memory_space<vmem>>, vector<1x16xi32>,
        %get3A_644 = vector.shape_cast %get3A_643 : vector<1x16xi32> to vector<16xi32>
        %and3A_645 = arith.constant 65535 : i32
        %and3A_646 = vector.broadcast %and3A_645 : i32 to vector<16xi32>
        %and3A_647 = arith.andi %get3A_644, %and3A_646 : vector<16xi32>
        %swap3A_648 = arith.constant 1 : i32
        %swap3A_649 = arith.index_cast %swap3A_648 : i32 to index
        %swap3A_650 = arith.constant 80 : index
        %swap3A_651 = tpu.vector_load %arg7[%swap3A_649, %swap3A_650] {strides = array<i32>} : memref<2x128xi32, #tpu.memory_space<vmem>>, vector<1x16xi32>,
        %swap3A_652 = vector.shape_cast %swap3A_651 : vector<1x16xi32> to vector<16xi32>
        %swap3A_653 = vector.shape_cast %and3A_647 : vector<16xi32> to vector<1x16xi32>
        tpu.vector_store %arg7[%swap3A_649, %swap3A_650], %swap3A_653 {strides = array<i32>} : memref<2x128xi32, #tpu.memory_space<vmem>>, vector<1x16xi32>,
        %shift_right_logical3A_654 = arith.constant 16 : i32
        %shift_right_logical3A_655 = vector.broadcast %shift_right_logical3A_654 : i32 to vector<16xi32>
        %shift_right_logical3A_656 = arith.shrui %get3A_644, %shift_right_logical3A_655 : vector<16xi32>
        %swap3A_657 = arith.constant 1 : i32
        %swap3A_658 = arith.index_cast %swap3A_657 : i32 to index
        %swap3A_659 = arith.constant 80 : index
        %swap3A_660 = tpu.vector_load %arg8[%swap3A_658, %swap3A_659] {strides = array<i32>} : memref<2x128xi32, #tpu.memory_space<vmem>>, vector<1x16xi32>,
        %swap3A_661 = vector.shape_cast %swap3A_660 : vector<1x16xi32> to vector<16xi32>
        %swap3A_662 = vector.shape_cast %shift_right_logical3A_656 : vector<16xi32> to vector<1x16xi32>
        tpu.vector_store %arg8[%swap3A_658, %swap3A_659], %swap3A_662 {strides = array<i32>} : memref<2x128xi32, #tpu.memory_space<vmem>>, vector<1x16xi32>,
        %get3A_663 = arith.index_cast %add3A_510 : i32 to index
        %get3A_664 = arith.constant 96 : index
        %get3A_665 = tpu.vector_load %arg6[%get3A_663, %get3A_664] {strides = array<i32>} : memref<80x128xi32, #tpu.memory_space<vmem>>, vector<1x16xi32>,
        %get3A_666 = vector.shape_cast %get3A_665 : vector<1x16xi32> to vector<16xi32>
        %and3A_667 = arith.constant 65535 : i32
        %and3A_668 = vector.broadcast %and3A_667 : i32 to vector<16xi32>
        %and3A_669 = arith.andi %get3A_666, %and3A_668 : vector<16xi32>
        %swap3A_670 = arith.constant 1 : i32
        %swap3A_671 = arith.index_cast %swap3A_670 : i32 to index
        %swap3A_672 = arith.constant 96 : index
        %swap3A_673 = tpu.vector_load %arg7[%swap3A_671, %swap3A_672] {strides = array<i32>} : memref<2x128xi32, #tpu.memory_space<vmem>>, vector<1x16xi32>,
        %swap3A_674 = vector.shape_cast %swap3A_673 : vector<1x16xi32> to vector<16xi32>
        %swap3A_675 = vector.shape_cast %and3A_669 : vector<16xi32> to vector<1x16xi32>
        tpu.vector_store %arg7[%swap3A_671, %swap3A_672], %swap3A_675 {strides = array<i32>} : memref<2x128xi32, #tpu.memory_space<vmem>>, vector<1x16xi32>,
        %shift_right_logical3A_676 = arith.constant 16 : i32
        %shift_right_logical3A_677 = vector.broadcast %shift_right_logical3A_676 : i32 to vector<16xi32>
        %shift_right_logical3A_678 = arith.shrui %get3A_666, %shift_right_logical3A_677 : vector<16xi32>
        %swap3A_679 = arith.constant 1 : i32
        %swap3A_680 = arith.index_cast %swap3A_679 : i32 to index
        %swap3A_681 = arith.constant 96 : index
        %swap3A_682 = tpu.vector_load %arg8[%swap3A_680, %swap3A_681] {strides = array<i32>} : memref<2x128xi32, #tpu.memory_space<vmem>>, vector<1x16xi32>,
        %swap3A_683 = vector.shape_cast %swap3A_682 : vector<1x16xi32> to vector<16xi32>
        %swap3A_684 = vector.shape_cast %shift_right_logical3A_678 : vector<16xi32> to vector<1x16xi32>
        tpu.vector_store %arg8[%swap3A_680, %swap3A_681], %swap3A_684 {strides = array<i32>} : memref<2x128xi32, #tpu.memory_space<vmem>>, vector<1x16xi32>,
        %get3A_685 = arith.index_cast %add3A_510 : i32 to index
        %get3A_686 = arith.constant 112 : index
        %get3A_687 = tpu.vector_load %arg6[%get3A_685, %get3A_686] {strides = array<i32>} : memref<80x128xi32, #tpu.memory_space<vmem>>, vector<1x16xi32>,
        %get3A_688 = vector.shape_cast %get3A_687 : vector<1x16xi32> to vector<16xi32>
        %and3A_689 = arith.constant 65535 : i32
        %and3A_690 = vector.broadcast %and3A_689 : i32 to vector<16xi32>
        %and3A_691 = arith.andi %get3A_688, %and3A_690 : vector<16xi32>
        %swap3A_692 = arith.constant 1 : i32
        %swap3A_693 = arith.index_cast %swap3A_692 : i32 to index
        %swap3A_694 = arith.constant 112 : index
        %swap3A_695 = tpu.vector_load %arg7[%swap3A_693, %swap3A_694] {strides = array<i32>} : memref<2x128xi32, #tpu.memory_space<vmem>>, vector<1x16xi32>,
        %swap3A_696 = vector.shape_cast %swap3A_695 : vector<1x16xi32> to vector<16xi32>
        %swap3A_697 = vector.shape_cast %and3A_691 : vector<16xi32> to vector<1x16xi32>
        tpu.vector_store %arg7[%swap3A_693, %swap3A_694], %swap3A_697 {strides = array<i32>} : memref<2x128xi32, #tpu.memory_space<vmem>>, vector<1x16xi32>,
        %shift_right_logical3A_698 = arith.constant 16 : i32
        %shift_right_logical3A_699 = vector.broadcast %shift_right_logical3A_698 : i32 to vector<16xi32>
        %shift_right_logical3A_700 = arith.shrui %get3A_688, %shift_right_logical3A_699 : vector<16xi32>
        %swap3A_701 = arith.constant 1 : i32
        %swap3A_702 = arith.index_cast %swap3A_701 : i32 to index
        %swap3A_703 = arith.constant 112 : index
        %swap3A_704 = tpu.vector_load %arg8[%swap3A_702, %swap3A_703] {strides = array<i32>} : memref<2x128xi32, #tpu.memory_space<vmem>>, vector<1x16xi32>,
        %swap3A_705 = vector.shape_cast %swap3A_704 : vector<1x16xi32> to vector<16xi32>
        %swap3A_706 = vector.shape_cast %shift_right_logical3A_700 : vector<16xi32> to vector<1x16xi32>
        tpu.vector_store %arg8[%swap3A_702, %swap3A_703], %swap3A_706 {strides = array<i32>} : memref<2x128xi32, #tpu.memory_space<vmem>>, vector<1x16xi32>,
        %dma_start3A_707 = arith.constant 1 : i32
        %dma_start3A_708 = arith.constant 1 : i32
        %dma_start3A_709 = arith.constant 1 : i32
        %dma_start3A_710 = arith.constant 0 : i32
        %dma_start3A_711 = arith.constant 0 : i32
        %dma_start3A_712 = tpu.memref_slice %arg9[%dma_start3A_708, %dma_start3A_710, %dma_start3A_711] : memref<2x128x128xf32, #tpu.memory_space<vmem>> -> memref<1x128x128xf32, #tpu.memory_space<vmem>>
        %dma_start3A_713 = tpu.memref_squeeze %dma_start3A_712 : memref<1x128x128xf32, #tpu.memory_space<vmem>> -> memref<128x128xf32, #tpu.memory_space<vmem>>
        %dma_start3A_714 = arith.constant 0 : i32
        %dma_start3A_715 = tpu.memref_slice %arg7[%dma_start3A_707, %dma_start3A_714] : memref<2x128xi32, #tpu.memory_space<vmem>> -> memref<1x128xi32, #tpu.memory_space<vmem>>
        %dma_start3A_716 = tpu.memref_squeeze %dma_start3A_715 : memref<1x128xi32, #tpu.memory_space<vmem>> -> memref<128xi32, #tpu.memory_space<vmem>>
        %dma_start3A_717 = arith.constant 0 : i32
        %dma_start3A_718 = arith.constant 0 : i32
        %dma_start3A_719 = tpu.memref_slice %arg2[%dma_start3A_717, %dma_start3A_718] : memref<10240x128xf32, #tpu.memory_space<hbm>> -> memref<10240x128xf32, #tpu.memory_space<hbm>>
        %dma_start3A_720 = tpu.memref_slice %arg11[%dma_start3A_709] : memref<2x!tpu.dma_semaphore, #tpu.memory_space<semaphore_mem>> -> memref<1x!tpu.dma_semaphore, #tpu.memory_space<semaphore_mem>>
        %dma_start3A_721 = tpu.memref_squeeze %dma_start3A_720 : memref<1x!tpu.dma_semaphore, #tpu.memory_space<semaphore_mem>> -> memref<!tpu.dma_semaphore, #tpu.memory_space<semaphore_mem>>
        tpu.enqueue_indirect_dma source(%dma_start3A_719 : memref<10240x128xf32, #tpu.memory_space<hbm>>) target(%dma_start3A_713 : memref<128x128xf32, #tpu.memory_space<vmem>>) offsets(%dma_start3A_716 : memref<128xi32, #tpu.memory_space<vmem>>) semaphore(%dma_start3A_721 : memref<!tpu.dma_semaphore, #tpu.memory_space<semaphore_mem>>)
      } else {
      }
    }
    %scan3A_401 = arith.constant 40 : i32
    %dma_wait3A = arith.constant 0 : i32
    %dma_wait3A_402 = arith.constant 0 : i32
    %dma_wait3A_403 = arith.constant 0 : i32
    %dma_wait3A_404 = arith.constant 0 : i32
    %dma_wait3A_405 = arith.constant 0 : i32
    %dma_wait3A_406 = tpu.memref_slice %arg9[%dma_wait3A, %dma_wait3A_404, %dma_wait3A_405] : memref<2x128x128xf32, #tpu.memory_space<vmem>> -> memref<1x128x128xf32, #tpu.memory_space<vmem>>
    %dma_wait3A_407 = tpu.memref_squeeze %dma_wait3A_406 : memref<1x128x128xf32, #tpu.memory_space<vmem>> -> memref<128x128xf32, #tpu.memory_space<vmem>>
    %dma_wait3A_408 = arith.constant 0 : i32
    %dma_wait3A_409 = tpu.memref_slice %arg8[%dma_wait3A_402, %dma_wait3A_408] : memref<2x128xi32, #tpu.memory_space<vmem>> -> memref<1x128xi32, #tpu.memory_space<vmem>>
    %dma_wait3A_410 = tpu.memref_squeeze %dma_wait3A_409 : memref<1x128xi32, #tpu.memory_space<vmem>> -> memref<128xi32, #tpu.memory_space<vmem>>
    %dma_wait3A_411 = arith.constant 0 : i32
    %dma_wait3A_412 = arith.constant 0 : i32
    %dma_wait3A_413 = tpu.memref_slice %arg10[%dma_wait3A_411, %dma_wait3A_412] : memref<10112x128xf32, #tpu.memory_space<vmem_shared>> -> memref<10112x128xf32, #tpu.memory_space<vmem_shared>>
    %dma_wait3A_414 = tpu.memref_slice %arg12[%dma_wait3A_403] : memref<2x!tpu.dma_semaphore, #tpu.memory_space<semaphore_mem>> -> memref<1x!tpu.dma_semaphore, #tpu.memory_space<semaphore_mem>>
    %dma_wait3A_415 = tpu.memref_squeeze %dma_wait3A_414 : memref<1x!tpu.dma_semaphore, #tpu.memory_space<semaphore_mem>> -> memref<!tpu.dma_semaphore, #tpu.memory_space<semaphore_mem>>
    tpu.wait_indirect_dma semaphore(%dma_wait3A_415 : memref<!tpu.dma_semaphore, #tpu.memory_space<semaphore_mem>>) src(%dma_wait3A_407 : memref<128x128xf32, #tpu.memory_space<vmem>>) dst(%dma_wait3A_413 : memref<10112x128xf32, #tpu.memory_space<vmem_shared>>)
    %dma_wait3A_416 = arith.constant 1 : i32
    %dma_wait3A_417 = arith.constant 1 : i32
    %dma_wait3A_418 = arith.constant 1 : i32
    %dma_wait3A_419 = arith.constant 0 : i32
    %dma_wait3A_420 = arith.constant 0 : i32
    %dma_wait3A_421 = tpu.memref_slice %arg9[%dma_wait3A_416, %dma_wait3A_419, %dma_wait3A_420] : memref<2x128x128xf32, #tpu.memory_space<vmem>> -> memref<1x128x128xf32, #tpu.memory_space<vmem>>
    %dma_wait3A_422 = tpu.memref_squeeze %dma_wait3A_421 : memref<1x128x128xf32, #tpu.memory_space<vmem>> -> memref<128x128xf32, #tpu.memory_space<vmem>>
    %dma_wait3A_423 = arith.constant 0 : i32
    %dma_wait3A_424 = tpu.memref_slice %arg8[%dma_wait3A_417, %dma_wait3A_423] : memref<2x128xi32, #tpu.memory_space<vmem>> -> memref<1x128xi32, #tpu.memory_space<vmem>>
    %dma_wait3A_425 = tpu.memref_squeeze %dma_wait3A_424 : memref<1x128xi32, #tpu.memory_space<vmem>> -> memref<128xi32, #tpu.memory_space<vmem>>
    %dma_wait3A_426 = arith.constant 0 : i32
    %dma_wait3A_427 = arith.constant 0 : i32
    %dma_wait3A_428 = tpu.memref_slice %arg10[%dma_wait3A_426, %dma_wait3A_427] : memref<10112x128xf32, #tpu.memory_space<vmem_shared>> -> memref<10112x128xf32, #tpu.memory_space<vmem_shared>>
    %dma_wait3A_429 = tpu.memref_slice %arg12[%dma_wait3A_418] : memref<2x!tpu.dma_semaphore, #tpu.memory_space<semaphore_mem>> -> memref<1x!tpu.dma_semaphore, #tpu.memory_space<semaphore_mem>>
    %dma_wait3A_430 = tpu.memref_squeeze %dma_wait3A_429 : memref<1x!tpu.dma_semaphore, #tpu.memory_space<semaphore_mem>> -> memref<!tpu.dma_semaphore, #tpu.memory_space<semaphore_mem>>
    tpu.wait_indirect_dma semaphore(%dma_wait3A_430 : memref<!tpu.dma_semaphore, #tpu.memory_space<semaphore_mem>>) src(%dma_wait3A_422 : memref<128x128xf32, #tpu.memory_space<vmem>>) dst(%dma_wait3A_428 : memref<10112x128xf32, #tpu.memory_space<vmem_shared>>)
    %barrier3A_431 = arith.constant 0 : index
    tpu.barrier barrier_id(%barrier3A_431)
    %mul3A_432 = arith.constant 632 : i32
    %mul3A_433 = arith.muli %arg1, %mul3A_432 : i32
    %mul3A_434 = arith.constant 632 : i32
    %mul3A_435 = arith.muli %arg1, %mul3A_434 : i32
    "tpu.region"() ({
      %run_scoped3A = tpu.sem_alloc : memref<!tpu.dma_semaphore, #tpu.memory_space<semaphore_mem>>
      %dma_start3A_436 = arith.constant 0 : i32
      %dma_start3A_437 = tpu.memref_slice %arg5[%arg0, %mul3A_435, %dma_start3A_436] : memref<2x10112x128xf32, #tpu.memory_space<hbm>> -> memref<1x632x128xf32, #tpu.memory_space<hbm>>
      %dma_start3A_438 = tpu.memref_squeeze %dma_start3A_437 : memref<1x632x128xf32, #tpu.memory_space<hbm>> -> memref<632x128xf32, #tpu.memory_space<hbm>>
      %dma_start3A_439 = arith.constant 0 : i32
      %dma_start3A_440 = tpu.memref_slice %arg10[%mul3A_433, %dma_start3A_439] : memref<10112x128xf32, #tpu.memory_space<vmem_shared>> -> memref<632x128xf32, #tpu.memory_space<vmem_shared>>
      tpu.enqueue_dma source(%dma_start3A_440 : memref<632x128xf32, #tpu.memory_space<vmem_shared>>) target(%dma_start3A_438 : memref<632x128xf32, #tpu.memory_space<hbm>>) target_semaphore(%run_scoped3A : memref<!tpu.dma_semaphore, #tpu.memory_space<semaphore_mem>>)
      %dma_wait3A_441 = arith.constant 0 : i32
      %dma_wait3A_442 = tpu.memref_slice %arg5[%arg0, %mul3A_435, %dma_wait3A_441] : memref<2x10112x128xf32, #tpu.memory_space<hbm>> -> memref<1x632x128xf32, #tpu.memory_space<hbm>>
      %dma_wait3A_443 = tpu.memref_squeeze %dma_wait3A_442 : memref<1x632x128xf32, #tpu.memory_space<hbm>> -> memref<632x128xf32, #tpu.memory_space<hbm>>
      %dma_wait3A_444 = arith.constant 0 : i32
      %dma_wait3A_445 = tpu.memref_slice %arg10[%mul3A_433, %dma_wait3A_444] : memref<10112x128xf32, #tpu.memory_space<vmem_shared>> -> memref<632x128xf32, #tpu.memory_space<vmem_shared>>
      tpu.wait_dma2 semaphore(%run_scoped3A : memref<!tpu.dma_semaphore, #tpu.memory_space<semaphore_mem>>) src(%dma_wait3A_445 : memref<632x128xf32, #tpu.memory_space<vmem_shared>>) dst(%dma_wait3A_443 : memref<632x128xf32, #tpu.memory_space<hbm>>)
      tpu.yield
    }) : () -> ()
    return
  }
}

module attributes {stable_mosaic.version = 14 : i64} {
  func.func @_pck_body(%arg0: i32, %arg1: memref<2x320x128xi32, #tpu.memory_space<vmem>>, %arg2: memref<320x128xi32, #tpu.memory_space<vmem>>) attributes {dimension_semantics = [#tpu.dimension_semantics<arbitrary>], iteration_bounds = array<i64: 8>, scalar_prefetch = 0 : i64, scratch_operands = 0 : i64, tpu.core_type = #tpu.core_type<tc>, window_params = [{transform_indices = @transform_0, window_bounds = array<i64: 2, 320, 128>}, {transform_indices = @transform_1, window_bounds = array<i64: 320, 128>}]} {
    %get3A = arith.constant 0 : index
    %get3A_0 = arith.constant 0 : index
    %get3A_1 = arith.constant 0 : index
    %get3A_2 = vector.load %arg1[%get3A, %get3A_0, %get3A_1] : memref<2x320x128xi32, #tpu.memory_space<vmem>>, vector<1x320x128xi32>
    %get3A_3 = vector.shape_cast %get3A_2 : vector<1x320x128xi32> to vector<320x128xi32>
    %get3A_4 = arith.constant 1 : index
    %get3A_5 = arith.constant 0 : index
    %get3A_6 = arith.constant 0 : index
    %get3A_7 = vector.load %arg1[%get3A_4, %get3A_5, %get3A_6] : memref<2x320x128xi32, #tpu.memory_space<vmem>>, vector<1x320x128xi32>
    %get3A_8 = vector.shape_cast %get3A_7 : vector<1x320x128xi32> to vector<320x128xi32>
    %iota3A = tpu.iota {dimensions = array<i32: 0>} : vector<320x128xi32>
    %mul3A = arith.constant 320 : i32
    %mul3A_9 = arith.muli %arg0, %mul3A : i32
    %add3A = vector.broadcast %mul3A_9 : i32 to vector<320x128xi32>
    %add3A_10 = arith.addi %iota3A, %add3A : vector<320x128xi32>
    %mul3A_11 = arith.constant 128 : i32
    %mul3A_12 = vector.broadcast %mul3A_11 : i32 to vector<320x128xi32>
    %mul3A_13 = arith.muli %add3A_10, %mul3A_12 : vector<320x128xi32>
    %iota3A_14 = tpu.iota {dimensions = array<i32: 1>} : vector<320x128xi32>
    %add3A_15 = arith.addi %mul3A_13, %iota3A_14 : vector<320x128xi32>
    %jit3A = arith.constant 240 : i32
    %eq3A = arith.constant 0 : i32
    %eq3A_16 = arith.cmpi eq, %jit3A, %eq3A : i32
    %jit3A_17 = arith.constant 1 : i32
    %select_n3A = arith.select %eq3A_16, %jit3A_17, %jit3A : i32
    %rem3A = vector.broadcast %select_n3A : i32 to vector<320x128xi32>
    %rem3A_18 = arith.remsi %add3A_15, %rem3A : vector<320x128xi32>
    %ne3A = arith.constant 0 : i32
    %ne3A_19 = vector.broadcast %ne3A : i32 to vector<320x128xi32>
    %ne3A_20 = arith.cmpi ne, %rem3A_18, %ne3A_19 : vector<320x128xi32>
    %lt3A = arith.constant 0 : i32
    %lt3A_21 = vector.broadcast %lt3A : i32 to vector<320x128xi32>
    %lt3A_22 = arith.cmpi slt, %rem3A_18, %lt3A_21 : vector<320x128xi32>
    %lt3A_23 = arith.constant 0 : i32
    %lt3A_24 = arith.cmpi slt, %select_n3A, %lt3A_23 : i32
    %ne3A_25 = vector.broadcast %lt3A_24 : i1 to vector<320x128xi1>
    %ne3A_26 = vector.broadcast %ne3A_25 : vector<320x128xi1> to vector<320x128xi1>
    %ne3A_27 = arith.xori %lt3A_22, %ne3A_26 : vector<320x128xi1>
    %and3A = arith.andi %ne3A_27, %ne3A_20 : vector<320x128xi1>
    %add3A_28 = vector.broadcast %select_n3A : i32 to vector<320x128xi32>
    %add3A_29 = arith.addi %rem3A_18, %add3A_28 : vector<320x128xi32>
    %select_n3A_30 = arith.select %and3A, %add3A_29, %rem3A_18 : vector<320x128xi1>, vector<320x128xi32>
    %add3A_31 = arith.constant 10000 : i32
    %add3A_32 = vector.broadcast %add3A_31 : i32 to vector<320x128xi32>
    %add3A_33 = arith.addi %add3A_32, %select_n3A_30 : vector<320x128xi32>
    %jit3A_34 = arith.constant 10000 : i32
    %eq3A_35 = arith.constant 0 : i32
    %eq3A_36 = arith.cmpi eq, %jit3A_34, %eq3A_35 : i32
    %jit3A_37 = arith.constant 1 : i32
    %select_n3A_38 = arith.select %eq3A_36, %jit3A_37, %jit3A_34 : i32
    %rem3A_39 = vector.broadcast %select_n3A_38 : i32 to vector<320x128xi32>
    %rem3A_40 = arith.remsi %add3A_15, %rem3A_39 : vector<320x128xi32>
    %ne3A_41 = arith.constant 0 : i32
    %ne3A_42 = vector.broadcast %ne3A_41 : i32 to vector<320x128xi32>
    %ne3A_43 = arith.cmpi ne, %rem3A_40, %ne3A_42 : vector<320x128xi32>
    %lt3A_44 = arith.constant 0 : i32
    %lt3A_45 = vector.broadcast %lt3A_44 : i32 to vector<320x128xi32>
    %lt3A_46 = arith.cmpi slt, %rem3A_40, %lt3A_45 : vector<320x128xi32>
    %lt3A_47 = arith.constant 0 : i32
    %lt3A_48 = arith.cmpi slt, %select_n3A_38, %lt3A_47 : i32
    %ne3A_49 = vector.broadcast %lt3A_48 : i1 to vector<320x128xi1>
    %ne3A_50 = vector.broadcast %ne3A_49 : vector<320x128xi1> to vector<320x128xi1>
    %ne3A_51 = arith.xori %lt3A_46, %ne3A_50 : vector<320x128xi1>
    %and3A_52 = arith.andi %ne3A_51, %ne3A_43 : vector<320x128xi1>
    %add3A_53 = vector.broadcast %select_n3A_38 : i32 to vector<320x128xi32>
    %add3A_54 = arith.addi %rem3A_40, %add3A_53 : vector<320x128xi32>
    %select_n3A_55 = arith.select %and3A_52, %add3A_54, %rem3A_40 : vector<320x128xi1>, vector<320x128xi32>
    %lt3A_56 = arith.constant 320000 : i32
    %lt3A_57 = vector.broadcast %lt3A_56 : i32 to vector<320x128xi32>
    %lt3A_58 = arith.cmpi slt, %add3A_15, %lt3A_57 : vector<320x128xi32>
    %select_n3A_59 = arith.select %lt3A_58, %get3A_3, %add3A_33 : vector<320x128xi1>, vector<320x128xi32>
    %lt3A_60 = arith.constant 320000 : i32
    %lt3A_61 = vector.broadcast %lt3A_60 : i32 to vector<320x128xi32>
    %lt3A_62 = arith.cmpi slt, %add3A_15, %lt3A_61 : vector<320x128xi32>
    %select_n3A_63 = arith.select %lt3A_62, %get3A_8, %select_n3A_55 : vector<320x128xi1>, vector<320x128xi32>
    %shift_left3A = arith.constant 16 : i32
    %shift_left3A_64 = vector.broadcast %shift_left3A : i32 to vector<320x128xi32>
    %shift_left3A_65 = arith.shli %select_n3A_63, %shift_left3A_64 : vector<320x128xi32>
    %or3A = arith.ori %select_n3A_59, %shift_left3A_65 : vector<320x128xi32>
    %swap3A = arith.constant 0 : index
    %swap3A_66 = arith.constant 0 : index
    %swap3A_67 = vector.load %arg2[%swap3A, %swap3A_66] : memref<320x128xi32, #tpu.memory_space<vmem>>, vector<320x128xi32>
    tpu.vector_store %arg2[%swap3A, %swap3A_66], %or3A {strides = array<i32>} : memref<320x128xi32, #tpu.memory_space<vmem>>, vector<320x128xi32>,
    return
  }
  func.func @transform_0(%arg0: i32) -> (i32, i32, i32) {
    %c0_i32 = arith.constant 0 : i32
    %c0_i32_0 = arith.constant 0 : i32
    %c0_i32_1 = arith.constant 0 : i32
    return %c0_i32, %arg0, %c0_i32_0 : i32, i32, i32
  }
  func.func @transform_1(%arg0: i32) -> (i32, i32) {
    %c0_i32 = arith.constant 0 : i32
    %c0_i32_0 = arith.constant 0 : i32
    return %arg0, %c0_i32 : i32, i32
  }
}

module attributes {stable_mosaic.version = 14 : i64} {
  func.func @_pre_body(%arg0: i32, %arg1: memref<1024x1024xf32, #tpu.memory_space<vmem>>, %arg2: memref<1024x16xf32, #tpu.memory_space<vmem>>, %arg3: memref<1x16xf32, #tpu.memory_space<vmem>>, %arg4: memref<16x64xf32, #tpu.memory_space<vmem>>, %arg5: memref<1x64xf32, #tpu.memory_space<vmem>>, %arg6: memref<1024x256xf32, #tpu.memory_space<vmem>>, %arg7: memref<1x256xf32, #tpu.memory_space<vmem>>, %arg8: memref<256x64xf32, #tpu.memory_space<vmem>>, %arg9: memref<1x64xf32, #tpu.memory_space<vmem>>, %arg10: memref<1024x128xf32, #tpu.memory_space<vmem>>) attributes {dimension_semantics = [#tpu.dimension_semantics<arbitrary>], iteration_bounds = array<i64: 10>, scalar_prefetch = 0 : i64, scratch_operands = 0 : i64, tpu.core_type = #tpu.core_type<tc>, window_params = [{transform_indices = @transform_0, window_bounds = array<i64: 1024, 1024>}, {pipeline_mode = #tpu.pipeline_mode<synchronous>, transform_indices = @transform_1, window_bounds = array<i64: 1024, 16>}, {pipeline_mode = #tpu.pipeline_mode<synchronous>, transform_indices = @transform_2, window_bounds = array<i64: 1, 16>}, {pipeline_mode = #tpu.pipeline_mode<synchronous>, transform_indices = @transform_3, window_bounds = array<i64: 16, 64>}, {pipeline_mode = #tpu.pipeline_mode<synchronous>, transform_indices = @transform_4, window_bounds = array<i64: 1, 64>}, {pipeline_mode = #tpu.pipeline_mode<synchronous>, transform_indices = @transform_5, window_bounds = array<i64: 1024, 256>}, {pipeline_mode = #tpu.pipeline_mode<synchronous>, transform_indices = @transform_6, window_bounds = array<i64: 1, 256>}, {pipeline_mode = #tpu.pipeline_mode<synchronous>, transform_indices = @transform_7, window_bounds = array<i64: 256, 64>}, {pipeline_mode = #tpu.pipeline_mode<synchronous>, transform_indices = @transform_8, window_bounds = array<i64: 1, 64>}, {transform_indices = @transform_9, window_bounds = array<i64: 1024, 128>}]} {
    %get3A = arith.constant 0 : index
    %get3A_0 = arith.constant 0 : index
    %get3A_1 = vector.load %arg1[%get3A, %get3A_0] : memref<1024x1024xf32, #tpu.memory_space<vmem>>, vector<1024x1024xf32>
    %get3A_2 = arith.constant 0 : index
    %get3A_3 = arith.constant 0 : index
    %get3A_4 = vector.load %arg2[%get3A_2, %get3A_3] : memref<1024x16xf32, #tpu.memory_space<vmem>>, vector<1024x16xf32>
    %dot_general3A = arith.constant dense<0.000000e+00> : vector<1024x16xf32>
    %dot_general3A_5 = tpu.matmul %get3A_1, %get3A_4, %dot_general3A {dimension_numbers = #tpu.dot_dimension_numbers<[1], [0], [0], [1], [0, 0, 1, 1], [], []>, transpose_lhs_hint = false} : vector<1024x1024xf32>, vector<1024x16xf32>, vector<1024x16xf32> -> vector<1024x16xf32>
    %get3A_6 = arith.constant 0 : index
    %get3A_7 = arith.constant 0 : index
    %get3A_8 = vector.load %arg3[%get3A_6, %get3A_7] : memref<1x16xf32, #tpu.memory_space<vmem>>, vector<1x16xf32>
    %add3A = vector.broadcast %get3A_8 : vector<1x16xf32> to vector<1024x16xf32>
    %add3A_9 = arith.addf %dot_general3A_5, %add3A : vector<1024x16xf32>
    %max3A = arith.constant 0.000000e+00 : f32
    %max3A_10 = vector.broadcast %max3A : f32 to vector<1024x16xf32>
    %max3A_11 = arith.maximumf %add3A_9, %max3A_10 : vector<1024x16xf32>
    %get3A_12 = arith.constant 0 : index
    %get3A_13 = arith.constant 0 : index
    %get3A_14 = vector.load %arg4[%get3A_12, %get3A_13] : memref<16x64xf32, #tpu.memory_space<vmem>>, vector<16x64xf32>
    %dot_general3A_15 = arith.constant dense<0.000000e+00> : vector<1024x64xf32>
    %dot_general3A_16 = tpu.matmul %max3A_11, %get3A_14, %dot_general3A_15 {dimension_numbers = #tpu.dot_dimension_numbers<[1], [0], [0], [1], [0, 0, 1, 1], [], []>, transpose_lhs_hint = false} : vector<1024x16xf32>, vector<16x64xf32>, vector<1024x64xf32> -> vector<1024x64xf32>
    %get3A_17 = arith.constant 0 : index
    %get3A_18 = arith.constant 0 : index
    %get3A_19 = vector.load %arg5[%get3A_17, %get3A_18] : memref<1x64xf32, #tpu.memory_space<vmem>>, vector<1x64xf32>
    %add3A_20 = vector.broadcast %get3A_19 : vector<1x64xf32> to vector<1024x64xf32>
    %add3A_21 = arith.addf %dot_general3A_16, %add3A_20 : vector<1024x64xf32>
    %max3A_22 = arith.constant 0.000000e+00 : f32
    %max3A_23 = vector.broadcast %max3A_22 : f32 to vector<1024x64xf32>
    %max3A_24 = arith.maximumf %add3A_21, %max3A_23 : vector<1024x64xf32>
    %convert_element_type3A = arith.truncf %get3A_1 : vector<1024x1024xf32> to vector<1024x1024xbf16>
    %get3A_25 = arith.constant 0 : index
    %get3A_26 = arith.constant 0 : index
    %get3A_27 = vector.load %arg6[%get3A_25, %get3A_26] : memref<1024x256xf32, #tpu.memory_space<vmem>>, vector<1024x256xf32>
    %convert_element_type3A_28 = arith.truncf %get3A_27 : vector<1024x256xf32> to vector<1024x256xbf16>
    %dot_general3A_29 = arith.constant dense<0.000000e+00> : vector<1024x256xf32>
    %dot_general3A_30 = tpu.matmul %convert_element_type3A, %convert_element_type3A_28, %dot_general3A_29 {dimension_numbers = #tpu.dot_dimension_numbers<[1], [0], [0], [1], [0, 0, 1, 1], [], []>, transpose_lhs_hint = false} : vector<1024x1024xbf16>, vector<1024x256xbf16>, vector<1024x256xf32> -> vector<1024x256xf32>
    %get3A_31 = arith.constant 0 : index
    %get3A_32 = arith.constant 0 : index
    %get3A_33 = vector.load %arg7[%get3A_31, %get3A_32] : memref<1x256xf32, #tpu.memory_space<vmem>>, vector<1x256xf32>
    %add3A_34 = vector.broadcast %get3A_33 : vector<1x256xf32> to vector<1024x256xf32>
    %add3A_35 = arith.addf %dot_general3A_30, %add3A_34 : vector<1024x256xf32>
    %max3A_36 = arith.constant 0.000000e+00 : f32
    %max3A_37 = vector.broadcast %max3A_36 : f32 to vector<1024x256xf32>
    %max3A_38 = arith.maximumf %add3A_35, %max3A_37 : vector<1024x256xf32>
    %get3A_39 = arith.constant 0 : index
    %get3A_40 = arith.constant 0 : index
    %get3A_41 = vector.load %arg8[%get3A_39, %get3A_40] : memref<256x64xf32, #tpu.memory_space<vmem>>, vector<256x64xf32>
    %dot_general3A_42 = arith.constant dense<0.000000e+00> : vector<1024x64xf32>
    %dot_general3A_43 = tpu.matmul %max3A_38, %get3A_41, %dot_general3A_42 {dimension_numbers = #tpu.dot_dimension_numbers<[1], [0], [0], [1], [0, 0, 1, 1], [], []>, transpose_lhs_hint = false} : vector<1024x256xf32>, vector<256x64xf32>, vector<1024x64xf32> -> vector<1024x64xf32>
    %get3A_44 = arith.constant 0 : index
    %get3A_45 = arith.constant 0 : index
    %get3A_46 = vector.load %arg9[%get3A_44, %get3A_45] : memref<1x64xf32, #tpu.memory_space<vmem>>, vector<1x64xf32>
    %add3A_47 = vector.broadcast %get3A_46 : vector<1x64xf32> to vector<1024x64xf32>
    %add3A_48 = arith.addf %dot_general3A_43, %add3A_47 : vector<1024x64xf32>
    %max3A_49 = arith.constant 0.000000e+00 : f32
    %max3A_50 = vector.broadcast %max3A_49 : f32 to vector<1024x64xf32>
    %max3A_51 = arith.maximumf %add3A_48, %max3A_50 : vector<1024x64xf32>
    %concatenate3A = tpu.concatenate %max3A_51, %max3A_24 in 1 : vector<1024x64xf32>, vector<1024x64xf32> -> vector<1024x128xf32>
    %iota3A = tpu.iota {dimensions = array<i32: 0>} : vector<1024x128xi32>
    %mul3A = arith.constant 1024 : i32
    %mul3A_52 = arith.muli %arg0, %mul3A : i32
    %add3A_53 = vector.broadcast %mul3A_52 : i32 to vector<1024x128xi32>
    %add3A_54 = arith.addi %iota3A, %add3A_53 : vector<1024x128xi32>
    %lt3A = arith.constant 10000 : i32
    %lt3A_55 = vector.broadcast %lt3A : i32 to vector<1024x128xi32>
    %lt3A_56 = arith.cmpi slt, %add3A_54, %lt3A_55 : vector<1024x128xi32>
    %jit3A = arith.constant 0.000000e+00 : f32
    %broadcast_in_dim3A = vector.broadcast %jit3A : f32 to vector<1024x128xf32>
    %select_n3A = arith.select %lt3A_56, %concatenate3A, %broadcast_in_dim3A : vector<1024x128xi1>, vector<1024x128xf32>
    %swap3A = arith.constant 0 : index
    %swap3A_57 = arith.constant 0 : index
    %swap3A_58 = vector.load %arg10[%swap3A, %swap3A_57] : memref<1024x128xf32, #tpu.memory_space<vmem>>, vector<1024x128xf32>
    tpu.vector_store %arg10[%swap3A, %swap3A_57], %select_n3A {strides = array<i32>} : memref<1024x128xf32, #tpu.memory_space<vmem>>, vector<1024x128xf32>,
    return
  }
  func.func @transform_0(%arg0: i32) -> (i32, i32) {
    %c0_i32 = arith.constant 0 : i32
    %c0_i32_0 = arith.constant 0 : i32
    return %arg0, %c0_i32 : i32, i32
  }
  func.func @transform_1(%arg0: i32) -> (i32, i32) {
    %c0_i32 = arith.constant 0 : i32
    %c0_i32_0 = arith.constant 0 : i32
    %c0_i32_1 = arith.constant 0 : i32
    return %c0_i32, %c0_i32_0 : i32, i32
  }
  func.func @transform_2(%arg0: i32) -> (i32, i32) {
    %c0_i32 = arith.constant 0 : i32
    %c0_i32_0 = arith.constant 0 : i32
    %c0_i32_1 = arith.constant 0 : i32
    return %c0_i32, %c0_i32_0 : i32, i32
  }
  func.func @transform_3(%arg0: i32) -> (i32, i32) {
    %c0_i32 = arith.constant 0 : i32
    %c0_i32_0 = arith.constant 0 : i32
    %c0_i32_1 = arith.constant 0 : i32
    return %c0_i32, %c0_i32_0 : i32, i32
  }
  func.func @transform_4(%arg0: i32) -> (i32, i32) {
    %c0_i32 = arith.constant 0 : i32
    %c0_i32_0 = arith.constant 0 : i32
    %c0_i32_1 = arith.constant 0 : i32
    return %c0_i32, %c0_i32_0 : i32, i32
  }
  func.func @transform_5(%arg0: i32) -> (i32, i32) {
    %c0_i32 = arith.constant 0 : i32
    %c0_i32_0 = arith.constant 0 : i32
    %c0_i32_1 = arith.constant 0 : i32
    return %c0_i32, %c0_i32_0 : i32, i32
  }
  func.func @transform_6(%arg0: i32) -> (i32, i32) {
    %c0_i32 = arith.constant 0 : i32
    %c0_i32_0 = arith.constant 0 : i32
    %c0_i32_1 = arith.constant 0 : i32
    return %c0_i32, %c0_i32_0 : i32, i32
  }
  func.func @transform_7(%arg0: i32) -> (i32, i32) {
    %c0_i32 = arith.constant 0 : i32
    %c0_i32_0 = arith.constant 0 : i32
    %c0_i32_1 = arith.constant 0 : i32
    return %c0_i32, %c0_i32_0 : i32, i32
  }
  func.func @transform_8(%arg0: i32) -> (i32, i32) {
    %c0_i32 = arith.constant 0 : i32
    %c0_i32_0 = arith.constant 0 : i32
    %c0_i32_1 = arith.constant 0 : i32
    return %c0_i32, %c0_i32_0 : i32, i32
  }
  func.func @transform_9(%arg0: i32) -> (i32, i32) {
    %c0_i32 = arith.constant 0 : i32
    %c0_i32_0 = arith.constant 0 : i32
    return %arg0, %c0_i32 : i32, i32
  }
}

module attributes {stable_mosaic.version = 14 : i64} {
  func.func @_gin_fused_body(%arg0: i32, %arg1: i32, %arg2: memref<1024x128xf32, #tpu.memory_space<vmem>>, %arg3: memref<1x1024x128xf32, #tpu.memory_space<vmem>>, %arg4: memref<1x1024x128xf32, #tpu.memory_space<vmem>>, %arg5: memref<128x128xf32, #tpu.memory_space<vmem>>, %arg6: memref<1x128xf32, #tpu.memory_space<vmem>>, %arg7: memref<1x128xf32, #tpu.memory_space<vmem>>, %arg8: memref<1x128xf32, #tpu.memory_space<vmem>>, %arg9: memref<128x128xf32, #tpu.memory_space<vmem>>, %arg10: memref<1x128xf32, #tpu.memory_space<vmem>>, %arg11: memref<1024x128xf32, #tpu.memory_space<vmem>>, %arg12: memref<1024x128xf32, #tpu.memory_space<vmem>>, %arg13: memref<10240x128xf32, #tpu.memory_space<vmem>>, %arg14: memref<8x128xf32, #tpu.memory_space<vmem>>) attributes {dimension_semantics = [#tpu.dimension_semantics<arbitrary>, #tpu.dimension_semantics<arbitrary>], iteration_bounds = array<i64: 2, 10>, scalar_prefetch = 0 : i64, scratch_operands = 2 : i64, tpu.core_type = #tpu.core_type<tc>, window_params = [{transform_indices = @transform_0, window_bounds = array<i64: 1024, 128>}, {transform_indices = @transform_1, window_bounds = array<i64: 1, 1024, 128>}, {transform_indices = @transform_2, window_bounds = array<i64: 1, 1024, 128>}, {pipeline_mode = #tpu.pipeline_mode<synchronous>, transform_indices = @transform_3, window_bounds = array<i64: 128, 128>}, {pipeline_mode = #tpu.pipeline_mode<synchronous>, transform_indices = @transform_4, window_bounds = array<i64: 1, 128>}, {pipeline_mode = #tpu.pipeline_mode<synchronous>, transform_indices = @transform_5, window_bounds = array<i64: 1, 128>}, {pipeline_mode = #tpu.pipeline_mode<synchronous>, transform_indices = @transform_6, window_bounds = array<i64: 1, 128>}, {pipeline_mode = #tpu.pipeline_mode<synchronous>, transform_indices = @transform_7, window_bounds = array<i64: 128, 128>}, {pipeline_mode = #tpu.pipeline_mode<synchronous>, transform_indices = @transform_8, window_bounds = array<i64: 1, 128>}, {transform_indices = @transform_9, window_bounds = array<i64: 1024, 128>}, {transform_indices = @transform_10, window_bounds = array<i64: 1024, 128>}]} {
    %eq3A = arith.constant 0 : i32
    %eq3A_0 = arith.cmpi eq, %arg0, %eq3A : i32
    %convert_element_type3A = arith.extui %eq3A_0 : i1 to i32
    %cond3A = arith.constant 0 : i32
    %cond3A_1 = arith.cmpi ne, %convert_element_type3A, %cond3A : i32
    scf.if %cond3A_1 {
      %get3A = arith.constant 0 : index
      %get3A_7 = arith.constant 0 : index
      %get3A_8 = vector.load %arg2[%get3A, %get3A_7] : memref<1024x128xf32, #tpu.memory_space<vmem>>, vector<1024x128xf32>
      %get3A_9 = arith.constant 0 : index
      %get3A_10 = arith.constant 0 : index
      %get3A_11 = arith.constant 0 : index
      %get3A_12 = vector.load %arg3[%get3A_9, %get3A_10, %get3A_11] : memref<1x1024x128xf32, #tpu.memory_space<vmem>>, vector<1x1024x128xf32>
      %get3A_13 = vector.shape_cast %get3A_12 : vector<1x1024x128xf32> to vector<1024x128xf32>
      %add3A = arith.addf %get3A_8, %get3A_13 : vector<1024x128xf32>
      %get3A_14 = arith.constant 0 : index
      %get3A_15 = arith.constant 0 : index
      %get3A_16 = arith.constant 0 : index
      %get3A_17 = vector.load %arg4[%get3A_14, %get3A_15, %get3A_16] : memref<1x1024x128xf32, #tpu.memory_space<vmem>>, vector<1x1024x128xf32>
      %get3A_18 = vector.shape_cast %get3A_17 : vector<1x1024x128xf32> to vector<1024x128xf32>
      %add3A_19 = arith.addf %add3A, %get3A_18 : vector<1024x128xf32>
      %get3A_20 = arith.constant 0 : index
      %get3A_21 = arith.constant 0 : index
      %get3A_22 = vector.load %arg5[%get3A_20, %get3A_21] : memref<128x128xf32, #tpu.memory_space<vmem>>, vector<128x128xf32>
      %dot_general3A = arith.constant dense<0.000000e+00> : vector<1024x128xf32>
      %dot_general3A_23 = tpu.matmul %add3A_19, %get3A_22, %dot_general3A {dimension_numbers = #tpu.dot_dimension_numbers<[1], [0], [0], [1], [0, 0, 1, 1], [], []>, transpose_lhs_hint = false} : vector<1024x128xf32>, vector<128x128xf32>, vector<1024x128xf32> -> vector<1024x128xf32>
      %get3A_24 = arith.constant 0 : index
      %get3A_25 = arith.constant 0 : index
      %get3A_26 = vector.load %arg6[%get3A_24, %get3A_25] : memref<1x128xf32, #tpu.memory_space<vmem>>, vector<1x128xf32>
      %add3A_27 = vector.broadcast %get3A_26 : vector<1x128xf32> to vector<1024x128xf32>
      %add3A_28 = arith.addf %dot_general3A_23, %add3A_27 : vector<1024x128xf32>
      %iota3A = tpu.iota {dimensions = array<i32: 0>} : vector<1024x128xi32>
      %mul3A = arith.constant 1024 : i32
      %mul3A_29 = arith.muli %arg1, %mul3A : i32
      %add3A_30 = vector.broadcast %mul3A_29 : i32 to vector<1024x128xi32>
      %add3A_31 = arith.addi %iota3A, %add3A_30 : vector<1024x128xi32>
      %lt3A = arith.constant 10000 : i32
      %lt3A_32 = vector.broadcast %lt3A : i32 to vector<1024x128xi32>
      %lt3A_33 = arith.cmpi slt, %add3A_31, %lt3A_32 : vector<1024x128xi32>
      %jit3A = arith.constant 0.000000e+00 : f32
      %broadcast_in_dim3A = vector.broadcast %jit3A : f32 to vector<1024x128xf32>
      %select_n3A = arith.select %lt3A_33, %add3A_28, %broadcast_in_dim3A : vector<1024x128xi1>, vector<1024x128xf32>
      %mul3A_34 = arith.constant 1024 : i32
      %mul3A_35 = arith.muli %arg1, %mul3A_34 : i32
      %swap3A = arith.index_cast %mul3A_35 : i32 to index
      %swap3A_36 = arith.constant 0 : index
      %swap3A_37 = vector.load %arg13[%swap3A, %swap3A_36] : memref<10240x128xf32, #tpu.memory_space<vmem>>, vector<1024x128xf32>
      tpu.vector_store %arg13[%swap3A, %swap3A_36], %select_n3A {strides = array<i32>} : memref<10240x128xf32, #tpu.memory_space<vmem>>, vector<1024x128xf32>,
      %eq3A_38 = arith.constant 0 : i32
      %eq3A_39 = arith.cmpi eq, %arg1, %eq3A_38 : i32
      %convert_element_type3A_40 = arith.extui %eq3A_39 : i1 to i32
      %cond3A_41 = arith.constant 0 : i32
      %cond3A_42 = arith.cmpi ne, %convert_element_type3A_40, %cond3A_41 : i32
      scf.if %cond3A_42 {
        %broadcast_in_dim3A_58 = arith.constant 0.000000e+00 : f32
        %broadcast_in_dim3A_59 = vector.broadcast %broadcast_in_dim3A_58 : f32 to vector<8x128xf32>
        %swap3A_60 = arith.constant 0 : index
        %swap3A_61 = arith.constant 0 : index
        %swap3A_62 = vector.load %arg14[%swap3A_60, %swap3A_61] : memref<8x128xf32, #tpu.memory_space<vmem>>, vector<8x128xf32>
        tpu.vector_store %arg14[%swap3A_60, %swap3A_61], %broadcast_in_dim3A_59 {strides = array<i32>} : memref<8x128xf32, #tpu.memory_space<vmem>>, vector<8x128xf32>,
      } else {
      }
      %reduce_sum3A = arith.constant dense<0.000000e+00> : vector<128xf32>
      %reduce_sum3A_43 = vector.multi_reduction <add>, %select_n3A, %reduce_sum3A [0] : vector<1024x128xf32> to vector<128xf32>
      %broadcast_in_dim3A_44 = vector.shape_cast %reduce_sum3A_43 : vector<128xf32> to vector<1x128xf32>
      %mul3A_45 = arith.mulf %select_n3A, %select_n3A : vector<1024x128xf32>
      %reduce_sum3A_46 = arith.constant dense<0.000000e+00> : vector<128xf32>
      %reduce_sum3A_47 = vector.multi_reduction <add>, %mul3A_45, %reduce_sum3A_46 [0] : vector<1024x128xf32> to vector<128xf32>
      %broadcast_in_dim3A_48 = vector.shape_cast %reduce_sum3A_47 : vector<128xf32> to vector<1x128xf32>
      %get3A_49 = arith.constant 0 : index
      %get3A_50 = arith.constant 0 : index
      %get3A_51 = vector.load %arg14[%get3A_49, %get3A_50] : memref<8x128xf32, #tpu.memory_space<vmem>>, vector<8x128xf32>
      %broadcast_in_dim3A_52 = arith.constant 0.000000e+00 : f32
      %broadcast_in_dim3A_53 = vector.broadcast %broadcast_in_dim3A_52 : f32 to vector<6x128xf32>
      %concatenate3A = tpu.concatenate %broadcast_in_dim3A_44, %broadcast_in_dim3A_48, %broadcast_in_dim3A_53 in 0 : vector<1x128xf32>, vector<1x128xf32>, vector<6x128xf32> -> vector<8x128xf32>
      %add3A_54 = arith.addf %get3A_51, %concatenate3A : vector<8x128xf32>
      %swap3A_55 = arith.constant 0 : index
      %swap3A_56 = arith.constant 0 : index
      %swap3A_57 = vector.load %arg14[%swap3A_55, %swap3A_56] : memref<8x128xf32, #tpu.memory_space<vmem>>, vector<8x128xf32>
      tpu.vector_store %arg14[%swap3A_55, %swap3A_56], %add3A_54 {strides = array<i32>} : memref<8x128xf32, #tpu.memory_space<vmem>>, vector<8x128xf32>,
    } else {
    }
    %eq3A_2 = arith.constant 1 : i32
    %eq3A_3 = arith.cmpi eq, %arg0, %eq3A_2 : i32
    %convert_element_type3A_4 = arith.extui %eq3A_3 : i1 to i32
    %cond3A_5 = arith.constant 0 : i32
    %cond3A_6 = arith.cmpi ne, %convert_element_type3A_4, %cond3A_5 : i32
    scf.if %cond3A_6 {
      %mul3A = arith.constant 1024 : i32
      %mul3A_7 = arith.muli %arg1, %mul3A : i32
      %get3A = arith.index_cast %mul3A_7 : i32 to index
      %get3A_8 = arith.constant 0 : index
      %get3A_9 = vector.load %arg13[%get3A, %get3A_8] : memref<10240x128xf32, #tpu.memory_space<vmem>>, vector<1024x128xf32>
      %get3A_10 = arith.constant 0 : index
      %get3A_11 = arith.constant 0 : index
      %get3A_12 = vector.load %arg14[%get3A_10, %get3A_11] : memref<8x128xf32, #tpu.memory_space<vmem>>, vector<1x128xf32>
      %mul3A_13 = arith.constant 9.99999974E-5 : f32
      %mul3A_14 = vector.broadcast %mul3A_13 : f32 to vector<1x128xf32>
      %mul3A_15 = arith.mulf %get3A_12, %mul3A_14 : vector<1x128xf32>
      %get3A_16 = arith.constant 1 : index
      %get3A_17 = arith.constant 0 : index
      %get3A_18 = vector.load %arg14[%get3A_16, %get3A_17] : memref<8x128xf32, #tpu.memory_space<vmem>>, vector<1x128xf32>
      %mul3A_19 = arith.constant 9.99999974E-5 : f32
      %mul3A_20 = vector.broadcast %mul3A_19 : f32 to vector<1x128xf32>
      %mul3A_21 = arith.mulf %get3A_18, %mul3A_20 : vector<1x128xf32>
      %mul3A_22 = arith.mulf %mul3A_15, %mul3A_15 : vector<1x128xf32>
      %sub3A = arith.subf %mul3A_21, %mul3A_22 : vector<1x128xf32>
      %add3A = arith.constant 9.99999974E-6 : f32
      %add3A_23 = vector.broadcast %add3A : f32 to vector<1x128xf32>
      %add3A_24 = arith.addf %sub3A, %add3A_23 : vector<1x128xf32>
      %rsqrt3A = math.rsqrt %add3A_24 : vector<1x128xf32>
      %sub3A_25 = vector.broadcast %mul3A_15 : vector<1x128xf32> to vector<1024x128xf32>
      %sub3A_26 = arith.subf %get3A_9, %sub3A_25 : vector<1024x128xf32>
      %mul3A_27 = vector.broadcast %rsqrt3A : vector<1x128xf32> to vector<1024x128xf32>
      %mul3A_28 = arith.mulf %sub3A_26, %mul3A_27 : vector<1024x128xf32>
      %get3A_29 = arith.constant 0 : index
      %get3A_30 = arith.constant 0 : index
      %get3A_31 = vector.load %arg7[%get3A_29, %get3A_30] : memref<1x128xf32, #tpu.memory_space<vmem>>, vector<1x128xf32>
      %mul3A_32 = vector.broadcast %get3A_31 : vector<1x128xf32> to vector<1024x128xf32>
      %mul3A_33 = arith.mulf %mul3A_28, %mul3A_32 : vector<1024x128xf32>
      %get3A_34 = arith.constant 0 : index
      %get3A_35 = arith.constant 0 : index
      %get3A_36 = vector.load %arg8[%get3A_34, %get3A_35] : memref<1x128xf32, #tpu.memory_space<vmem>>, vector<1x128xf32>
      %add3A_37 = vector.broadcast %get3A_36 : vector<1x128xf32> to vector<1024x128xf32>
      %add3A_38 = arith.addf %mul3A_33, %add3A_37 : vector<1024x128xf32>
      %max3A = arith.constant 0.000000e+00 : f32
      %max3A_39 = vector.broadcast %max3A : f32 to vector<1024x128xf32>
      %max3A_40 = arith.maximumf %add3A_38, %max3A_39 : vector<1024x128xf32>
      %get3A_41 = arith.constant 0 : index
      %get3A_42 = arith.constant 0 : index
      %get3A_43 = vector.load %arg9[%get3A_41, %get3A_42] : memref<128x128xf32, #tpu.memory_space<vmem>>, vector<128x128xf32>
      %dot_general3A = arith.constant dense<0.000000e+00> : vector<1024x128xf32>
      %dot_general3A_44 = tpu.matmul %max3A_40, %get3A_43, %dot_general3A {dimension_numbers = #tpu.dot_dimension_numbers<[1], [0], [0], [1], [0, 0, 1, 1], [], []>, transpose_lhs_hint = false} : vector<1024x128xf32>, vector<128x128xf32>, vector<1024x128xf32> -> vector<1024x128xf32>
      %get3A_45 = arith.constant 0 : index
      %get3A_46 = arith.constant 0 : index
      %get3A_47 = vector.load %arg10[%get3A_45, %get3A_46] : memref<1x128xf32, #tpu.memory_space<vmem>>, vector<1x128xf32>
      %add3A_48 = vector.broadcast %get3A_47 : vector<1x128xf32> to vector<1024x128xf32>
      %add3A_49 = arith.addf %dot_general3A_44, %add3A_48 : vector<1024x128xf32>
      %get3A_50 = arith.constant 0 : index
      %get3A_51 = arith.constant 0 : index
      %get3A_52 = vector.load %arg11[%get3A_50, %get3A_51] : memref<1024x128xf32, #tpu.memory_space<vmem>>, vector<1024x128xf32>
      %add3A_53 = arith.addf %add3A_49, %get3A_52 : vector<1024x128xf32>
      %iota3A = tpu.iota {dimensions = array<i32: 0>} : vector<1024x128xi32>
      %mul3A_54 = arith.constant 1024 : i32
      %mul3A_55 = arith.muli %arg1, %mul3A_54 : i32
      %add3A_56 = vector.broadcast %mul3A_55 : i32 to vector<1024x128xi32>
      %add3A_57 = arith.addi %iota3A, %add3A_56 : vector<1024x128xi32>
      %lt3A = arith.constant 10000 : i32
      %lt3A_58 = vector.broadcast %lt3A : i32 to vector<1024x128xi32>
      %lt3A_59 = arith.cmpi slt, %add3A_57, %lt3A_58 : vector<1024x128xi32>
      %jit3A = arith.constant 0.000000e+00 : f32
      %broadcast_in_dim3A = vector.broadcast %jit3A : f32 to vector<1024x128xf32>
      %select_n3A = arith.select %lt3A_59, %add3A_53, %broadcast_in_dim3A : vector<1024x128xi1>, vector<1024x128xf32>
      %swap3A = arith.constant 0 : index
      %swap3A_60 = arith.constant 0 : index
      %swap3A_61 = vector.load %arg12[%swap3A, %swap3A_60] : memref<1024x128xf32, #tpu.memory_space<vmem>>, vector<1024x128xf32>
      tpu.vector_store %arg12[%swap3A, %swap3A_60], %select_n3A {strides = array<i32>} : memref<1024x128xf32, #tpu.memory_space<vmem>>, vector<1024x128xf32>,
    } else {
    }
    return
  }
  func.func @transform_0(%arg0: i32, %arg1: i32) -> (i32, i32) {
    %sub3A = arith.constant 1 : i32
    %sub3A_0 = arith.subi %sub3A, %arg0 : i32
    %mul3A = arith.muli %arg1, %sub3A_0 : i32
    %c0_i32 = arith.constant 0 : i32
    %c0_i32_1 = arith.constant 0 : i32
    return %mul3A, %c0_i32 : i32, i32
  }
  func.func @transform_1(%arg0: i32, %arg1: i32) -> (i32, i32, i32) {
    %sub3A = arith.constant 1 : i32
    %sub3A_0 = arith.subi %sub3A, %arg0 : i32
    %mul3A = arith.muli %arg1, %sub3A_0 : i32
    %c0_i32 = arith.constant 0 : i32
    %c0_i32_1 = arith.constant 0 : i32
    %c0_i32_2 = arith.constant 0 : i32
    return %c0_i32, %mul3A, %c0_i32_1 : i32, i32, i32
  }
  func.func @transform_2(%arg0: i32, %arg1: i32) -> (i32, i32, i32) {
    %sub3A = arith.constant 1 : i32
    %sub3A_0 = arith.subi %sub3A, %arg0 : i32
    %mul3A = arith.muli %arg1, %sub3A_0 : i32
    %c1_i32 = arith.constant 1 : i32
    %c0_i32 = arith.constant 0 : i32
    %c0_i32_1 = arith.constant 0 : i32
    return %c1_i32, %mul3A, %c0_i32 : i32, i32, i32
  }
  func.func @transform_3(%arg0: i32, %arg1: i32) -> (i32, i32) {
    %c0_i32 = arith.constant 0 : i32
    %c0_i32_0 = arith.constant 0 : i32
    %c0_i32_1 = arith.constant 0 : i32
    return %c0_i32, %c0_i32_0 : i32, i32
  }
  func.func @transform_4(%arg0: i32, %arg1: i32) -> (i32, i32) {
    %c0_i32 = arith.constant 0 : i32
    %c0_i32_0 = arith.constant 0 : i32
    %c0_i32_1 = arith.constant 0 : i32
    return %c0_i32, %c0_i32_0 : i32, i32
  }
  func.func @transform_5(%arg0: i32, %arg1: i32) -> (i32, i32) {
    %c0_i32 = arith.constant 0 : i32
    %c0_i32_0 = arith.constant 0 : i32
    %c0_i32_1 = arith.constant 0 : i32
    return %c0_i32, %c0_i32_0 : i32, i32
  }
  func.func @transform_6(%arg0: i32, %arg1: i32) -> (i32, i32) {
    %c0_i32 = arith.constant 0 : i32
    %c0_i32_0 = arith.constant 0 : i32
    %c0_i32_1 = arith.constant 0 : i32
    return %c0_i32, %c0_i32_0 : i32, i32
  }
  func.func @transform_7(%arg0: i32, %arg1: i32) -> (i32, i32) {
    %c0_i32 = arith.constant 0 : i32
    %c0_i32_0 = arith.constant 0 : i32
    %c0_i32_1 = arith.constant 0 : i32
    return %c0_i32, %c0_i32_0 : i32, i32
  }
  func.func @transform_8(%arg0: i32, %arg1: i32) -> (i32, i32) {
    %c0_i32 = arith.constant 0 : i32
    %c0_i32_0 = arith.constant 0 : i32
    %c0_i32_1 = arith.constant 0 : i32
    return %c0_i32, %c0_i32_0 : i32, i32
  }
  func.func @transform_9(%arg0: i32, %arg1: i32) -> (i32, i32) {
    %mul3A = arith.muli %arg1, %arg0 : i32
    %c0_i32 = arith.constant 0 : i32
    %c0_i32_0 = arith.constant 0 : i32
    return %mul3A, %c0_i32 : i32, i32
  }
  func.func @transform_10(%arg0: i32, %arg1: i32) -> (i32, i32) {
    %mul3A = arith.muli %arg1, %arg0 : i32
    %c0_i32 = arith.constant 0 : i32
    %c0_i32_0 = arith.constant 0 : i32
    return %mul3A, %c0_i32 : i32, i32
  }
}

module attributes {stable_mosaic.version = 14 : i64} {
  func.func @_final_fused_body(%arg0: i32, %arg1: i32, %arg2: memref<1024x128xf32, #tpu.memory_space<vmem>>, %arg3: memref<1x1024x128xf32, #tpu.memory_space<vmem>>, %arg4: memref<1x1024x128xf32, #tpu.memory_space<vmem>>, %arg5: memref<128x128xf32, #tpu.memory_space<vmem>>, %arg6: memref<1x128xf32, #tpu.memory_space<vmem>>, %arg7: memref<1x128xf32, #tpu.memory_space<vmem>>, %arg8: memref<1x128xf32, #tpu.memory_space<vmem>>, %arg9: memref<128x128xf32, #tpu.memory_space<vmem>>, %arg10: memref<1x128xf32, #tpu.memory_space<vmem>>, %arg11: memref<1024x128xf32, #tpu.memory_space<vmem>>, %arg12: memref<1024x128xf32, #tpu.memory_space<vmem>>, %arg13: memref<128x32xf32, #tpu.memory_space<vmem>>, %arg14: memref<1x32xf32, #tpu.memory_space<vmem>>, %arg15: memref<32x128xf32, #tpu.memory_space<vmem>>, %arg16: memref<1x128xf32, #tpu.memory_space<vmem>>, %arg17: memref<1024x7xf32, #tpu.memory_space<vmem>>, %arg18: memref<10240x128xf32, #tpu.memory_space<vmem>>, %arg19: memref<8x128xf32, #tpu.memory_space<vmem>>) attributes {dimension_semantics = [#tpu.dimension_semantics<arbitrary>, #tpu.dimension_semantics<arbitrary>], iteration_bounds = array<i64: 2, 10>, scalar_prefetch = 0 : i64, scratch_operands = 2 : i64, tpu.core_type = #tpu.core_type<tc>, window_params = [{transform_indices = @transform_0, window_bounds = array<i64: 1024, 128>}, {transform_indices = @transform_1, window_bounds = array<i64: 1, 1024, 128>}, {transform_indices = @transform_2, window_bounds = array<i64: 1, 1024, 128>}, {pipeline_mode = #tpu.pipeline_mode<synchronous>, transform_indices = @transform_3, window_bounds = array<i64: 128, 128>}, {pipeline_mode = #tpu.pipeline_mode<synchronous>, transform_indices = @transform_4, window_bounds = array<i64: 1, 128>}, {pipeline_mode = #tpu.pipeline_mode<synchronous>, transform_indices = @transform_5, window_bounds = array<i64: 1, 128>}, {pipeline_mode = #tpu.pipeline_mode<synchronous>, transform_indices = @transform_6, window_bounds = array<i64: 1, 128>}, {pipeline_mode = #tpu.pipeline_mode<synchronous>, transform_indices = @transform_7, window_bounds = array<i64: 128, 128>}, {pipeline_mode = #tpu.pipeline_mode<synchronous>, transform_indices = @transform_8, window_bounds = array<i64: 1, 128>}, {transform_indices = @transform_9, window_bounds = array<i64: 1024, 128>}, {transform_indices = @transform_10, window_bounds = array<i64: 1024, 128>}, {pipeline_mode = #tpu.pipeline_mode<synchronous>, transform_indices = @transform_11, window_bounds = array<i64: 128, 32>}, {pipeline_mode = #tpu.pipeline_mode<synchronous>, transform_indices = @transform_12, window_bounds = array<i64: 1, 32>}, {pipeline_mode = #tpu.pipeline_mode<synchronous>, transform_indices = @transform_13, window_bounds = array<i64: 32, 128>}, {pipeline_mode = #tpu.pipeline_mode<synchronous>, transform_indices = @transform_14, window_bounds = array<i64: 1, 128>}, {transform_indices = @transform_15, window_bounds = array<i64: 1024, 7>}]} {
    %eq3A = arith.constant 0 : i32
    %eq3A_0 = arith.cmpi eq, %arg0, %eq3A : i32
    %convert_element_type3A = arith.extui %eq3A_0 : i1 to i32
    %cond3A = arith.constant 0 : i32
    %cond3A_1 = arith.cmpi ne, %convert_element_type3A, %cond3A : i32
    scf.if %cond3A_1 {
      %get3A = arith.constant 0 : index
      %get3A_7 = arith.constant 0 : index
      %get3A_8 = vector.load %arg2[%get3A, %get3A_7] : memref<1024x128xf32, #tpu.memory_space<vmem>>, vector<1024x128xf32>
      %get3A_9 = arith.constant 0 : index
      %get3A_10 = arith.constant 0 : index
      %get3A_11 = arith.constant 0 : index
      %get3A_12 = vector.load %arg3[%get3A_9, %get3A_10, %get3A_11] : memref<1x1024x128xf32, #tpu.memory_space<vmem>>, vector<1x1024x128xf32>
      %get3A_13 = vector.shape_cast %get3A_12 : vector<1x1024x128xf32> to vector<1024x128xf32>
      %add3A = arith.addf %get3A_8, %get3A_13 : vector<1024x128xf32>
      %get3A_14 = arith.constant 0 : index
      %get3A_15 = arith.constant 0 : index
      %get3A_16 = arith.constant 0 : index
      %get3A_17 = vector.load %arg4[%get3A_14, %get3A_15, %get3A_16] : memref<1x1024x128xf32, #tpu.memory_space<vmem>>, vector<1x1024x128xf32>
      %get3A_18 = vector.shape_cast %get3A_17 : vector<1x1024x128xf32> to vector<1024x128xf32>
      %add3A_19 = arith.addf %add3A, %get3A_18 : vector<1024x128xf32>
      %get3A_20 = arith.constant 0 : index
      %get3A_21 = arith.constant 0 : index
      %get3A_22 = vector.load %arg5[%get3A_20, %get3A_21] : memref<128x128xf32, #tpu.memory_space<vmem>>, vector<128x128xf32>
      %dot_general3A = arith.constant dense<0.000000e+00> : vector<1024x128xf32>
      %dot_general3A_23 = tpu.matmul %add3A_19, %get3A_22, %dot_general3A {dimension_numbers = #tpu.dot_dimension_numbers<[1], [0], [0], [1], [0, 0, 1, 1], [], []>, transpose_lhs_hint = false} : vector<1024x128xf32>, vector<128x128xf32>, vector<1024x128xf32> -> vector<1024x128xf32>
      %get3A_24 = arith.constant 0 : index
      %get3A_25 = arith.constant 0 : index
      %get3A_26 = vector.load %arg6[%get3A_24, %get3A_25] : memref<1x128xf32, #tpu.memory_space<vmem>>, vector<1x128xf32>
      %add3A_27 = vector.broadcast %get3A_26 : vector<1x128xf32> to vector<1024x128xf32>
      %add3A_28 = arith.addf %dot_general3A_23, %add3A_27 : vector<1024x128xf32>
      %iota3A = tpu.iota {dimensions = array<i32: 0>} : vector<1024x128xi32>
      %mul3A = arith.constant 1024 : i32
      %mul3A_29 = arith.muli %arg1, %mul3A : i32
      %add3A_30 = vector.broadcast %mul3A_29 : i32 to vector<1024x128xi32>
      %add3A_31 = arith.addi %iota3A, %add3A_30 : vector<1024x128xi32>
      %lt3A = arith.constant 10000 : i32
      %lt3A_32 = vector.broadcast %lt3A : i32 to vector<1024x128xi32>
      %lt3A_33 = arith.cmpi slt, %add3A_31, %lt3A_32 : vector<1024x128xi32>
      %jit3A = arith.constant 0.000000e+00 : f32
      %broadcast_in_dim3A = vector.broadcast %jit3A : f32 to vector<1024x128xf32>
      %select_n3A = arith.select %lt3A_33, %add3A_28, %broadcast_in_dim3A : vector<1024x128xi1>, vector<1024x128xf32>
      %mul3A_34 = arith.constant 1024 : i32
      %mul3A_35 = arith.muli %arg1, %mul3A_34 : i32
      %swap3A = arith.index_cast %mul3A_35 : i32 to index
      %swap3A_36 = arith.constant 0 : index
      %swap3A_37 = vector.load %arg18[%swap3A, %swap3A_36] : memref<10240x128xf32, #tpu.memory_space<vmem>>, vector<1024x128xf32>
      tpu.vector_store %arg18[%swap3A, %swap3A_36], %select_n3A {strides = array<i32>} : memref<10240x128xf32, #tpu.memory_space<vmem>>, vector<1024x128xf32>,
      %eq3A_38 = arith.constant 0 : i32
      %eq3A_39 = arith.cmpi eq, %arg1, %eq3A_38 : i32
      %convert_element_type3A_40 = arith.extui %eq3A_39 : i1 to i32
      %cond3A_41 = arith.constant 0 : i32
      %cond3A_42 = arith.cmpi ne, %convert_element_type3A_40, %cond3A_41 : i32
      scf.if %cond3A_42 {
        %broadcast_in_dim3A_58 = arith.constant 0.000000e+00 : f32
        %broadcast_in_dim3A_59 = vector.broadcast %broadcast_in_dim3A_58 : f32 to vector<8x128xf32>
        %swap3A_60 = arith.constant 0 : index
        %swap3A_61 = arith.constant 0 : index
        %swap3A_62 = vector.load %arg19[%swap3A_60, %swap3A_61] : memref<8x128xf32, #tpu.memory_space<vmem>>, vector<8x128xf32>
        tpu.vector_store %arg19[%swap3A_60, %swap3A_61], %broadcast_in_dim3A_59 {strides = array<i32>} : memref<8x128xf32, #tpu.memory_space<vmem>>, vector<8x128xf32>,
      } else {
      }
      %reduce_sum3A = arith.constant dense<0.000000e+00> : vector<128xf32>
      %reduce_sum3A_43 = vector.multi_reduction <add>, %select_n3A, %reduce_sum3A [0] : vector<1024x128xf32> to vector<128xf32>
      %broadcast_in_dim3A_44 = vector.shape_cast %reduce_sum3A_43 : vector<128xf32> to vector<1x128xf32>
      %mul3A_45 = arith.mulf %select_n3A, %select_n3A : vector<1024x128xf32>
      %reduce_sum3A_46 = arith.constant dense<0.000000e+00> : vector<128xf32>
      %reduce_sum3A_47 = vector.multi_reduction <add>, %mul3A_45, %reduce_sum3A_46 [0] : vector<1024x128xf32> to vector<128xf32>
      %broadcast_in_dim3A_48 = vector.shape_cast %reduce_sum3A_47 : vector<128xf32> to vector<1x128xf32>
      %get3A_49 = arith.constant 0 : index
      %get3A_50 = arith.constant 0 : index
      %get3A_51 = vector.load %arg19[%get3A_49, %get3A_50] : memref<8x128xf32, #tpu.memory_space<vmem>>, vector<8x128xf32>
      %broadcast_in_dim3A_52 = arith.constant 0.000000e+00 : f32
      %broadcast_in_dim3A_53 = vector.broadcast %broadcast_in_dim3A_52 : f32 to vector<6x128xf32>
      %concatenate3A = tpu.concatenate %broadcast_in_dim3A_44, %broadcast_in_dim3A_48, %broadcast_in_dim3A_53 in 0 : vector<1x128xf32>, vector<1x128xf32>, vector<6x128xf32> -> vector<8x128xf32>
      %add3A_54 = arith.addf %get3A_51, %concatenate3A : vector<8x128xf32>
      %swap3A_55 = arith.constant 0 : index
      %swap3A_56 = arith.constant 0 : index
      %swap3A_57 = vector.load %arg19[%swap3A_55, %swap3A_56] : memref<8x128xf32, #tpu.memory_space<vmem>>, vector<8x128xf32>
      tpu.vector_store %arg19[%swap3A_55, %swap3A_56], %add3A_54 {strides = array<i32>} : memref<8x128xf32, #tpu.memory_space<vmem>>, vector<8x128xf32>,
    } else {
    }
    %eq3A_2 = arith.constant 1 : i32
    %eq3A_3 = arith.cmpi eq, %arg0, %eq3A_2 : i32
    %convert_element_type3A_4 = arith.extui %eq3A_3 : i1 to i32
    %cond3A_5 = arith.constant 0 : i32
    %cond3A_6 = arith.cmpi ne, %convert_element_type3A_4, %cond3A_5 : i32
    scf.if %cond3A_6 {
      %mul3A = arith.constant 1024 : i32
      %mul3A_7 = arith.muli %arg1, %mul3A : i32
      %get3A = arith.index_cast %mul3A_7 : i32 to index
      %get3A_8 = arith.constant 0 : index
      %get3A_9 = vector.load %arg18[%get3A, %get3A_8] : memref<10240x128xf32, #tpu.memory_space<vmem>>, vector<1024x128xf32>
      %get3A_10 = arith.constant 0 : index
      %get3A_11 = arith.constant 0 : index
      %get3A_12 = vector.load %arg19[%get3A_10, %get3A_11] : memref<8x128xf32, #tpu.memory_space<vmem>>, vector<1x128xf32>
      %mul3A_13 = arith.constant 9.99999974E-5 : f32
      %mul3A_14 = vector.broadcast %mul3A_13 : f32 to vector<1x128xf32>
      %mul3A_15 = arith.mulf %get3A_12, %mul3A_14 : vector<1x128xf32>
      %get3A_16 = arith.constant 1 : index
      %get3A_17 = arith.constant 0 : index
      %get3A_18 = vector.load %arg19[%get3A_16, %get3A_17] : memref<8x128xf32, #tpu.memory_space<vmem>>, vector<1x128xf32>
      %mul3A_19 = arith.constant 9.99999974E-5 : f32
      %mul3A_20 = vector.broadcast %mul3A_19 : f32 to vector<1x128xf32>
      %mul3A_21 = arith.mulf %get3A_18, %mul3A_20 : vector<1x128xf32>
      %mul3A_22 = arith.mulf %mul3A_15, %mul3A_15 : vector<1x128xf32>
      %sub3A = arith.subf %mul3A_21, %mul3A_22 : vector<1x128xf32>
      %add3A = arith.constant 9.99999974E-6 : f32
      %add3A_23 = vector.broadcast %add3A : f32 to vector<1x128xf32>
      %add3A_24 = arith.addf %sub3A, %add3A_23 : vector<1x128xf32>
      %rsqrt3A = math.rsqrt %add3A_24 : vector<1x128xf32>
      %sub3A_25 = vector.broadcast %mul3A_15 : vector<1x128xf32> to vector<1024x128xf32>
      %sub3A_26 = arith.subf %get3A_9, %sub3A_25 : vector<1024x128xf32>
      %mul3A_27 = vector.broadcast %rsqrt3A : vector<1x128xf32> to vector<1024x128xf32>
      %mul3A_28 = arith.mulf %sub3A_26, %mul3A_27 : vector<1024x128xf32>
      %get3A_29 = arith.constant 0 : index
      %get3A_30 = arith.constant 0 : index
      %get3A_31 = vector.load %arg7[%get3A_29, %get3A_30] : memref<1x128xf32, #tpu.memory_space<vmem>>, vector<1x128xf32>
      %mul3A_32 = vector.broadcast %get3A_31 : vector<1x128xf32> to vector<1024x128xf32>
      %mul3A_33 = arith.mulf %mul3A_28, %mul3A_32 : vector<1024x128xf32>
      %get3A_34 = arith.constant 0 : index
      %get3A_35 = arith.constant 0 : index
      %get3A_36 = vector.load %arg8[%get3A_34, %get3A_35] : memref<1x128xf32, #tpu.memory_space<vmem>>, vector<1x128xf32>
      %add3A_37 = vector.broadcast %get3A_36 : vector<1x128xf32> to vector<1024x128xf32>
      %add3A_38 = arith.addf %mul3A_33, %add3A_37 : vector<1024x128xf32>
      %max3A = arith.constant 0.000000e+00 : f32
      %max3A_39 = vector.broadcast %max3A : f32 to vector<1024x128xf32>
      %max3A_40 = arith.maximumf %add3A_38, %max3A_39 : vector<1024x128xf32>
      %get3A_41 = arith.constant 0 : index
      %get3A_42 = arith.constant 0 : index
      %get3A_43 = vector.load %arg9[%get3A_41, %get3A_42] : memref<128x128xf32, #tpu.memory_space<vmem>>, vector<128x128xf32>
      %dot_general3A = arith.constant dense<0.000000e+00> : vector<1024x128xf32>
      %dot_general3A_44 = tpu.matmul %max3A_40, %get3A_43, %dot_general3A {dimension_numbers = #tpu.dot_dimension_numbers<[1], [0], [0], [1], [0, 0, 1, 1], [], []>, transpose_lhs_hint = false} : vector<1024x128xf32>, vector<128x128xf32>, vector<1024x128xf32> -> vector<1024x128xf32>
      %get3A_45 = arith.constant 0 : index
      %get3A_46 = arith.constant 0 : index
      %get3A_47 = vector.load %arg10[%get3A_45, %get3A_46] : memref<1x128xf32, #tpu.memory_space<vmem>>, vector<1x128xf32>
      %add3A_48 = vector.broadcast %get3A_47 : vector<1x128xf32> to vector<1024x128xf32>
      %add3A_49 = arith.addf %dot_general3A_44, %add3A_48 : vector<1024x128xf32>
      %get3A_50 = arith.constant 0 : index
      %get3A_51 = arith.constant 0 : index
      %get3A_52 = vector.load %arg11[%get3A_50, %get3A_51] : memref<1024x128xf32, #tpu.memory_space<vmem>>, vector<1024x128xf32>
      %add3A_53 = arith.addf %add3A_49, %get3A_52 : vector<1024x128xf32>
      %get3A_54 = arith.constant 0 : index
      %get3A_55 = arith.constant 0 : index
      %get3A_56 = vector.load %arg12[%get3A_54, %get3A_55] : memref<1024x128xf32, #tpu.memory_space<vmem>>, vector<1024x128xf32>
      %add3A_57 = arith.addf %add3A_53, %get3A_56 : vector<1024x128xf32>
      %get3A_58 = arith.constant 0 : index
      %get3A_59 = arith.constant 0 : index
      %get3A_60 = vector.load %arg13[%get3A_58, %get3A_59] : memref<128x32xf32, #tpu.memory_space<vmem>>, vector<128x32xf32>
      %dot_general3A_61 = arith.constant dense<0.000000e+00> : vector<1024x32xf32>
      %dot_general3A_62 = tpu.matmul %add3A_57, %get3A_60, %dot_general3A_61 {dimension_numbers = #tpu.dot_dimension_numbers<[1], [0], [0], [1], [0, 0, 1, 1], [], []>, transpose_lhs_hint = false} : vector<1024x128xf32>, vector<128x32xf32>, vector<1024x32xf32> -> vector<1024x32xf32>
      %get3A_63 = arith.constant 0 : index
      %get3A_64 = arith.constant 0 : index
      %get3A_65 = vector.load %arg14[%get3A_63, %get3A_64] : memref<1x32xf32, #tpu.memory_space<vmem>>, vector<1x32xf32>
      %add3A_66 = vector.broadcast %get3A_65 : vector<1x32xf32> to vector<1024x32xf32>
      %add3A_67 = arith.addf %dot_general3A_62, %add3A_66 : vector<1024x32xf32>
      %max3A_68 = arith.constant 0.000000e+00 : f32
      %max3A_69 = vector.broadcast %max3A_68 : f32 to vector<1024x32xf32>
      %max3A_70 = arith.maximumf %add3A_67, %max3A_69 : vector<1024x32xf32>
      %get3A_71 = arith.constant 0 : index
      %get3A_72 = arith.constant 0 : index
      %get3A_73 = vector.load %arg15[%get3A_71, %get3A_72] : memref<32x128xf32, #tpu.memory_space<vmem>>, vector<32x128xf32>
      %dot_general3A_74 = arith.constant dense<0.000000e+00> : vector<1024x128xf32>
      %dot_general3A_75 = tpu.matmul %max3A_70, %get3A_73, %dot_general3A_74 {dimension_numbers = #tpu.dot_dimension_numbers<[1], [0], [0], [1], [0, 0, 1, 1], [], []>, transpose_lhs_hint = false} : vector<1024x32xf32>, vector<32x128xf32>, vector<1024x128xf32> -> vector<1024x128xf32>
      %get3A_76 = arith.constant 0 : index
      %get3A_77 = arith.constant 0 : index
      %get3A_78 = vector.load %arg16[%get3A_76, %get3A_77] : memref<1x128xf32, #tpu.memory_space<vmem>>, vector<1x128xf32>
      %add3A_79 = vector.broadcast %get3A_78 : vector<1x128xf32> to vector<1024x128xf32>
      %add3A_80 = arith.addf %dot_general3A_75, %add3A_79 : vector<1024x128xf32>
      %reduce_max3A = arith.constant dense<0xFF800000> : vector<1024xf32>
      %reduce_max3A_81 = vector.multi_reduction <maximumf>, %add3A_80, %reduce_max3A [1] : vector<1024x128xf32> to vector<1024xf32>
      %broadcast_in_dim3A = vector.shape_cast %reduce_max3A_81 : vector<1024xf32> to vector<1024x1xf32>
      %sub3A_82 = vector.broadcast %broadcast_in_dim3A : vector<1024x1xf32> to vector<1024x128xf32>
      %sub3A_83 = arith.subf %add3A_80, %sub3A_82 : vector<1024x128xf32>
      %exp3A = math.exp %sub3A_83 : vector<1024x128xf32>
      %reduce_sum3A = arith.constant dense<0.000000e+00> : vector<1024xf32>
      %reduce_sum3A_84 = vector.multi_reduction <add>, %exp3A, %reduce_sum3A [1] : vector<1024x128xf32> to vector<1024xf32>
      %broadcast_in_dim3A_85 = vector.shape_cast %reduce_sum3A_84 : vector<1024xf32> to vector<1024x1xf32>
      %log3A = math.log %broadcast_in_dim3A_85 : vector<1024x1xf32>
      %sub3A_86 = vector.broadcast %log3A : vector<1024x1xf32> to vector<1024x128xf32>
      %sub3A_87 = arith.subf %sub3A_83, %sub3A_86 : vector<1024x128xf32>
      %slice3A = vector.extract_strided_slice %sub3A_87 {offsets = [0, 0], sizes = [1024, 7], strides = [1, 1]} : vector<1024x128xf32> to vector<1024x7xf32>
      %swap3A = arith.constant 0 : index
      %swap3A_88 = arith.constant 0 : index
      %swap3A_89 = vector.load %arg17[%swap3A, %swap3A_88] : memref<1024x7xf32, #tpu.memory_space<vmem>>, vector<1024x7xf32>
      tpu.vector_store %arg17[%swap3A, %swap3A_88], %slice3A {strides = array<i32>} : memref<1024x7xf32, #tpu.memory_space<vmem>>, vector<1024x7xf32>,
    } else {
    }
    return
  }
  func.func @transform_0(%arg0: i32, %arg1: i32) -> (i32, i32) {
    %sub3A = arith.constant 1 : i32
    %sub3A_0 = arith.subi %sub3A, %arg0 : i32
    %mul3A = arith.muli %arg1, %sub3A_0 : i32
    %c0_i32 = arith.constant 0 : i32
    %c0_i32_1 = arith.constant 0 : i32
    return %mul3A, %c0_i32 : i32, i32
  }
  func.func @transform_1(%arg0: i32, %arg1: i32) -> (i32, i32, i32) {
    %sub3A = arith.constant 1 : i32
    %sub3A_0 = arith.subi %sub3A, %arg0 : i32
    %mul3A = arith.muli %arg1, %sub3A_0 : i32
    %c0_i32 = arith.constant 0 : i32
    %c0_i32_1 = arith.constant 0 : i32
    %c0_i32_2 = arith.constant 0 : i32
    return %c0_i32, %mul3A, %c0_i32_1 : i32, i32, i32
  }
  func.func @transform_2(%arg0: i32, %arg1: i32) -> (i32, i32, i32) {
    %sub3A = arith.constant 1 : i32
    %sub3A_0 = arith.subi %sub3A, %arg0 : i32
    %mul3A = arith.muli %arg1, %sub3A_0 : i32
    %c1_i32 = arith.constant 1 : i32
    %c0_i32 = arith.constant 0 : i32
    %c0_i32_1 = arith.constant 0 : i32
    return %c1_i32, %mul3A, %c0_i32 : i32, i32, i32
  }
  func.func @transform_3(%arg0: i32, %arg1: i32) -> (i32, i32) {
    %c0_i32 = arith.constant 0 : i32
    %c0_i32_0 = arith.constant 0 : i32
    %c0_i32_1 = arith.constant 0 : i32
    return %c0_i32, %c0_i32_0 : i32, i32
  }
  func.func @transform_4(%arg0: i32, %arg1: i32) -> (i32, i32) {
    %c0_i32 = arith.constant 0 : i32
    %c0_i32_0 = arith.constant 0 : i32
    %c0_i32_1 = arith.constant 0 : i32
    return %c0_i32, %c0_i32_0 : i32, i32
  }
  func.func @transform_5(%arg0: i32, %arg1: i32) -> (i32, i32) {
    %c0_i32 = arith.constant 0 : i32
    %c0_i32_0 = arith.constant 0 : i32
    %c0_i32_1 = arith.constant 0 : i32
    return %c0_i32, %c0_i32_0 : i32, i32
  }
  func.func @transform_6(%arg0: i32, %arg1: i32) -> (i32, i32) {
    %c0_i32 = arith.constant 0 : i32
    %c0_i32_0 = arith.constant 0 : i32
    %c0_i32_1 = arith.constant 0 : i32
    return %c0_i32, %c0_i32_0 : i32, i32
  }
  func.func @transform_7(%arg0: i32, %arg1: i32) -> (i32, i32) {
    %c0_i32 = arith.constant 0 : i32
    %c0_i32_0 = arith.constant 0 : i32
    %c0_i32_1 = arith.constant 0 : i32
    return %c0_i32, %c0_i32_0 : i32, i32
  }
  func.func @transform_8(%arg0: i32, %arg1: i32) -> (i32, i32) {
    %c0_i32 = arith.constant 0 : i32
    %c0_i32_0 = arith.constant 0 : i32
    %c0_i32_1 = arith.constant 0 : i32
    return %c0_i32, %c0_i32_0 : i32, i32
  }
  func.func @transform_9(%arg0: i32, %arg1: i32) -> (i32, i32) {
    %mul3A = arith.muli %arg1, %arg0 : i32
    %c0_i32 = arith.constant 0 : i32
    %c0_i32_0 = arith.constant 0 : i32
    return %mul3A, %c0_i32 : i32, i32
  }
  func.func @transform_10(%arg0: i32, %arg1: i32) -> (i32, i32) {
    %mul3A = arith.muli %arg1, %arg0 : i32
    %c0_i32 = arith.constant 0 : i32
    %c0_i32_0 = arith.constant 0 : i32
    return %mul3A, %c0_i32 : i32, i32
  }
  func.func @transform_11(%arg0: i32, %arg1: i32) -> (i32, i32) {
    %c0_i32 = arith.constant 0 : i32
    %c0_i32_0 = arith.constant 0 : i32
    %c0_i32_1 = arith.constant 0 : i32
    return %c0_i32, %c0_i32_0 : i32, i32
  }
  func.func @transform_12(%arg0: i32, %arg1: i32) -> (i32, i32) {
    %c0_i32 = arith.constant 0 : i32
    %c0_i32_0 = arith.constant 0 : i32
    %c0_i32_1 = arith.constant 0 : i32
    return %c0_i32, %c0_i32_0 : i32, i32
  }
  func.func @transform_13(%arg0: i32, %arg1: i32) -> (i32, i32) {
    %c0_i32 = arith.constant 0 : i32
    %c0_i32_0 = arith.constant 0 : i32
    %c0_i32_1 = arith.constant 0 : i32
    return %c0_i32, %c0_i32_0 : i32, i32
  }
  func.func @transform_14(%arg0: i32, %arg1: i32) -> (i32, i32) {
    %c0_i32 = arith.constant 0 : i32
    %c0_i32_0 = arith.constant 0 : i32
    %c0_i32_1 = arith.constant 0 : i32
    return %c0_i32, %c0_i32_0 : i32, i32
  }
  func.func @transform_15(%arg0: i32, %arg1: i32) -> (i32, i32) {
    %mul3A = arith.muli %arg1, %arg0 : i32
    %c0_i32 = arith.constant 0 : i32
    %c0_i32_0 = arith.constant 0 : i32
    return %mul3A, %c0_i32 : i32, i32
  }
}

</mosaic_0001>

<sc_bundles>
// kernel: kernel.11.cloned.1.call-start
scs
__scs_entry_jumppad:
0x0: {  	(pc) =	sbr.rel $0x88, $3  }
0x1: {  	(tag) =	ssettag $0x0;
	lr =	simm.s32 $0x1  }
0x2: {  	[smem:$0x3F87] =	sst lr;
	_ =	strace $0xD0000000  }
0x3: {  	_ = 	snop  }
0x4: {  	_ = 	snop  }
0x5: {  	_ = 	snop  }
0x6: {  	_ = 	snop  }
0x7: {  	_ = 	snop  }
__scs_overlays_trampoline_lowered:
0x8: {  	[smem:$0x3F96] =	sst s0  }
0x9: {  	[smem:$0x3F97] =	sst s1  }
0xa: {  	[smem:$0x3F98] =	sst s2  }
0xb: {  	[smem:$0x3F99] =	sst s3  }
0xc: {  	[smem:$0x3F9A] =	sst s4  }
0xd: {  	[smem:$0x3F9B] =	sst s5  }
0xe: {  	[smem:$0x3F9C] =	sst s6  }
0xf: {  	[smem:$0x3F9D] =	sst s7  }
0x10: {  	[smem:$0x3F9E] =	sst s8  }
0x11: {  	[smem:$0x3F9F] =	sst s9;
	s0 =	simm.s32 @!p0 $0x0  }
0x12: {  	s1 =	sld [smem:$0x3F85];
	s0 =	simm.s32 @p0 $0x1  }
0x13: {  	[smem:$0x3FA0] =	sst s0;
	s0 =	simm.s32 @!p1 $0x0  }
0x14: {  	s2 =	sld [smem:$0x3F84];
	s0 =	simm.s32 @p1 $0x1  }
0x15: {  	[smem:$0x3FA1] =	sst s0;
	s0 =	simm.s32 @!p2 $0x0  }
0x16: {  	s3 =	sld [smem:$0x3FDB];
	s0 =	simm.s32 @p2 $0x1  }
0x17: {  	s4 =	simm.s32 $0x1BF5;
	[smem:$0x3FA3] =	sst s0  }
0x18: {  	s0 =	sld [smem:$0x3F86];
	_ =	swait.ge [sflag:s4], $0x0  }
0x19: {  	s7 =	sld [smem:$0x3F87]  }
0x1a: {  	s8 =	sadd.s32 $0xFFFFE003, lr  }
0x1b: {  	s9 =	sadd.s32 $0xFFFFFEF7, lr;
	s5 =	simm.s32 $0xFFFFFFFF;
	p2 =	slt.u32 s8, $0xFFFFF086  }
0x1c: {  	p1 =	slt.u32 s9, $0xF7A;
	s5 =	simm.s32 @!p2 $0x0  }
0x1d: {  	s5 =	simm.s32 @p1 $0x1;
	p0 =	seq.s32 s7, s2  }
0x1e: {  	s7 =	smul.u32 @!p0 $0xF7A, s2;
	p2 =	seq.s32 @!p0 s5, $0x0  }
0x1f: {  	s9 =	smul.u32 $0xF7A, s1;
	s8 =	simm.s32 @!p0 $0x1BF5;
	p2 =	por !p2, p0  }
0x20: {  	[sflag:s8] =	ssyncset.s32 @!p0 $0xFFFFF086;
	s6 =	sadd.s32 @!p0 s3, s7;
	s7 =	simm.s32 @!p0 $0x108  }
0x21: {  	s3 =	sadd.s32 s3, s9;
	s6 =	sadd.s32 @!p0 $0x88, s6;
	s7 =	simm.s32 @p2 $0x1082  }
0x22: {  	[simem:s7], [sflag:s8] =	dma.local @!p0 [hbm:s6], $0xF7A  }
0x23: {  	s9 =	sor.u32 $0xD0000000, s2;
	s6 =	simm.s32 $0x108;
	_ =	swait.ge @!p0 [sflag:s8], $0x0  }
0x24: {  	s3 =	sadd.s32 $0x88, s3;
	s6 =	simm.s32 @!p1 $0x1082;
	[sflag:s4] =	ssyncset.s32 $0xFFFFF086  }
0x25: {  	[simem:s6], [sflag:s4] =	dma.local [hbm:s3], $0xF7A  }
0x26: {  	[smem:$0x3F87] =	sst s1;
	(tag) =	ssettag s2;
	_ =	strace s9  }
0x27: {  	s1 =	sld [smem:$0x3F97]  }
0x28: {  	s2 =	sld [smem:$0x3F98]  }
0x29: {  	s4 =	sld [smem:$0x3F9A]  }
0x2a: {  	p0 =	seq.s32 s5, $0x0;
	s5 =	sld [smem:$0x3F9B]  }
0x2b: {  	s6 =	sld [smem:$0x3F9C]  }
0x2c: {  	s7 =	sld [smem:$0x3F9D]  }
0x2d: {  	s3 =	simm.s32 $0x108;
	s8 =	sld [smem:$0x3F9E]  }
0x2e: {  	s3 =	simm.s32 @!p0 $0x1082;
	s9 =	sld [smem:$0x3F9F]  }
0x2f: {  	lr =	sadd.s32 s0, s3;
	s0 =	sld [smem:$0x3F96]  }
0x30: {  	s3 =	sld [smem:$0x3F99]  }
0x31: {  	[smem:$0x3FA2] =	sst s10  }
0x32: {  	s10 =	sld [smem:$0x3FA0];
	_ =	sdelay $0x3  }
0x33: {  	p0 =	seq.s32 s10, $0x1;
	s10 =	sld [smem:$0x3FA2];
	_ =	sdelay $0x3  }
0x34: {  	[smem:$0x3FA2] =	sst s10  }
0x35: {  	s10 =	sld [smem:$0x3FA1];
	_ =	sdelay $0x3  }
0x36: {  	p1 =	seq.s32 s10, $0x1;
	s10 =	sld [smem:$0x3FA2];
	_ =	sdelay $0x3  }
0x37: {  	[smem:$0x3FA2] =	sst s10  }
0x38: {  	s10 =	sld [smem:$0x3FA3]  }
0x39: {  	_ = 	snop;
	(pc) =	sbr.ind lr, $3  }
0x3a: {  	_ = 	snop  }
0x3b: {  	_ = 	snop  }
0x3c: {  	p2 =	seq.s32 s10, $0x1;
	s10 =	sld [smem:$0x3FA2]  }
0x3d: {  	_ =	shalt  }
0x3e: {  	_ =	shalt  }
0x3f: {  	_ =	shalt  }
0x40: {  	_ =	shalt  }
0x41: {  	_ =	shalt  }
0x42: {  	_ =	shalt  }
0x43: {  	_ =	shalt  }
0x44: {  	_ =	shalt  }
0x45: {  	_ =	shalt  }
0x46: {  	_ =	shalt  }
0x47: {  	_ =	shalt  }
0x48: {  	_ =	shalt  }
0x49: {  	_ =	shalt  }
0x4a: {  	_ =	shalt  }
0x4b: {  	_ =	shalt  }
0x4c: {  	_ =	shalt  }
0x4d: {  	_ =	shalt  }
0x4e: {  	_ =	shalt  }
0x4f: {  	_ =	shalt  }
0x50: {  	_ =	shalt  }
0x51: {  	_ =	shalt  }
0x52: {  	_ =	shalt  }
0x53: {  	_ =	shalt  }
0x54: {  	_ =	shalt  }
0x55: {  	_ =	shalt  }
0x56: {  	_ =	shalt  }
0x57: {  	_ =	shalt  }
0x58: {  	_ =	shalt  }
0x59: {  	_ =	shalt  }
0x5a: {  	_ =	shalt  }
0x5b: {  	_ =	shalt  }
0x5c: {  	_ =	shalt  }
0x5d: {  	_ =	shalt  }
0x5e: {  	_ =	shalt  }
0x5f: {  	_ =	shalt  }
0x60: {  	_ =	shalt  }
0x61: {  	_ =	shalt  }
0x62: {  	_ =	shalt  }
0x63: {  	_ =	shalt  }
0x64: {  	_ =	shalt  }
0x65: {  	_ =	shalt  }
0x66: {  	_ =	shalt  }
0x67: {  	_ =	shalt  }
0x68: {  	_ =	shalt  }
0x69: {  	_ =	shalt  }
0x6a: {  	_ =	shalt  }
0x6b: {  	_ =	shalt  }
0x6c: {  	_ =	shalt  }
0x6d: {  	_ =	shalt  }
0x6e: {  	_ =	shalt  }
0x6f: {  	_ =	shalt  }
0x70: {  	_ =	shalt  }
0x71: {  	_ =	shalt  }
0x72: {  	_ =	shalt  }
0x73: {  	_ =	shalt  }
0x74: {  	_ =	shalt  }
0x75: {  	_ =	shalt  }
0x76: {  	_ =	shalt  }
0x77: {  	_ =	shalt  }
0x78: {  	_ =	shalt  }
0x79: {  	_ =	shalt  }
0x7a: {  	_ =	shalt  }
0x7b: {  	_ =	shalt  }
0x7c: {  	_ =	shalt  }
0x7d: {  	_ =	shalt  }
0x7e: {  	_ =	shalt  }
0x7f: {  	_ =	shalt  }
0x80: {  	_ =	shalt  }
0x81: {  	_ =	shalt  }
0x82: {  	_ =	shalt  }
0x83: {  	_ =	shalt  }
0x84: {  	_ =	shalt  }
0x85: {  	_ =	shalt  }
0x86: {  	_ =	shalt  }
0x87: {  	_ =	shalt  }
.Lfunc_end0:
.L_simem_size_0:
called_computation.1_lowered:
.L_overlay_start_0:
0x88: {  	s2 =	sld [smem:$0x3FD9]  }
0x89: {  	s3 =	sld [smem:$0x3FFE];
	_ =	sdelay $0x1  }
0x8a: {  	s1 =	srdreg.scid  }
0x8b: {  	s0 =	sand.u32 $0x1, s1  }
0x8c: {  	s16 =	sshll.u32 s0, $0xA;
	s2 =	sadd.s32 s3, s2  }
0x8d: {  	s2 =	sadd.s32 s2, s16  }
0x8e: {  	[smem:$0x3FAE] =	sst s2  }
0x8f: {  	_ = 	snop  }
0x90: {  	(tm) =	ssettm $0x1  }
0x91: {  	s17 =	sld [smem:$0x3FFB];
	_ =	sdelay $0x3  }
0x92: {  	_ =	strace s17  }
0x93: {  	s2 =	sld [smem:$0x3FFC];
	_ =	sdelay $0x3  }
0x94: {  	_ =	strace s2  }
0x95: {  	s2 =	sld [smem:$0x3FFD];
	_ =	sdelay $0x3  }
0x96: {  	_ =	strace s2  }
0x97: {  	_ =	strace $0x8FFFFFFF  }
0x98: {  	s18 =	sld [smem:$0x3FDB];
	_ =	sdelay $0x1  }
0x99: {  	s19 =	simm.s32 $_scs_section_size  }
0x9a: {  	s4 =	simm.s32 $_size__tile_overlayer_lowered;
	s5 =	simm.s32 $_tile_overlayer_lowered  }
0x9b: {  	s22 =	simm.s32 $0x1BFF;
	s21 =	sshll.u32 s5, $0x1;
	s2 =	sadd.s32 s19, s18  }
0x9c: {  	s6 =	simm.s32 $0x0;
	s20 =	sshll.u32 s4, $0x1;
	s4 =	sadd.s32 s21, s2  }
0x9d: {  	[timem:s6], [sflag:s22] =	dma.local [hbm:s4], s20  }
0x9e: {  	_ =	swait.ge [sflag:s22], s20  }
0x9f: {  	s3 =	ssub.s32 $0x0, s20;
	[sflag:s22] =	ssyncset.done $0x0  }
0xa0: {  	[sflag:s22] =	ssyncadd.s32 s3;
	_ =	sdelay $0x1  }
0xa1: {  	s23 =	simm.s32 $0x1B8B  }
0xa2: {  	_ =	swait.ge [sflag:s23], $0x1  }
0xa3: {  	[sflag:s23] =	ssyncset.done $0x0  }
0xa4: {  	s25 =	simm.s32 $0x1B8E;
	s24 =	sld [smem:$0x3FFE];
	[sflag:s23] =	ssyncadd.s32 $0xFFFFFFFF  }
0xa5: {  	s26 =	simm.s32 $execute0_lowered;
	[smem:$0x3FD2] =	sst s25  }
0xa6: {  	s4 =	sshll.u32 s26, $0x1;
	_ =	strace $0x80000049;
	[dreg:$0x1] =	wrdreg $0xFFFFFFFF  }
0xa7: {  	s28 =	simm.s32 $_size_execute0_lowered;
	s2 =	sadd.s32 s2, s4;
	[dreg:$0x0] =	wrdreg $0x0  }
0xa8: {  	s4 =	sshll.u32 s28, $0x1;
	[dreg:$0x2] =	wrdreg s2  }
0xa9: {  	[dreg:$0x3] =	wrdreg s4  }
0xaa: {  	[dreg:$0x4] =	wrdreg $0xC0  }
0xab: {  	_ =	task [dreg:s6], $0x5FFFF  }
0xac: {  	[dreg:$0x1] =	wrdreg $0xFFFFFFFF  }
0xad: {  	[dreg:$0x0] =	wrdreg $0x60  }
0xae: {  	[dreg:$0x2] =	wrdreg s24  }
0xaf: {  	[dreg:$0x3] =	wrdreg $0xAA000  }
0xb0: {  	[dreg:$0x4] =	wrdreg $0x9  }
0xb1: {  	_ =	task.clear_ibuf [dreg:s6], $0x5FFFF;
	_ =	strace $0x90000049  }
0xb2: {  	s29 =	simm.s32 $0x9;
	_ =	strace $0x8000004B  }
0xb3: {  	_ =	swait.ge [sflag:s29], $0x1  }
0xb4: {  	[sflag:s29] =	ssyncadd.s32 $0xFFFFFFFF  }
0xb5: {  	_ =	strace $0x9000004B  }
0xb6: {  	_ =	sfence  }
0xb7: {  	s30 =	sld [smem:$0x0];
	_ =	sdelay $0x2  }
0xb8: {  	s31 =	sshll.u32 s1, $0xD;
	s1 =	sshrl.u32 s1, $0x2  }
0xb9: {  	s3 =	sand.u32 $0x4000, s31;
	s1 =	sadd.s32 s1, s30  }
0xba: {  	s0 =	sor.u32 s3, s0;
	s1 =	sshll.u32 s1, $0x11  }
0xbb: {  	s0 =	sor.u32 s1, s0  }
0xbc: {  	s0 =	sadd.s32 $0x8F2B, s0  }
0xbd: {  	[sflag:s0] =	ssyncadd.remote.s32 $0x1  }
0xbe: {  	_ =	sfence.sel $0xFFFF  }
0xbf: {  	[dreg:$0x0] =	wrdreg $0xFFFFFFFF;
	(pc) =	sbr.abs _section_cstart, $3  }
0xc0: {  	[dreg:$0x1] =	wrdreg $0xFFFFFFFF  }
0xc1: {  	_ =	task.clear_ibuf [dreg:s6], $0x2FFFF;
	_ =	strace $0x9FFFFFFF  }
0xc2: {  	(tm) =	ssettm $0x7FFFFFFF  }
0xc3: {  	_ =	shalt  }
tec
execute0_lowered:
.L_overlay_start_1:
0x0: {  	(tag) =	ssettag $0x1  }
0x1: {  	s1 =	srdreg.scid;
	s5 =	rddreg [dreg:$0x0]  }
0x2: {  	s0 =	stileid.u32;
	s2 =	rddreg [dreg:$0x1];
	s3 =	simm.s32 $0x0  }
0x3: {  	s13 =	simm.s32 $0x2800;
	s14 =	simm.s32 $0x2A00;
	s15 =	simm.s32 $0x2880  }
0x4: {  	s16 =	simm.s32 $0x6A00;
	s17 =	simm.s32 $0x1;
	s18 =	simm.s32 $0x2900  }
0x5: {  	s19 =	simm.s32 $0x2;
	s20 =	simm.s32 $0x2980;
	s21 =	simm.s32 $0x3  }
0x6: {  	s22 =	simm.s32 $0x4;
	s23 =	simm.s32 $0x0;
	s6 =	sand.u32 $0x1, s1  }
0x7: {  	s28 =	sshll.u32 s0, $0x1;
	s1 =	rddreg [dreg:$0x2];
	s8 =	smul.u32 $0x13C00, s0  }
0x8: {  	[smem:$0x7FF] =	sst s3;
	s29 =	smul.u32 $0x4F000, s0;
	s31 =	sshll.u32 s0, $0x6  }
0x9: {  	s4 =	sor.u32 s6, s28;
	_ =	strace $0x8000004A;
	s9 =	smul.u32 $0x13C000, s6  }
0xa: {  	s6 =	ssub.s32 $0x2, s6;
	s7 =	smul.u32 $0x500, s4;
	s4 =	sadd.s32 $0xE000, s5  }
0xb: {  	s10 =	sshrl.u32 s8, $0x3;
	s11 =	sshrl.u32 s6, $0x1;
	s30 =	sshrl.u32 s29, $0x2  }
0xc: {  	s8 =	sadd.s32 s8, s9;
	s10 =	sadd.s32 s10, s5;
	s11 =	ssub.s32 s6, s11  }
0xd: {  	s12 =	sadd.s32 s30, s2;
	s6 =	sor.u32 $0x1C05, s31;
	s7 =	sadd.s32 s7, s5  }
0xe: {  	s8 =	sshrl.u32 s8, $0x3;
	s9 =	smax.u32 s11, $0x1;
	s11 =	simm.s32 $0x5  }
0xf: {  	s8 =	sadd.s32 s8, s5;
	s5 =	sadd.s32 $0x36000, s10;
	s7 =	sadd.s32 $0x4000, s7  }
0x10: {  	s10 =	sshrl.u32 s12, $0x3;
	s12 =	simm.s32 $0x80;
	s8 =	sadd.s32 $0x5D800, s8  }
.LBB2_1:
0x11: {  	[spmem:s10], [sflag:s6] =	dma.local [hbm:s5], $0x2780  }
0x12: {  	_ =	swait.ge [sflag:s11], $0x2780  }
0x13: {  	[sflag:s11] =	ssyncset.done $0x0  }
0x14: {  	[sflag:s11] =	ssyncadd.s32 $0xFFFFD880  }
0x15: {  	[tilespmem:s3], [sflag:$0x5] =	stream.linear.gather [hbm4b:s7+s3], $0x2800, $0x38;
	[tilespmem:$0x1E600] =	vst v63  }
0x16: {  	_ =	swait.ge [sflag:s11], $0x2800  }
0x17: {  	[sflag:s11] =	ssyncset.done $0x0  }
0x18: {  	[sflag:s11] =	ssyncadd.s32 $0xFFFFD800  }
0x19: {  	[bflag:$0x0] =	sbarrier.arrive $0xFFFF  }
0x1a: {  	v0 =	vld [tilespmem:$0x0];
	_ =	sdelay $0x1  }
0x1b: {  	v1 =	vld [tilespmem:$0x10];
	_ =	sdelay $0x1  }
0x1c: {  	v2 =	vld [tilespmem:$0x20]  }
0x1d: {  	v3 =	vand.u32 $0xFFFF, v0  }
0x1e: {  	v0 =	vshrl.u32 v0, $0x10;
	[tilespmem:$0x2800] =	vst v3;
	v3 =	vld [tilespmem:$0x30]  }
0x1f: {  	[tilespmem:$0x2900] =	vst v0;
	v0 =	vand.u32 $0xFFFF, v1  }
0x20: {  	[tilespmem:$0x2810] =	vst v0;
	v0 =	vshrl.u32 v1, $0x10;
	v1 =	vld [tilespmem:$0x40]  }
0x21: {  	[tilespmem:$0x2910] =	vst v0;
	v0 =	vand.u32 $0xFFFF, v2  }
0x22: {  	[tilespmem:$0x2820] =	vst v0;
	v0 =	vshrl.u32 v2, $0x10;
	v2 =	vld [tilespmem:$0x50]  }
0x23: {  	[tilespmem:$0x2920] =	vst v0;
	v0 =	vand.u32 $0xFFFF, v3  }
0x24: {  	[tilespmem:$0x2830] =	vst v0;
	v0 =	vshrl.u32 v3, $0x10;
	v3 =	vld [tilespmem:$0x60]  }
0x25: {  	[tilespmem:$0x2930] =	vst v0;
	v0 =	vand.u32 $0xFFFF, v1  }
0x26: {  	[tilespmem:$0x2840] =	vst v0;
	v0 =	vshrl.u32 v1, $0x10;
	v1 =	vld [tilespmem:$0x70]  }
0x27: {  	[tilespmem:$0x2940] =	vst v0;
	v0 =	vand.u32 $0xFFFF, v2  }
0x28: {  	[tilespmem:$0x2850] =	vst v0;
	v0 =	vshrl.u32 v2, $0x10  }
0x29: {  	[tilespmem:$0x2950] =	vst v0;
	v0 =	vand.u32 $0xFFFF, v3  }
0x2a: {  	[tilespmem:$0x2860] =	vst v0;
	v0 =	vshrl.u32 v3, $0x10  }
0x2b: {  	[tilespmem:$0x2960] =	vst v0;
	v0 =	vand.u32 $0xFFFF, v1  }
0x2c: {  	[tilespmem:$0x2870] =	vst v0;
	v0 =	vshrl.u32 v1, $0x10  }
0x2d: {  	[tilespmem:$0x2970] =	vst v0  }
0x2e: {  	[tilespmem:s14], [sflag:$0x1] =	stream.indirect.gather [hbm4b:s4+s12], $0x80, s13, s12, $0xb8;
	[tilespmem:$0x1E600] =	vst v63  }
0x2f: {  	v0 =	vld [tilespmem:$0x80];
	_ =	sdelay $0x1  }
0x30: {  	v1 =	vld [tilespmem:$0x90];
	_ =	sdelay $0x1  }
0x31: {  	v2 =	vld [tilespmem:$0xA0]  }
0x32: {  	v3 =	vand.u32 $0xFFFF, v0  }
0x33: {  	v0 =	vshrl.u32 v0, $0x10;
	[tilespmem:$0x2880] =	vst v3;
	v3 =	vld [tilespmem:$0xB0]  }
0x34: {  	[tilespmem:$0x2980] =	vst v0;
	v0 =	vand.u32 $0xFFFF, v1  }
0x35: {  	[tilespmem:$0x2890] =	vst v0;
	v0 =	vshrl.u32 v1, $0x10;
	v1 =	vld [tilespmem:$0xC0]  }
0x36: {  	[tilespmem:$0x2990] =	vst v0;
	v0 =	vand.u32 $0xFFFF, v2  }
0x37: {  	[tilespmem:$0x28A0] =	vst v0;
	v0 =	vshrl.u32 v2, $0x10;
	v2 =	vld [tilespmem:$0xD0]  }
0x38: {  	[tilespmem:$0x29A0] =	vst v0;
	v0 =	vand.u32 $0xFFFF, v3  }
0x39: {  	[tilespmem:$0x28B0] =	vst v0;
	v0 =	vshrl.u32 v3, $0x10;
	v3 =	vld [tilespmem:$0xE0]  }
0x3a: {  	[tilespmem:$0x29B0] =	vst v0;
	v0 =	vand.u32 $0xFFFF, v1  }
0x3b: {  	[tilespmem:$0x28C0] =	vst v0;
	v0 =	vshrl.u32 v1, $0x10;
	v1 =	vld [tilespmem:$0xF0]  }
0x3c: {  	[tilespmem:$0x29C0] =	vst v0;
	v0 =	vand.u32 $0xFFFF, v2  }
0x3d: {  	[tilespmem:$0x28D0] =	vst v0;
	v0 =	vshrl.u32 v2, $0x10  }
0x3e: {  	[tilespmem:$0x29D0] =	vst v0;
	v0 =	vand.u32 $0xFFFF, v3  }
0x3f: {  	[tilespmem:$0x28E0] =	vst v0;
	v0 =	vshrl.u32 v3, $0x10  }
0x40: {  	[tilespmem:$0x29E0] =	vst v0;
	v0 =	vand.u32 $0xFFFF, v1  }
0x41: {  	[tilespmem:$0x28F0] =	vst v0;
	v0 =	vshrl.u32 v1, $0x10  }
0x42: {  	[tilespmem:$0x29F0] =	vst v0  }
0x43: {  	[tilespmem:s16], [sflag:$0x2] =	stream.indirect.gather [hbm4b:s4+s12], $0x80, s15, s12, $0xb8;
	[tilespmem:$0x1E600] =	vst v63  }
0x44: {  	_ =	swait.ge [sflag:s17], $0x4000  }
0x45: {  	[sflag:s17] =	ssyncset.done $0x0  }
0x46: {  	[sflag:s17] =	ssyncadd.s32 $0xFFFFC000  }
0x47: {  	[spmem:s2] =	stream.indirect.scatter.add.f32 [tilespmem:s14], [sflag:$0x3], $0x80, s18, s12, $0xb8;
	[tilespmem:$0x1E600] =	vst v63  }
0x48: {  	_ =	swait.ge [sflag:s19], $0x4000  }
0x49: {  	[sflag:s19] =	ssyncset.done $0x0  }
0x4a: {  	[sflag:s19] =	ssyncadd.s32 $0xFFFFC000  }
0x4b: {  	[spmem:s2] =	stream.indirect.scatter.add.f32 [tilespmem:s16], [sflag:$0x4], $0x80, s20, s12, $0xb8;
	[tilespmem:$0x1E600] =	vst v63  }
0x4c: {  	_ =	swait.ge [sflag:s21], $0x4000  }
0x4d: {  	[sflag:s21] =	ssyncset.done $0x0  }
0x4e: {  	s25 =	simm.s32 $0x1F0;
	[sflag:s21] =	ssyncadd.s32 $0xFFFFC000  }
0x4f: {  	v0 =	vld [tilespmem:s25+$0xFFFFFF10];
	_ =	sdelay $0x4  }
0x50: {  	v1 =	vand.u32 $0xFFFF, v0  }
0x51: {  	v0 =	vshrl.u32 v0, $0x10;
	[tilespmem:$0x2800] =	vst v1  }
0x52: {  	[tilespmem:$0x2900] =	vst v0  }
0x53: {  	v0 =	vld [tilespmem:s25+$0xFFFFFF20];
	_ =	sdelay $0x4  }
0x54: {  	v1 =	vand.u32 $0xFFFF, v0  }
0x55: {  	v0 =	vshrl.u32 v0, $0x10;
	[tilespmem:$0x2810] =	vst v1  }
0x56: {  	[tilespmem:$0x2910] =	vst v0  }
0x57: {  	v0 =	vld [tilespmem:s25+$0xFFFFFF30];
	_ =	sdelay $0x4  }
0x58: {  	v1 =	vand.u32 $0xFFFF, v0  }
0x59: {  	v0 =	vshrl.u32 v0, $0x10;
	[tilespmem:$0x2820] =	vst v1  }
0x5a: {  	[tilespmem:$0x2920] =	vst v0  }
0x5b: {  	v0 =	vld [tilespmem:s25+$0xFFFFFF40];
	_ =	sdelay $0x4  }
0x5c: {  	v1 =	vand.u32 $0xFFFF, v0  }
0x5d: {  	v0 =	vshrl.u32 v0, $0x10;
	[tilespmem:$0x2830] =	vst v1  }
0x5e: {  	[tilespmem:$0x2930] =	vst v0  }
0x5f: {  	v0 =	vld [tilespmem:s25+$0xFFFFFF50];
	_ =	sdelay $0x4  }
0x60: {  	v1 =	vand.u32 $0xFFFF, v0  }
0x61: {  	v0 =	vshrl.u32 v0, $0x10;
	[tilespmem:$0x2840] =	vst v1  }
0x62: {  	[tilespmem:$0x2940] =	vst v0  }
0x63: {  	v0 =	vld [tilespmem:s25+$0xFFFFFF60];
	_ =	sdelay $0x4  }
0x64: {  	v1 =	vand.u32 $0xFFFF, v0  }
0x65: {  	v0 =	vshrl.u32 v0, $0x10;
	[tilespmem:$0x2850] =	vst v1  }
0x66: {  	[tilespmem:$0x2950] =	vst v0  }
0x67: {  	v0 =	vld [tilespmem:s25+$0xFFFFFF70];
	_ =	sdelay $0x4  }
0x68: {  	v1 =	vand.u32 $0xFFFF, v0  }
0x69: {  	v0 =	vshrl.u32 v0, $0x10;
	[tilespmem:$0x2860] =	vst v1  }
0x6a: {  	[tilespmem:$0x2960] =	vst v0  }
0x6b: {  	v0 =	vld [tilespmem:s25+$0xFFFFFF80];
	_ =	sdelay $0x4  }
0x6c: {  	v1 =	vand.u32 $0xFFFF, v0  }
0x6d: {  	v0 =	vshrl.u32 v0, $0x10;
	[tilespmem:$0x2870] =	vst v1  }
0x6e: {  	[tilespmem:$0x2970] =	vst v0  }
0x6f: {  	[tilespmem:s14], [sflag:$0x1] =	stream.indirect.gather [hbm4b:s4+s12], $0x80, s13, s12, $0xb8;
	[tilespmem:$0x1E600] =	vst v63  }
0x70: {  	_ =	swait.ge [sflag:s22], $0x4000  }
0x71: {  	[sflag:s22] =	ssyncset.done $0x0  }
0x72: {  	[sflag:s22] =	ssyncadd.s32 $0xFFFFC000  }
0x73: {  	v0 =	vld [tilespmem:s25+$0xFFFFFF90];
	_ =	sdelay $0x4  }
0x74: {  	v1 =	vand.u32 $0xFFFF, v0  }
0x75: {  	v0 =	vshrl.u32 v0, $0x10;
	[tilespmem:$0x2880] =	vst v1  }
0x76: {  	[tilespmem:$0x2980] =	vst v0  }
0x77: {  	v0 =	vld [tilespmem:s25+$0xFFFFFFA0];
	_ =	sdelay $0x4  }
0x78: {  	v1 =	vand.u32 $0xFFFF, v0  }
0x79: {  	v0 =	vshrl.u32 v0, $0x10;
	[tilespmem:$0x2890] =	vst v1  }
0x7a: {  	[tilespmem:$0x2990] =	vst v0  }
0x7b: {  	v0 =	vld [tilespmem:s25+$0xFFFFFFB0];
	_ =	sdelay $0x4  }
0x7c: {  	v1 =	vand.u32 $0xFFFF, v0  }
0x7d: {  	v0 =	vshrl.u32 v0, $0x10;
	[tilespmem:$0x28A0] =	vst v1  }
0x7e: {  	[tilespmem:$0x29A0] =	vst v0  }
0x7f: {  	v0 =	vld [tilespmem:s25+$0xFFFFFFC0];
	_ =	sdelay $0x4  }
0x80: {  	v1 =	vand.u32 $0xFFFF, v0  }
0x81: {  	v0 =	vshrl.u32 v0, $0x10;
	[tilespmem:$0x28B0] =	vst v1  }
0x82: {  	[tilespmem:$0x29B0] =	vst v0  }
0x83: {  	v0 =	vld [tilespmem:s25+$0xFFFFFFD0];
	_ =	sdelay $0x4  }
0x84: {  	v1 =	vand.u32 $0xFFFF, v0  }
0x85: {  	v0 =	vshrl.u32 v0, $0x10;
	[tilespmem:$0x28C0] =	vst v1  }
0x86: {  	[tilespmem:$0x29C0] =	vst v0  }
0x87: {  	v0 =	vld [tilespmem:s25+$0xFFFFFFE0];
	_ =	sdelay $0x4  }
0x88: {  	v1 =	vand.u32 $0xFFFF, v0  }
0x89: {  	v0 =	vshrl.u32 v0, $0x10;
	[tilespmem:$0x28D0] =	vst v1  }
0x8a: {  	[tilespmem:$0x29D0] =	vst v0  }
0x8b: {  	v0 =	vld [tilespmem:s25+$0xFFFFFFF0];
	_ =	sdelay $0x4  }
0x8c: {  	v1 =	vand.u32 $0xFFFF, v0  }
0x8d: {  	v0 =	vshrl.u32 v0, $0x10;
	[tilespmem:$0x28E0] =	vst v1  }
0x8e: {  	[tilespmem:$0x29E0] =	vst v0  }
0x8f: {  	s24 =	simm.s32 $0xBC0;
	v0 =	vld [tilespmem:s25+$0x0]  }
.LBB2_2:
0x90: {  	_ =	sdelay $0x1  }
0x91: {  	p0 =	sne.s32 s24, $0x9FC0;
	s25 =	smov.u32 s24;
	s24 =	sadd.s32 $0x400, s24  }
0x92: {  	_ = 	snop  }
0x93: {  	v1 =	vand.u32 $0xFFFF, v0;
	v0 =	vshrl.u32 v0, $0x10  }
0x94: {  	[tilespmem:$0x28F0] =	vst v1  }
0x95: {  	[tilespmem:$0x29F0] =	vst v0  }
0x96: {  	[tilespmem:s16], [sflag:$0x2] =	stream.indirect.gather [hbm4b:s4+s12], $0x80, s15, s12, $0xb8;
	[tilespmem:$0x1E600] =	vst v63  }
0x97: {  	_ =	swait.ge [sflag:s17], $0x4000  }
0x98: {  	[sflag:s17] =	ssyncset.done $0x0  }
0x99: {  	[sflag:s17] =	ssyncadd.s32 $0xFFFFC000  }
0x9a: {  	[spmem:s2] =	stream.indirect.scatter.add.f32 [tilespmem:s14], [sflag:$0x3], $0x80, s18, s12, $0xb8;
	[tilespmem:$0x1E600] =	vst v63  }
0x9b: {  	_ =	swait.ge [sflag:s19], $0x4000  }
0x9c: {  	[sflag:s19] =	ssyncset.done $0x0  }
0x9d: {  	[sflag:s19] =	ssyncadd.s32 $0xFFFFC000  }
0x9e: {  	[spmem:s2] =	stream.indirect.scatter.add.f32 [tilespmem:s16], [sflag:$0x4], $0x80, s20, s12, $0xb8;
	[tilespmem:$0x1E600] =	vst v63  }
0x9f: {  	_ =	swait.ge [sflag:s21], $0x4000  }
0xa0: {  	[sflag:s21] =	ssyncset.done $0x0  }
0xa1: {  	s25 =	sshra.s32 s25, $0x2;
	[sflag:s21] =	ssyncadd.s32 $0xFFFFC000  }
0xa2: {  	v0 =	vld [tilespmem:s25+$0xFFFFFF10];
	_ =	sdelay $0x4  }
0xa3: {  	v1 =	vand.u32 $0xFFFF, v0;
	v0 =	vshrl.u32 v0, $0x10  }
0xa4: {  	[tilespmem:$0x2800] =	vst v1  }
0xa5: {  	[tilespmem:$0x2900] =	vst v0  }
0xa6: {  	v0 =	vld [tilespmem:s25+$0xFFFFFF20];
	_ =	sdelay $0x4  }
0xa7: {  	v1 =	vand.u32 $0xFFFF, v0;
	v0 =	vshrl.u32 v0, $0x10  }
0xa8: {  	[tilespmem:$0x2810] =	vst v1  }
0xa9: {  	[tilespmem:$0x2910] =	vst v0  }
0xaa: {  	v0 =	vld [tilespmem:s25+$0xFFFFFF30];
	_ =	sdelay $0x4  }
0xab: {  	v1 =	vand.u32 $0xFFFF, v0;
	v0 =	vshrl.u32 v0, $0x10  }
0xac: {  	[tilespmem:$0x2820] =	vst v1  }
0xad: {  	[tilespmem:$0x2920] =	vst v0  }
0xae: {  	v0 =	vld [tilespmem:s25+$0xFFFFFF40];
	_ =	sdelay $0x4  }
0xaf: {  	v1 =	vand.u32 $0xFFFF, v0;
	v0 =	vshrl.u32 v0, $0x10  }
0xb0: {  	[tilespmem:$0x2830] =	vst v1  }
0xb1: {  	[tilespmem:$0x2930] =	vst v0  }
0xb2: {  	v0 =	vld [tilespmem:s25+$0xFFFFFF50];
	_ =	sdelay $0x4  }
0xb3: {  	v1 =	vand.u32 $0xFFFF, v0;
	v0 =	vshrl.u32 v0, $0x10  }
0xb4: {  	[tilespmem:$0x2840] =	vst v1  }
0xb5: {  	[tilespmem:$0x2940] =	vst v0  }
0xb6: {  	v0 =	vld [tilespmem:s25+$0xFFFFFF60];
	_ =	sdelay $0x4  }
0xb7: {  	v1 =	vand.u32 $0xFFFF, v0;
	v0 =	vshrl.u32 v0, $0x10  }
0xb8: {  	[tilespmem:$0x2850] =	vst v1  }
0xb9: {  	[tilespmem:$0x2950] =	vst v0  }
0xba: {  	v0 =	vld [tilespmem:s25+$0xFFFFFF70];
	_ =	sdelay $0x4  }
0xbb: {  	v1 =	vand.u32 $0xFFFF, v0;
	v0 =	vshrl.u32 v0, $0x10  }
0xbc: {  	[tilespmem:$0x2860] =	vst v1  }
0xbd: {  	[tilespmem:$0x2960] =	vst v0  }
0xbe: {  	v0 =	vld [tilespmem:s25+$0xFFFFFF80];
	_ =	sdelay $0x4  }
0xbf: {  	v1 =	vand.u32 $0xFFFF, v0;
	v0 =	vshrl.u32 v0, $0x10  }
0xc0: {  	[tilespmem:$0x2870] =	vst v1  }
0xc1: {  	[tilespmem:$0x2970] =	vst v0  }
0xc2: {  	[tilespmem:s14], [sflag:$0x1] =	stream.indirect.gather [hbm4b:s4+s12], $0x80, s13, s12, $0xb8;
	[tilespmem:$0x1E600] =	vst v63  }
0xc3: {  	_ =	swait.ge [sflag:s22], $0x4000  }
0xc4: {  	[sflag:s22] =	ssyncset.done $0x0  }
0xc5: {  	[sflag:s22] =	ssyncadd.s32 $0xFFFFC000  }
0xc6: {  	v0 =	vld [tilespmem:s25+$0xFFFFFF90];
	_ =	sdelay $0x4  }
0xc7: {  	v1 =	vand.u32 $0xFFFF, v0;
	v0 =	vshrl.u32 v0, $0x10  }
0xc8: {  	[tilespmem:$0x2880] =	vst v1  }
0xc9: {  	[tilespmem:$0x2980] =	vst v0  }
0xca: {  	v0 =	vld [tilespmem:s25+$0xFFFFFFA0];
	_ =	sdelay $0x4  }
0xcb: {  	v1 =	vand.u32 $0xFFFF, v0;
	v0 =	vshrl.u32 v0, $0x10  }
0xcc: {  	[tilespmem:$0x2890] =	vst v1  }
0xcd: {  	[tilespmem:$0x2990] =	vst v0  }
0xce: {  	v0 =	vld [tilespmem:s25+$0xFFFFFFB0];
	_ =	sdelay $0x4  }
0xcf: {  	v1 =	vand.u32 $0xFFFF, v0;
	v0 =	vshrl.u32 v0, $0x10  }
0xd0: {  	[tilespmem:$0x28A0] =	vst v1  }
0xd1: {  	[tilespmem:$0x29A0] =	vst v0  }
0xd2: {  	v0 =	vld [tilespmem:s25+$0xFFFFFFC0];
	_ =	sdelay $0x4  }
0xd3: {  	v1 =	vand.u32 $0xFFFF, v0;
	v0 =	vshrl.u32 v0, $0x10  }
0xd4: {  	[tilespmem:$0x28B0] =	vst v1  }
0xd5: {  	[tilespmem:$0x29B0] =	vst v0  }
0xd6: {  	v0 =	vld [tilespmem:s25+$0xFFFFFFD0];
	_ =	sdelay $0x4  }
0xd7: {  	v1 =	vand.u32 $0xFFFF, v0;
	v0 =	vshrl.u32 v0, $0x10  }
0xd8: {  	[tilespmem:$0x28C0] =	vst v1  }
0xd9: {  	[tilespmem:$0x29C0] =	vst v0  }
0xda: {  	v0 =	vld [tilespmem:s25+$0xFFFFFFE0];
	_ =	sdelay $0x4  }
0xdb: {  	v1 =	vand.u32 $0xFFFF, v0;
	v0 =	vshrl.u32 v0, $0x10  }
0xdc: {  	[tilespmem:$0x28D0] =	vst v1  }
0xdd: {  	[tilespmem:$0x29D0] =	vst v0  }
0xde: {  	v0 =	vld [tilespmem:s25+$0xFFFFFFF0];
	_ =	sdelay $0x3  }
.Ltmp0:
0xdf: {  	(pc) =	sbr.rel @p0 .LBB2_2-.Ltmp0, $4  }
0xe0: {  	v1 =	vand.u32 $0xFFFF, v0;
	v0 =	vshrl.u32 v0, $0x10  }
0xe1: {  	[tilespmem:$0x28E0] =	vst v1  }
0xe2: {  	[tilespmem:$0x29E0] =	vst v0  }
0xe3: {  	v0 =	vld [tilespmem:s25+$0x0]  }
0xe4: {  	_ =	sdelay $0x3  }
0xe5: {  	v1 =	vand.u32 $0xFFFF, v0  }
0xe6: {  	v63 =	vshrl.u32 v0, $0x10;
	[tilespmem:$0x28F0] =	vst v1  }
0xe7: {  	[tilespmem:$0x29F0] =	vst v63  }
0xe8: {  	[tilespmem:s16], [sflag:$0x2] =	stream.indirect.gather [hbm4b:s4+s12], $0x80, s15, s12, $0xb8;
	[tilespmem:$0x1E600] =	vst v63  }
0xe9: {  	_ =	swait.ge [sflag:s17], $0x4000  }
0xea: {  	[sflag:s17] =	ssyncset.done $0x0  }
0xeb: {  	[sflag:s17] =	ssyncadd.s32 $0xFFFFC000  }
0xec: {  	[spmem:s2] =	stream.indirect.scatter.add.f32 [tilespmem:s14], [sflag:$0x3], $0x80, s18, s12, $0xb8;
	[tilespmem:$0x1E600] =	vst v63  }
0xed: {  	_ =	swait.ge [sflag:s19], $0x4000  }
0xee: {  	[sflag:s19] =	ssyncset.done $0x0  }
0xef: {  	[sflag:s19] =	ssyncadd.s32 $0xFFFFC000  }
0xf0: {  	[spmem:s2] =	stream.indirect.scatter.add.f32 [tilespmem:s16], [sflag:$0x4], $0x80, s20, s12, $0xb8;
	[tilespmem:$0x1E600] =	vst v63  }
0xf1: {  	_ =	swait.ge [sflag:s21], $0x4000  }
0xf2: {  	[sflag:s21] =	ssyncset.done $0x0  }
0xf3: {  	[sflag:s21] =	ssyncadd.s32 $0xFFFFC000  }
0xf4: {  	_ =	swait.ge [sflag:s22], $0x4000  }
0xf5: {  	s23 =	sadd.s32 $0x1, s23;
	[sflag:s22] =	ssyncset.done $0x0  }
0xf6: {  	p0 =	sne.s32 s23, s9;
	[sflag:s22] =	ssyncadd.s32 $0xFFFFC000  }
.Ltmp1:
0xf7: {  	[bflag:$0x0] =	sbarrier.arrive $0xFFFF;
	(pc) =	sbr.rel @p0 .LBB2_1-.Ltmp1, $4  }
0xf8: {  	[hbm:s8], [sflag:s6] =	dma.local [spmem:s10], $0x2780  }
0xf9: {  	_ =	swait.ge [sflag:s11], $0x2780  }
0xfa: {  	[sflag:s11] =	ssyncset.done $0x0  }
0xfb: {  	[sflag:s11] =	ssyncadd.s32 $0xFFFFD880  }
0xfc: {  	_ =	sfence.sel $0x180000  }
0xfd: {  	[bflag:$0x0] =	sbarrier.arrive $0xFFFF  }
0xfe: {  	p0 =	sne.s32 s0, $0x0;
	_ =	strace $0x9000004A  }
0xff: {  	s0 =	sadd.s32 @!p0 $0x100000, s1;
	[bflag:$0x2] =	sbarrier.arrive $0xFFFF  }
0x100: {  	[sflag:s0] =	ssyncadd.tile.s32 @!p0 $0x1;
	_ =	shalt  }
.Lfunc_end2:
_tile_overlayer_lowered:
.L_overlay_start_2:
0x101: {  	(tag) =	ssettag $0x2  }
0x102: {  	s0 =	rddreg [dreg:$0x0];
	s2 =	stileid.u32  }
0x103: {  	s1 =	rddreg [dreg:$0x1];
	p0 =	sne.s32 s2, $0x0  }
0x104: {  	s3 =	rddreg [dreg:$0x2];
	[bflag:$0x3] =	sbarrier.arrive $0xFFFF;
	s2 =	simm.s32 @!p0 $0x1C05  }
0x105: {  	[timem:s3], [sflag:s2] =	dma.local @!p0 [hbm:s0], s1  }
0x106: {  	s0 =	simm.s32 @!p0 $0x5  }
0x107: {  	_ =	swait.ge @!p0 [sflag:s0], s1  }
0x108: {  	s1 =	ssub.s32 @!p0 $0x0, s1;
	[sflag:s0] =	ssyncset.done @!p0 $0x0  }
0x109: {  	[sflag:s0] =	ssyncadd.s32 @!p0 s1  }
0x10a: {  	[bflag:$0x3] =	sbarrier.arrive $0xFFFF  }
0x10b: {  	_ =	shalt  }

// kernel: kernel.8.cloned.1.call-start
scs
__scs_entry_jumppad:
0x0: {  	(pc) =	sbr.rel $0x88, $3  }
0x1: {  	(tag) =	ssettag $0x0;
	lr =	simm.s32 $0x1  }
0x2: {  	[smem:$0x3F87] =	sst lr;
	_ =	strace $0xD0000000  }
0x3: {  	_ = 	snop  }
0x4: {  	_ = 	snop  }
0x5: {  	_ = 	snop  }
0x6: {  	_ = 	snop  }
0x7: {  	_ = 	snop  }
__scs_overlays_trampoline_lowered:
0x8: {  	[smem:$0x3F96] =	sst s0  }
0x9: {  	[smem:$0x3F97] =	sst s1  }
0xa: {  	[smem:$0x3F98] =	sst s2  }
0xb: {  	[smem:$0x3F99] =	sst s3  }
0xc: {  	[smem:$0x3F9A] =	sst s4  }
0xd: {  	[smem:$0x3F9B] =	sst s5  }
0xe: {  	[smem:$0x3F9C] =	sst s6  }
0xf: {  	[smem:$0x3F9D] =	sst s7  }
0x10: {  	[smem:$0x3F9E] =	sst s8  }
0x11: {  	[smem:$0x3F9F] =	sst s9;
	s0 =	simm.s32 @!p0 $0x0  }
0x12: {  	s1 =	sld [smem:$0x3F85];
	s0 =	simm.s32 @p0 $0x1  }
0x13: {  	[smem:$0x3FA0] =	sst s0;
	s0 =	simm.s32 @!p1 $0x0  }
0x14: {  	s2 =	sld [smem:$0x3F84];
	s0 =	simm.s32 @p1 $0x1  }
0x15: {  	[smem:$0x3FA1] =	sst s0;
	s0 =	simm.s32 @!p2 $0x0  }
0x16: {  	s3 =	sld [smem:$0x3FDB];
	s0 =	simm.s32 @p2 $0x1  }
0x17: {  	s4 =	simm.s32 $0x1BF5;
	[smem:$0x3FA3] =	sst s0  }
0x18: {  	s0 =	sld [smem:$0x3F86];
	_ =	swait.ge [sflag:s4], $0x0  }
0x19: {  	s7 =	sld [smem:$0x3F87]  }
0x1a: {  	s8 =	sadd.s32 $0xFFFFE003, lr  }
0x1b: {  	s9 =	sadd.s32 $0xFFFFFEF7, lr;
	s5 =	simm.s32 $0xFFFFFFFF;
	p2 =	slt.u32 s8, $0xFFFFF086  }
0x1c: {  	p1 =	slt.u32 s9, $0xF7A;
	s5 =	simm.s32 @!p2 $0x0  }
0x1d: {  	s5 =	simm.s32 @p1 $0x1;
	p0 =	seq.s32 s7, s2  }
0x1e: {  	s7 =	smul.u32 @!p0 $0xF7A, s2;
	p2 =	seq.s32 @!p0 s5, $0x0  }
0x1f: {  	s9 =	smul.u32 $0xF7A, s1;
	s8 =	simm.s32 @!p0 $0x1BF5;
	p2 =	por !p2, p0  }
0x20: {  	[sflag:s8] =	ssyncset.s32 @!p0 $0xFFFFF086;
	s6 =	sadd.s32 @!p0 s3, s7;
	s7 =	simm.s32 @!p0 $0x108  }
0x21: {  	s3 =	sadd.s32 s3, s9;
	s6 =	sadd.s32 @!p0 $0x88, s6;
	s7 =	simm.s32 @p2 $0x1082  }
0x22: {  	[simem:s7], [sflag:s8] =	dma.local @!p0 [hbm:s6], $0xF7A  }
0x23: {  	s9 =	sor.u32 $0xD0000000, s2;
	s6 =	simm.s32 $0x108;
	_ =	swait.ge @!p0 [sflag:s8], $0x0  }
0x24: {  	s3 =	sadd.s32 $0x88, s3;
	s6 =	simm.s32 @!p1 $0x1082;
	[sflag:s4] =	ssyncset.s32 $0xFFFFF086  }
0x25: {  	[simem:s6], [sflag:s4] =	dma.local [hbm:s3], $0xF7A  }
0x26: {  	[smem:$0x3F87] =	sst s1;
	(tag) =	ssettag s2;
	_ =	strace s9  }
0x27: {  	s1 =	sld [smem:$0x3F97]  }
0x28: {  	s2 =	sld [smem:$0x3F98]  }
0x29: {  	s4 =	sld [smem:$0x3F9A]  }
0x2a: {  	p0 =	seq.s32 s5, $0x0;
	s5 =	sld [smem:$0x3F9B]  }
0x2b: {  	s6 =	sld [smem:$0x3F9C]  }
0x2c: {  	s7 =	sld [smem:$0x3F9D]  }
0x2d: {  	s3 =	simm.s32 $0x108;
	s8 =	sld [smem:$0x3F9E]  }
0x2e: {  	s3 =	simm.s32 @!p0 $0x1082;
	s9 =	sld [smem:$0x3F9F]  }
0x2f: {  	lr =	sadd.s32 s0, s3;
	s0 =	sld [smem:$0x3F96]  }
0x30: {  	s3 =	sld [smem:$0x3F99]  }
0x31: {  	[smem:$0x3FA2] =	sst s10  }
0x32: {  	s10 =	sld [smem:$0x3FA0];
	_ =	sdelay $0x3  }
0x33: {  	p0 =	seq.s32 s10, $0x1;
	s10 =	sld [smem:$0x3FA2];
	_ =	sdelay $0x3  }
0x34: {  	[smem:$0x3FA2] =	sst s10  }
0x35: {  	s10 =	sld [smem:$0x3FA1];
	_ =	sdelay $0x3  }
0x36: {  	p1 =	seq.s32 s10, $0x1;
	s10 =	sld [smem:$0x3FA2];
	_ =	sdelay $0x3  }
0x37: {  	[smem:$0x3FA2] =	sst s10  }
0x38: {  	s10 =	sld [smem:$0x3FA3]  }
0x39: {  	_ = 	snop;
	(pc) =	sbr.ind lr, $3  }
0x3a: {  	_ = 	snop  }
0x3b: {  	_ = 	snop  }
0x3c: {  	p2 =	seq.s32 s10, $0x1;
	s10 =	sld [smem:$0x3FA2]  }
0x3d: {  	_ =	shalt  }
0x3e: {  	_ =	shalt  }
0x3f: {  	_ =	shalt  }
0x40: {  	_ =	shalt  }
0x41: {  	_ =	shalt  }
0x42: {  	_ =	shalt  }
0x43: {  	_ =	shalt  }
0x44: {  	_ =	shalt  }
0x45: {  	_ =	shalt  }
0x46: {  	_ =	shalt  }
0x47: {  	_ =	shalt  }
0x48: {  	_ =	shalt  }
0x49: {  	_ =	shalt  }
0x4a: {  	_ =	shalt  }
0x4b: {  	_ =	shalt  }
0x4c: {  	_ =	shalt  }
0x4d: {  	_ =	shalt  }
0x4e: {  	_ =	shalt  }
0x4f: {  	_ =	shalt  }
0x50: {  	_ =	shalt  }
0x51: {  	_ =	shalt  }
0x52: {  	_ =	shalt  }
0x53: {  	_ =	shalt  }
0x54: {  	_ =	shalt  }
0x55: {  	_ =	shalt  }
0x56: {  	_ =	shalt  }
0x57: {  	_ =	shalt  }
0x58: {  	_ =	shalt  }
0x59: {  	_ =	shalt  }
0x5a: {  	_ =	shalt  }
0x5b: {  	_ =	shalt  }
0x5c: {  	_ =	shalt  }
0x5d: {  	_ =	shalt  }
0x5e: {  	_ =	shalt  }
0x5f: {  	_ =	shalt  }
0x60: {  	_ =	shalt  }
0x61: {  	_ =	shalt  }
0x62: {  	_ =	shalt  }
0x63: {  	_ =	shalt  }
0x64: {  	_ =	shalt  }
0x65: {  	_ =	shalt  }
0x66: {  	_ =	shalt  }
0x67: {  	_ =	shalt  }
0x68: {  	_ =	shalt  }
0x69: {  	_ =	shalt  }
0x6a: {  	_ =	shalt  }
0x6b: {  	_ =	shalt  }
0x6c: {  	_ =	shalt  }
0x6d: {  	_ =	shalt  }
0x6e: {  	_ =	shalt  }
0x6f: {  	_ =	shalt  }
0x70: {  	_ =	shalt  }
0x71: {  	_ =	shalt  }
0x72: {  	_ =	shalt  }
0x73: {  	_ =	shalt  }
0x74: {  	_ =	shalt  }
0x75: {  	_ =	shalt  }
0x76: {  	_ =	shalt  }
0x77: {  	_ =	shalt  }
0x78: {  	_ =	shalt  }
0x79: {  	_ =	shalt  }
0x7a: {  	_ =	shalt  }
0x7b: {  	_ =	shalt  }
0x7c: {  	_ =	shalt  }
0x7d: {  	_ =	shalt  }
0x7e: {  	_ =	shalt  }
0x7f: {  	_ =	shalt  }
0x80: {  	_ =	shalt  }
0x81: {  	_ =	shalt  }
0x82: {  	_ =	shalt  }
0x83: {  	_ =	shalt  }
0x84: {  	_ =	shalt  }
0x85: {  	_ =	shalt  }
0x86: {  	_ =	shalt  }
0x87: {  	_ =	shalt  }
.Lfunc_end0:
.L_simem_size_0:
called_computation_lowered:
.L_overlay_start_0:
0x88: {  	s2 =	sld [smem:$0x3FD9]  }
0x89: {  	s3 =	sld [smem:$0x3FFE];
	_ =	sdelay $0x1  }
0x8a: {  	s1 =	srdreg.scid  }
0x8b: {  	s0 =	sand.u32 $0x1, s1  }
0x8c: {  	s16 =	sshll.u32 s0, $0xA;
	s2 =	sadd.s32 s3, s2  }
0x8d: {  	s2 =	sadd.s32 s2, s16  }
0x8e: {  	[smem:$0x3FAE] =	sst s2  }
0x8f: {  	_ = 	snop  }
0x90: {  	(tm) =	ssettm $0x1  }
0x91: {  	s17 =	sld [smem:$0x3FFB];
	_ =	sdelay $0x3  }
0x92: {  	_ =	strace s17  }
0x93: {  	s2 =	sld [smem:$0x3FFC];
	_ =	sdelay $0x3  }
0x94: {  	_ =	strace s2  }
0x95: {  	s2 =	sld [smem:$0x3FFD];
	_ =	sdelay $0x3  }
0x96: {  	_ =	strace s2  }
0x97: {  	_ =	strace $0x8FFFFFFF  }
0x98: {  	s18 =	sld [smem:$0x3FDB];
	_ =	sdelay $0x1  }
0x99: {  	s19 =	simm.s32 $_scs_section_size  }
0x9a: {  	s4 =	simm.s32 $_size__tile_overlayer_lowered;
	s5 =	simm.s32 $_tile_overlayer_lowered  }
0x9b: {  	s22 =	simm.s32 $0x1BFF;
	s21 =	sshll.u32 s5, $0x1;
	s2 =	sadd.s32 s19, s18  }
0x9c: {  	s6 =	simm.s32 $0x0;
	s20 =	sshll.u32 s4, $0x1;
	s4 =	sadd.s32 s21, s2  }
0x9d: {  	[timem:s6], [sflag:s22] =	dma.local [hbm:s4], s20  }
0x9e: {  	_ =	swait.ge [sflag:s22], s20  }
0x9f: {  	s3 =	ssub.s32 $0x0, s20;
	[sflag:s22] =	ssyncset.done $0x0  }
0xa0: {  	[sflag:s22] =	ssyncadd.s32 s3;
	_ =	sdelay $0x1  }
0xa1: {  	s23 =	simm.s32 $0x1B8B  }
0xa2: {  	_ =	swait.ge [sflag:s23], $0x1  }
0xa3: {  	[sflag:s23] =	ssyncset.done $0x0  }
0xa4: {  	s25 =	simm.s32 $0x1B8E;
	s24 =	sld [smem:$0x3FFE];
	[sflag:s23] =	ssyncadd.s32 $0xFFFFFFFF  }
0xa5: {  	s26 =	simm.s32 $execute0_lowered;
	[smem:$0x3FD2] =	sst s25  }
0xa6: {  	s4 =	sshll.u32 s26, $0x1;
	_ =	strace $0x80000046;
	[dreg:$0x1] =	wrdreg $0xFFFFFFFF  }
0xa7: {  	s28 =	simm.s32 $_size_execute0_lowered;
	s2 =	sadd.s32 s2, s4;
	[dreg:$0x0] =	wrdreg $0x0  }
0xa8: {  	s4 =	sshll.u32 s28, $0x1;
	[dreg:$0x2] =	wrdreg s2  }
0xa9: {  	[dreg:$0x3] =	wrdreg s4  }
0xaa: {  	[dreg:$0x4] =	wrdreg $0xC0  }
0xab: {  	_ =	task [dreg:s6], $0x5FFFF  }
0xac: {  	[dreg:$0x1] =	wrdreg $0xFFFFFFFF  }
0xad: {  	[dreg:$0x0] =	wrdreg $0x60  }
0xae: {  	[dreg:$0x2] =	wrdreg s24  }
0xaf: {  	[dreg:$0x3] =	wrdreg $0xAA000  }
0xb0: {  	[dreg:$0x4] =	wrdreg $0x9  }
0xb1: {  	_ =	task.clear_ibuf [dreg:s6], $0x5FFFF;
	_ =	strace $0x90000046  }
0xb2: {  	s29 =	simm.s32 $0x9;
	_ =	strace $0x80000048  }
0xb3: {  	_ =	swait.ge [sflag:s29], $0x1  }
0xb4: {  	[sflag:s29] =	ssyncadd.s32 $0xFFFFFFFF  }
0xb5: {  	_ =	strace $0x90000048  }
0xb6: {  	_ =	sfence  }
0xb7: {  	s30 =	sld [smem:$0x0];
	_ =	sdelay $0x2  }
0xb8: {  	s31 =	sshll.u32 s1, $0xD;
	s1 =	sshrl.u32 s1, $0x2  }
0xb9: {  	s3 =	sand.u32 $0x4000, s31;
	s1 =	sadd.s32 s1, s30  }
0xba: {  	s0 =	sor.u32 s3, s0;
	s1 =	sshll.u32 s1, $0x11  }
0xbb: {  	s0 =	sor.u32 s1, s0  }
0xbc: {  	s0 =	sadd.s32 $0x8F2B, s0  }
0xbd: {  	[sflag:s0] =	ssyncadd.remote.s32 $0x1  }
0xbe: {  	_ =	sfence.sel $0xFFFF  }
0xbf: {  	[dreg:$0x0] =	wrdreg $0xFFFFFFFF;
	(pc) =	sbr.abs _section_cstart, $3  }
0xc0: {  	[dreg:$0x1] =	wrdreg $0xFFFFFFFF  }
0xc1: {  	_ =	task.clear_ibuf [dreg:s6], $0x2FFFF;
	_ =	strace $0x9FFFFFFF  }
0xc2: {  	(tm) =	ssettm $0x7FFFFFFF  }
0xc3: {  	_ =	shalt  }
tec
execute0_lowered:
.L_overlay_start_1:
0x0: {  	(tag) =	ssettag $0x1  }
0x1: {  	s1 =	srdreg.scid;
	s5 =	rddreg [dreg:$0x0]  }
0x2: {  	s0 =	stileid.u32;
	s2 =	rddreg [dreg:$0x1];
	s3 =	simm.s32 $0x0  }
0x3: {  	s13 =	simm.s32 $0x2800;
	s14 =	simm.s32 $0x2A00;
	s15 =	simm.s32 $0x2880  }
0x4: {  	s16 =	simm.s32 $0x6A00;
	s17 =	simm.s32 $0x1;
	s18 =	simm.s32 $0x2900  }
0x5: {  	s19 =	simm.s32 $0x2;
	s20 =	simm.s32 $0x2980;
	s21 =	simm.s32 $0x3  }
0x6: {  	s22 =	simm.s32 $0x4;
	s23 =	simm.s32 $0x0;
	s6 =	sand.u32 $0x1, s1  }
0x7: {  	s28 =	sshll.u32 s0, $0x1;
	s1 =	rddreg [dreg:$0x2];
	s8 =	smul.u32 $0x13C00, s0  }
0x8: {  	[smem:$0x7FF] =	sst s3;
	s29 =	smul.u32 $0x4F000, s0;
	s31 =	sshll.u32 s0, $0x6  }
0x9: {  	s4 =	sor.u32 s6, s28;
	_ =	strace $0x80000047;
	s9 =	smul.u32 $0x13C000, s6  }
0xa: {  	s6 =	ssub.s32 $0x2, s6;
	s7 =	smul.u32 $0x500, s4;
	s4 =	sadd.s32 $0xE000, s5  }
0xb: {  	s10 =	sshrl.u32 s8, $0x3;
	s11 =	sshrl.u32 s6, $0x1;
	s30 =	sshrl.u32 s29, $0x2  }
0xc: {  	s8 =	sadd.s32 s8, s9;
	s10 =	sadd.s32 s10, s5;
	s11 =	ssub.s32 s6, s11  }
0xd: {  	s12 =	sadd.s32 s30, s2;
	s6 =	sor.u32 $0x1C05, s31;
	s7 =	sadd.s32 s7, s5  }
0xe: {  	s8 =	sshrl.u32 s8, $0x3;
	s9 =	smax.u32 s11, $0x1;
	s11 =	simm.s32 $0x5  }
0xf: {  	s8 =	sadd.s32 s8, s5;
	s5 =	sadd.s32 $0x36000, s10;
	s7 =	sadd.s32 $0x4000, s7  }
0x10: {  	s10 =	sshrl.u32 s12, $0x3;
	s12 =	simm.s32 $0x80;
	s8 =	sadd.s32 $0x5D800, s8  }
.LBB2_1:
0x11: {  	[spmem:s10], [sflag:s6] =	dma.local [hbm:s5], $0x2780  }
0x12: {  	_ =	swait.ge [sflag:s11], $0x2780  }
0x13: {  	[sflag:s11] =	ssyncset.done $0x0  }
0x14: {  	[sflag:s11] =	ssyncadd.s32 $0xFFFFD880  }
0x15: {  	[tilespmem:s3], [sflag:$0x5] =	stream.linear.gather [hbm4b:s7+s3], $0x2800, $0x38;
	[tilespmem:$0x1E600] =	vst v63  }
0x16: {  	_ =	swait.ge [sflag:s11], $0x2800  }
0x17: {  	[sflag:s11] =	ssyncset.done $0x0  }
0x18: {  	[sflag:s11] =	ssyncadd.s32 $0xFFFFD800  }
0x19: {  	[bflag:$0x0] =	sbarrier.arrive $0xFFFF  }
0x1a: {  	v0 =	vld [tilespmem:$0x0];
	_ =	sdelay $0x1  }
0x1b: {  	v1 =	vld [tilespmem:$0x10];
	_ =	sdelay $0x1  }
0x1c: {  	v2 =	vld [tilespmem:$0x20]  }
0x1d: {  	v3 =	vand.u32 $0xFFFF, v0  }
0x1e: {  	v0 =	vshrl.u32 v0, $0x10;
	[tilespmem:$0x2800] =	vst v3;
	v3 =	vld [tilespmem:$0x30]  }
0x1f: {  	[tilespmem:$0x2900] =	vst v0;
	v0 =	vand.u32 $0xFFFF, v1  }
0x20: {  	[tilespmem:$0x2810] =	vst v0;
	v0 =	vshrl.u32 v1, $0x10;
	v1 =	vld [tilespmem:$0x40]  }
0x21: {  	[tilespmem:$0x2910] =	vst v0;
	v0 =	vand.u32 $0xFFFF, v2  }
0x22: {  	[tilespmem:$0x2820] =	vst v0;
	v0 =	vshrl.u32 v2, $0x10;
	v2 =	vld [tilespmem:$0x50]  }
0x23: {  	[tilespmem:$0x2920] =	vst v0;
	v0 =	vand.u32 $0xFFFF, v3  }
0x24: {  	[tilespmem:$0x2830] =	vst v0;
	v0 =	vshrl.u32 v3, $0x10;
	v3 =	vld [tilespmem:$0x60]  }
0x25: {  	[tilespmem:$0x2930] =	vst v0;
	v0 =	vand.u32 $0xFFFF, v1  }
0x26: {  	[tilespmem:$0x2840] =	vst v0;
	v0 =	vshrl.u32 v1, $0x10;
	v1 =	vld [tilespmem:$0x70]  }
0x27: {  	[tilespmem:$0x2940] =	vst v0;
	v0 =	vand.u32 $0xFFFF, v2  }
0x28: {  	[tilespmem:$0x2850] =	vst v0;
	v0 =	vshrl.u32 v2, $0x10  }
0x29: {  	[tilespmem:$0x2950] =	vst v0;
	v0 =	vand.u32 $0xFFFF, v3  }
0x2a: {  	[tilespmem:$0x2860] =	vst v0;
	v0 =	vshrl.u32 v3, $0x10  }
0x2b: {  	[tilespmem:$0x2960] =	vst v0;
	v0 =	vand.u32 $0xFFFF, v1  }
0x2c: {  	[tilespmem:$0x2870] =	vst v0;
	v0 =	vshrl.u32 v1, $0x10  }
0x2d: {  	[tilespmem:$0x2970] =	vst v0  }
0x2e: {  	[tilespmem:s14], [sflag:$0x1] =	stream.indirect.gather [hbm4b:s4+s12], $0x80, s13, s12, $0xb8;
	[tilespmem:$0x1E600] =	vst v63  }
0x2f: {  	v0 =	vld [tilespmem:$0x80];
	_ =	sdelay $0x1  }
0x30: {  	v1 =	vld [tilespmem:$0x90];
	_ =	sdelay $0x1  }
0x31: {  	v2 =	vld [tilespmem:$0xA0]  }
0x32: {  	v3 =	vand.u32 $0xFFFF, v0  }
0x33: {  	v0 =	vshrl.u32 v0, $0x10;
	[tilespmem:$0x2880] =	vst v3;
	v3 =	vld [tilespmem:$0xB0]  }
0x34: {  	[tilespmem:$0x2980] =	vst v0;
	v0 =	vand.u32 $0xFFFF, v1  }
0x35: {  	[tilespmem:$0x2890] =	vst v0;
	v0 =	vshrl.u32 v1, $0x10;
	v1 =	vld [tilespmem:$0xC0]  }
0x36: {  	[tilespmem:$0x2990] =	vst v0;
	v0 =	vand.u32 $0xFFFF, v2  }
0x37: {  	[tilespmem:$0x28A0] =	vst v0;
	v0 =	vshrl.u32 v2, $0x10;
	v2 =	vld [tilespmem:$0xD0]  }
0x38: {  	[tilespmem:$0x29A0] =	vst v0;
	v0 =	vand.u32 $0xFFFF, v3  }
0x39: {  	[tilespmem:$0x28B0] =	vst v0;
	v0 =	vshrl.u32 v3, $0x10;
	v3 =	vld [tilespmem:$0xE0]  }
0x3a: {  	[tilespmem:$0x29B0] =	vst v0;
	v0 =	vand.u32 $0xFFFF, v1  }
0x3b: {  	[tilespmem:$0x28C0] =	vst v0;
	v0 =	vshrl.u32 v1, $0x10;
	v1 =	vld [tilespmem:$0xF0]  }
0x3c: {  	[tilespmem:$0x29C0] =	vst v0;
	v0 =	vand.u32 $0xFFFF, v2  }
0x3d: {  	[tilespmem:$0x28D0] =	vst v0;
	v0 =	vshrl.u32 v2, $0x10  }
0x3e: {  	[tilespmem:$0x29D0] =	vst v0;
	v0 =	vand.u32 $0xFFFF, v3  }
0x3f: {  	[tilespmem:$0x28E0] =	vst v0;
	v0 =	vshrl.u32 v3, $0x10  }
0x40: {  	[tilespmem:$0x29E0] =	vst v0;
	v0 =	vand.u32 $0xFFFF, v1  }
0x41: {  	[tilespmem:$0x28F0] =	vst v0;
	v0 =	vshrl.u32 v1, $0x10  }
0x42: {  	[tilespmem:$0x29F0] =	vst v0  }
0x43: {  	[tilespmem:s16], [sflag:$0x2] =	stream.indirect.gather [hbm4b:s4+s12], $0x80, s15, s12, $0xb8;
	[tilespmem:$0x1E600] =	vst v63  }
0x44: {  	_ =	swait.ge [sflag:s17], $0x4000  }
0x45: {  	[sflag:s17] =	ssyncset.done $0x0  }
0x46: {  	[sflag:s17] =	ssyncadd.s32 $0xFFFFC000  }
0x47: {  	[spmem:s2] =	stream.indirect.scatter.add.f32 [tilespmem:s14], [sflag:$0x3], $0x80, s18, s12, $0xb8;
	[tilespmem:$0x1E600] =	vst v63  }
0x48: {  	_ =	swait.ge [sflag:s19], $0x4000  }
0x49: {  	[sflag:s19] =	ssyncset.done $0x0  }
0x4a: {  	[sflag:s19] =	ssyncadd.s32 $0xFFFFC000  }
0x4b: {  	[spmem:s2] =	stream.indirect.scatter.add.f32 [tilespmem:s16], [sflag:$0x4], $0x80, s20, s12, $0xb8;
	[tilespmem:$0x1E600] =	vst v63  }
0x4c: {  	_ =	swait.ge [sflag:s21], $0x4000  }
0x4d: {  	[sflag:s21] =	ssyncset.done $0x0  }
0x4e: {  	s25 =	simm.s32 $0x1F0;
	[sflag:s21] =	ssyncadd.s32 $0xFFFFC000  }
0x4f: {  	v0 =	vld [tilespmem:s25+$0xFFFFFF10];
	_ =	sdelay $0x4  }
0x50: {  	v1 =	vand.u32 $0xFFFF, v0  }
0x51: {  	v0 =	vshrl.u32 v0, $0x10;
	[tilespmem:$0x2800] =	vst v1  }
0x52: {  	[tilespmem:$0x2900] =	vst v0  }
0x53: {  	v0 =	vld [tilespmem:s25+$0xFFFFFF20];
	_ =	sdelay $0x4  }
0x54: {  	v1 =	vand.u32 $0xFFFF, v0  }
0x55: {  	v0 =	vshrl.u32 v0, $0x10;
	[tilespmem:$0x2810] =	vst v1  }
0x56: {  	[tilespmem:$0x2910] =	vst v0  }
0x57: {  	v0 =	vld [tilespmem:s25+$0xFFFFFF30];
	_ =	sdelay $0x4  }
0x58: {  	v1 =	vand.u32 $0xFFFF, v0  }
0x59: {  	v0 =	vshrl.u32 v0, $0x10;
	[tilespmem:$0x2820] =	vst v1  }
0x5a: {  	[tilespmem:$0x2920] =	vst v0  }
0x5b: {  	v0 =	vld [tilespmem:s25+$0xFFFFFF40];
	_ =	sdelay $0x4  }
0x5c: {  	v1 =	vand.u32 $0xFFFF, v0  }
0x5d: {  	v0 =	vshrl.u32 v0, $0x10;
	[tilespmem:$0x2830] =	vst v1  }
0x5e: {  	[tilespmem:$0x2930] =	vst v0  }
0x5f: {  	v0 =	vld [tilespmem:s25+$0xFFFFFF50];
	_ =	sdelay $0x4  }
0x60: {  	v1 =	vand.u32 $0xFFFF, v0  }
0x61: {  	v0 =	vshrl.u32 v0, $0x10;
	[tilespmem:$0x2840] =	vst v1  }
0x62: {  	[tilespmem:$0x2940] =	vst v0  }
0x63: {  	v0 =	vld [tilespmem:s25+$0xFFFFFF60];
	_ =	sdelay $0x4  }
0x64: {  	v1 =	vand.u32 $0xFFFF, v0  }
0x65: {  	v0 =	vshrl.u32 v0, $0x10;
	[tilespmem:$0x2850] =	vst v1  }
0x66: {  	[tilespmem:$0x2950] =	vst v0  }
0x67: {  	v0 =	vld [tilespmem:s25+$0xFFFFFF70];
	_ =	sdelay $0x4  }
0x68: {  	v1 =	vand.u32 $0xFFFF, v0  }
0x69: {  	v0 =	vshrl.u32 v0, $0x10;
	[tilespmem:$0x2860] =	vst v1  }
0x6a: {  	[tilespmem:$0x2960] =	vst v0  }
0x6b: {  	v0 =	vld [tilespmem:s25+$0xFFFFFF80];
	_ =	sdelay $0x4  }
0x6c: {  	v1 =	vand.u32 $0xFFFF, v0  }
0x6d: {  	v0 =	vshrl.u32 v0, $0x10;
	[tilespmem:$0x2870] =	vst v1  }
0x6e: {  	[tilespmem:$0x2970] =	vst v0  }
0x6f: {  	[tilespmem:s14], [sflag:$0x1] =	stream.indirect.gather [hbm4b:s4+s12], $0x80, s13, s12, $0xb8;
	[tilespmem:$0x1E600] =	vst v63  }
0x70: {  	_ =	swait.ge [sflag:s22], $0x4000  }
0x71: {  	[sflag:s22] =	ssyncset.done $0x0  }
0x72: {  	[sflag:s22] =	ssyncadd.s32 $0xFFFFC000  }
0x73: {  	v0 =	vld [tilespmem:s25+$0xFFFFFF90];
	_ =	sdelay $0x4  }
0x74: {  	v1 =	vand.u32 $0xFFFF, v0  }
0x75: {  	v0 =	vshrl.u32 v0, $0x10;
	[tilespmem:$0x2880] =	vst v1  }
0x76: {  	[tilespmem:$0x2980] =	vst v0  }
0x77: {  	v0 =	vld [tilespmem:s25+$0xFFFFFFA0];
	_ =	sdelay $0x4  }
0x78: {  	v1 =	vand.u32 $0xFFFF, v0  }
0x79: {  	v0 =	vshrl.u32 v0, $0x10;
	[tilespmem:$0x2890] =	vst v1  }
0x7a: {  	[tilespmem:$0x2990] =	vst v0  }
0x7b: {  	v0 =	vld [tilespmem:s25+$0xFFFFFFB0];
	_ =	sdelay $0x4  }
0x7c: {  	v1 =	vand.u32 $0xFFFF, v0  }
0x7d: {  	v0 =	vshrl.u32 v0, $0x10;
	[tilespmem:$0x28A0] =	vst v1  }
0x7e: {  	[tilespmem:$0x29A0] =	vst v0  }
0x7f: {  	v0 =	vld [tilespmem:s25+$0xFFFFFFC0];
	_ =	sdelay $0x4  }
0x80: {  	v1 =	vand.u32 $0xFFFF, v0  }
0x81: {  	v0 =	vshrl.u32 v0, $0x10;
	[tilespmem:$0x28B0] =	vst v1  }
0x82: {  	[tilespmem:$0x29B0] =	vst v0  }
0x83: {  	v0 =	vld [tilespmem:s25+$0xFFFFFFD0];
	_ =	sdelay $0x4  }
0x84: {  	v1 =	vand.u32 $0xFFFF, v0  }
0x85: {  	v0 =	vshrl.u32 v0, $0x10;
	[tilespmem:$0x28C0] =	vst v1  }
0x86: {  	[tilespmem:$0x29C0] =	vst v0  }
0x87: {  	v0 =	vld [tilespmem:s25+$0xFFFFFFE0];
	_ =	sdelay $0x4  }
0x88: {  	v1 =	vand.u32 $0xFFFF, v0  }
0x89: {  	v0 =	vshrl.u32 v0, $0x10;
	[tilespmem:$0x28D0] =	vst v1  }
0x8a: {  	[tilespmem:$0x29D0] =	vst v0  }
0x8b: {  	v0 =	vld [tilespmem:s25+$0xFFFFFFF0];
	_ =	sdelay $0x4  }
0x8c: {  	v1 =	vand.u32 $0xFFFF, v0  }
0x8d: {  	v0 =	vshrl.u32 v0, $0x10;
	[tilespmem:$0x28E0] =	vst v1  }
0x8e: {  	[tilespmem:$0x29E0] =	vst v0  }
0x8f: {  	s24 =	simm.s32 $0xBC0;
	v0 =	vld [tilespmem:s25+$0x0]  }
.LBB2_2:
0x90: {  	_ =	sdelay $0x1  }
0x91: {  	p0 =	sne.s32 s24, $0x9FC0;
	s25 =	smov.u32 s24;
	s24 =	sadd.s32 $0x400, s24  }
0x92: {  	_ = 	snop  }
0x93: {  	v1 =	vand.u32 $0xFFFF, v0;
	v0 =	vshrl.u32 v0, $0x10  }
0x94: {  	[tilespmem:$0x28F0] =	vst v1  }
0x95: {  	[tilespmem:$0x29F0] =	vst v0  }
0x96: {  	[tilespmem:s16], [sflag:$0x2] =	stream.indirect.gather [hbm4b:s4+s12], $0x80, s15, s12, $0xb8;
	[tilespmem:$0x1E600] =	vst v63  }
0x97: {  	_ =	swait.ge [sflag:s17], $0x4000  }
0x98: {  	[sflag:s17] =	ssyncset.done $0x0  }
0x99: {  	[sflag:s17] =	ssyncadd.s32 $0xFFFFC000  }
0x9a: {  	[spmem:s2] =	stream.indirect.scatter.add.f32 [tilespmem:s14], [sflag:$0x3], $0x80, s18, s12, $0xb8;
	[tilespmem:$0x1E600] =	vst v63  }
0x9b: {  	_ =	swait.ge [sflag:s19], $0x4000  }
0x9c: {  	[sflag:s19] =	ssyncset.done $0x0  }
0x9d: {  	[sflag:s19] =	ssyncadd.s32 $0xFFFFC000  }
0x9e: {  	[spmem:s2] =	stream.indirect.scatter.add.f32 [tilespmem:s16], [sflag:$0x4], $0x80, s20, s12, $0xb8;
	[tilespmem:$0x1E600] =	vst v63  }
0x9f: {  	_ =	swait.ge [sflag:s21], $0x4000  }
0xa0: {  	[sflag:s21] =	ssyncset.done $0x0  }
0xa1: {  	s25 =	sshra.s32 s25, $0x2;
	[sflag:s21] =	ssyncadd.s32 $0xFFFFC000  }
0xa2: {  	v0 =	vld [tilespmem:s25+$0xFFFFFF10];
	_ =	sdelay $0x4  }
0xa3: {  	v1 =	vand.u32 $0xFFFF, v0;
	v0 =	vshrl.u32 v0, $0x10  }
0xa4: {  	[tilespmem:$0x2800] =	vst v1  }
0xa5: {  	[tilespmem:$0x2900] =	vst v0  }
0xa6: {  	v0 =	vld [tilespmem:s25+$0xFFFFFF20];
	_ =	sdelay $0x4  }
0xa7: {  	v1 =	vand.u32 $0xFFFF, v0;
	v0 =	vshrl.u32 v0, $0x10  }
0xa8: {  	[tilespmem:$0x2810] =	vst v1  }
0xa9: {  	[tilespmem:$0x2910] =	vst v0  }
0xaa: {  	v0 =	vld [tilespmem:s25+$0xFFFFFF30];
	_ =	sdelay $0x4  }
0xab: {  	v1 =	vand.u32 $0xFFFF, v0;
	v0 =	vshrl.u32 v0, $0x10  }
0xac: {  	[tilespmem:$0x2820] =	vst v1  }
0xad: {  	[tilespmem:$0x2920] =	vst v0  }
0xae: {  	v0 =	vld [tilespmem:s25+$0xFFFFFF40];
	_ =	sdelay $0x4  }
0xaf: {  	v1 =	vand.u32 $0xFFFF, v0;
	v0 =	vshrl.u32 v0, $0x10  }
0xb0: {  	[tilespmem:$0x2830] =	vst v1  }
0xb1: {  	[tilespmem:$0x2930] =	vst v0  }
0xb2: {  	v0 =	vld [tilespmem:s25+$0xFFFFFF50];
	_ =	sdelay $0x4  }
0xb3: {  	v1 =	vand.u32 $0xFFFF, v0;
	v0 =	vshrl.u32 v0, $0x10  }
0xb4: {  	[tilespmem:$0x2840] =	vst v1  }
0xb5: {  	[tilespmem:$0x2940] =	vst v0  }
0xb6: {  	v0 =	vld [tilespmem:s25+$0xFFFFFF60];
	_ =	sdelay $0x4  }
0xb7: {  	v1 =	vand.u32 $0xFFFF, v0;
	v0 =	vshrl.u32 v0, $0x10  }
0xb8: {  	[tilespmem:$0x2850] =	vst v1  }
0xb9: {  	[tilespmem:$0x2950] =	vst v0  }
0xba: {  	v0 =	vld [tilespmem:s25+$0xFFFFFF70];
	_ =	sdelay $0x4  }
0xbb: {  	v1 =	vand.u32 $0xFFFF, v0;
	v0 =	vshrl.u32 v0, $0x10  }
0xbc: {  	[tilespmem:$0x2860] =	vst v1  }
0xbd: {  	[tilespmem:$0x2960] =	vst v0  }
0xbe: {  	v0 =	vld [tilespmem:s25+$0xFFFFFF80];
	_ =	sdelay $0x4  }
0xbf: {  	v1 =	vand.u32 $0xFFFF, v0;
	v0 =	vshrl.u32 v0, $0x10  }
0xc0: {  	[tilespmem:$0x2870] =	vst v1  }
0xc1: {  	[tilespmem:$0x2970] =	vst v0  }
0xc2: {  	[tilespmem:s14], [sflag:$0x1] =	stream.indirect.gather [hbm4b:s4+s12], $0x80, s13, s12, $0xb8;
	[tilespmem:$0x1E600] =	vst v63  }
0xc3: {  	_ =	swait.ge [sflag:s22], $0x4000  }
0xc4: {  	[sflag:s22] =	ssyncset.done $0x0  }
0xc5: {  	[sflag:s22] =	ssyncadd.s32 $0xFFFFC000  }
0xc6: {  	v0 =	vld [tilespmem:s25+$0xFFFFFF90];
	_ =	sdelay $0x4  }
0xc7: {  	v1 =	vand.u32 $0xFFFF, v0;
	v0 =	vshrl.u32 v0, $0x10  }
0xc8: {  	[tilespmem:$0x2880] =	vst v1  }
0xc9: {  	[tilespmem:$0x2980] =	vst v0  }
0xca: {  	v0 =	vld [tilespmem:s25+$0xFFFFFFA0];
	_ =	sdelay $0x4  }
0xcb: {  	v1 =	vand.u32 $0xFFFF, v0;
	v0 =	vshrl.u32 v0, $0x10  }
0xcc: {  	[tilespmem:$0x2890] =	vst v1  }
0xcd: {  	[tilespmem:$0x2990] =	vst v0  }
0xce: {  	v0 =	vld [tilespmem:s25+$0xFFFFFFB0];
	_ =	sdelay $0x4  }
0xcf: {  	v1 =	vand.u32 $0xFFFF, v0;
	v0 =	vshrl.u32 v0, $0x10  }
0xd0: {  	[tilespmem:$0x28A0] =	vst v1  }
0xd1: {  	[tilespmem:$0x29A0] =	vst v0  }
0xd2: {  	v0 =	vld [tilespmem:s25+$0xFFFFFFC0];
	_ =	sdelay $0x4  }
0xd3: {  	v1 =	vand.u32 $0xFFFF, v0;
	v0 =	vshrl.u32 v0, $0x10  }
0xd4: {  	[tilespmem:$0x28B0] =	vst v1  }
0xd5: {  	[tilespmem:$0x29B0] =	vst v0  }
0xd6: {  	v0 =	vld [tilespmem:s25+$0xFFFFFFD0];
	_ =	sdelay $0x4  }
0xd7: {  	v1 =	vand.u32 $0xFFFF, v0;
	v0 =	vshrl.u32 v0, $0x10  }
0xd8: {  	[tilespmem:$0x28C0] =	vst v1  }
0xd9: {  	[tilespmem:$0x29C0] =	vst v0  }
0xda: {  	v0 =	vld [tilespmem:s25+$0xFFFFFFE0];
	_ =	sdelay $0x4  }
0xdb: {  	v1 =	vand.u32 $0xFFFF, v0;
	v0 =	vshrl.u32 v0, $0x10  }
0xdc: {  	[tilespmem:$0x28D0] =	vst v1  }
0xdd: {  	[tilespmem:$0x29D0] =	vst v0  }
0xde: {  	v0 =	vld [tilespmem:s25+$0xFFFFFFF0];
	_ =	sdelay $0x3  }
.Ltmp0:
0xdf: {  	(pc) =	sbr.rel @p0 .LBB2_2-.Ltmp0, $4  }
0xe0: {  	v1 =	vand.u32 $0xFFFF, v0;
	v0 =	vshrl.u32 v0, $0x10  }
0xe1: {  	[tilespmem:$0x28E0] =	vst v1  }
0xe2: {  	[tilespmem:$0x29E0] =	vst v0  }
0xe3: {  	v0 =	vld [tilespmem:s25+$0x0]  }
0xe4: {  	_ =	sdelay $0x3  }
0xe5: {  	v1 =	vand.u32 $0xFFFF, v0  }
0xe6: {  	v63 =	vshrl.u32 v0, $0x10;
	[tilespmem:$0x28F0] =	vst v1  }
0xe7: {  	[tilespmem:$0x29F0] =	vst v63  }
0xe8: {  	[tilespmem:s16], [sflag:$0x2] =	stream.indirect.gather [hbm4b:s4+s12], $0x80, s15, s12, $0xb8;
	[tilespmem:$0x1E600] =	vst v63  }
0xe9: {  	_ =	swait.ge [sflag:s17], $0x4000  }
0xea: {  	[sflag:s17] =	ssyncset.done $0x0  }
0xeb: {  	[sflag:s17] =	ssyncadd.s32 $0xFFFFC000  }
0xec: {  	[spmem:s2] =	stream.indirect.scatter.add.f32 [tilespmem:s14], [sflag:$0x3], $0x80, s18, s12, $0xb8;
	[tilespmem:$0x1E600] =	vst v63  }
0xed: {  	_ =	swait.ge [sflag:s19], $0x4000  }
0xee: {  	[sflag:s19] =	ssyncset.done $0x0  }
0xef: {  	[sflag:s19] =	ssyncadd.s32 $0xFFFFC000  }
0xf0: {  	[spmem:s2] =	stream.indirect.scatter.add.f32 [tilespmem:s16], [sflag:$0x4], $0x80, s20, s12, $0xb8;
	[tilespmem:$0x1E600] =	vst v63  }
0xf1: {  	_ =	swait.ge [sflag:s21], $0x4000  }
0xf2: {  	[sflag:s21] =	ssyncset.done $0x0  }
0xf3: {  	[sflag:s21] =	ssyncadd.s32 $0xFFFFC000  }
0xf4: {  	_ =	swait.ge [sflag:s22], $0x4000  }
0xf5: {  	s23 =	sadd.s32 $0x1, s23;
	[sflag:s22] =	ssyncset.done $0x0  }
0xf6: {  	p0 =	sne.s32 s23, s9;
	[sflag:s22] =	ssyncadd.s32 $0xFFFFC000  }
.Ltmp1:
0xf7: {  	[bflag:$0x0] =	sbarrier.arrive $0xFFFF;
	(pc) =	sbr.rel @p0 .LBB2_1-.Ltmp1, $4  }
0xf8: {  	[hbm:s8], [sflag:s6] =	dma.local [spmem:s10], $0x2780  }
0xf9: {  	_ =	swait.ge [sflag:s11], $0x2780  }
0xfa: {  	[sflag:s11] =	ssyncset.done $0x0  }
0xfb: {  	[sflag:s11] =	ssyncadd.s32 $0xFFFFD880  }
0xfc: {  	_ =	sfence.sel $0x180000  }
0xfd: {  	[bflag:$0x0] =	sbarrier.arrive $0xFFFF  }
0xfe: {  	p0 =	sne.s32 s0, $0x0;
	_ =	strace $0x90000047  }
0xff: {  	s0 =	sadd.s32 @!p0 $0x100000, s1;
	[bflag:$0x2] =	sbarrier.arrive $0xFFFF  }
0x100: {  	[sflag:s0] =	ssyncadd.tile.s32 @!p0 $0x1;
	_ =	shalt  }
.Lfunc_end2:
_tile_overlayer_lowered:
.L_overlay_start_2:
0x101: {  	(tag) =	ssettag $0x2  }
0x102: {  	s0 =	rddreg [dreg:$0x0];
	s2 =	stileid.u32  }
0x103: {  	s1 =	rddreg [dreg:$0x1];
	p0 =	sne.s32 s2, $0x0  }
0x104: {  	s3 =	rddreg [dreg:$0x2];
	[bflag:$0x3] =	sbarrier.arrive $0xFFFF;
	s2 =	simm.s32 @!p0 $0x1C05  }
0x105: {  	[timem:s3], [sflag:s2] =	dma.local @!p0 [hbm:s0], s1  }
0x106: {  	s0 =	simm.s32 @!p0 $0x5  }
0x107: {  	_ =	swait.ge @!p0 [sflag:s0], s1  }
0x108: {  	s1 =	ssub.s32 @!p0 $0x0, s1;
	[sflag:s0] =	ssyncset.done @!p0 $0x0  }
0x109: {  	[sflag:s0] =	ssyncadd.s32 @!p0 s1  }
0x10a: {  	[bflag:$0x3] =	sbarrier.arrive $0xFFFF  }
0x10b: {  	_ =	shalt  }

</sc_bundles>
